<compile_context>
chip_gen: v7x
topology: tpu7x:2x2x1
jax: 0.10.2.dev20260603
libtpu: 0.0.44.dev20260713+nightly
codegen_flags: <defaults>
</compile_context>

<pallas_src>
import functools

import jax
import jax.numpy as jnp
from jax import lax
from jax.experimental import pallas as pl
from jax.experimental.pallas import tpu as pltpu
from jax.experimental.pallas import tpu_sc as plsc

_K = 8
_N = 512
_M = 65536
_CHUNK = 2048
_NCHUNK = _M // _CHUNK
_PAD = 128
_W = _PAD + _CHUNK
_INF = float("inf")
_BIGF = float(2**24)


def _topk_body(cobs_ref, cpt_ref, idx_out_ref, d_scr, i_scr):
    qx = cobs_ref[:, 0:1]
    qy = cobs_ref[:, 1:2]
    d_scr[:, 0:_PAD] = jnp.full((_N, _PAD), _INF, jnp.float32)
    i_scr[:, 0:_PAD] = jnp.full((_N, _PAD), _BIGF, jnp.float32)

    def chunk_step(c, carry):
        px = cpt_ref[0:1, pl.ds(c * _CHUNK, _CHUNK)]
        py = cpt_ref[1:2, pl.ds(c * _CHUNK, _CHUNK)]
        dx = qx - px
        dy = qy - py
        d_scr[:, _PAD:] = dx * dx + dy * dy
        i_scr[:, _PAD:] = (
            lax.broadcasted_iota(jnp.int32, (_N, _CHUNK), 1).astype(jnp.float32)
            + (c * _CHUNK).astype(jnp.float32)
        )
        wins_d = []
        wins_i = []
        for _ in range(_K):
            d = d_scr[...]
            ii = i_scr[...]
            m = jnp.min(d, axis=1, keepdims=True)
            sel = jnp.min(jnp.where(d == m, ii, _BIGF), axis=1, keepdims=True)
            d_scr[...] = jnp.where(ii == sel, _INF, d)
            wins_d.append(m)
            wins_i.append(sel)
        d_scr[:, 0:_K] = jnp.concatenate(wins_d, axis=1)
        i_scr[:, 0:_K] = jnp.concatenate(wins_i, axis=1)
        return carry

    lax.fori_loop(0, _NCHUNK, chunk_step, None)
    idx_out_ref[...] = i_scr[:, 0:_K].astype(jnp.int32)


def _topk_call(cobs, cpt, interpret=False):
    return pl.pallas_call(
        _topk_body,
        out_shape=jax.ShapeDtypeStruct((_N, _K), jnp.int32),
        scratch_shapes=[
            pltpu.VMEM((_N, _W), jnp.float32),
            pltpu.VMEM((_N, _W), jnp.float32),
        ],
        interpret=interpret,
    )(cobs, cpt)


_NW = 32
_RPW = 2048
_GCH = 128


def _sc_gather_body(pan_hbm, fidx_hbm, cpan_hbm, pan_out, cpan_out,
                    idx_v, rows_v, idx2_v, crows_v, sem):
    wid = lax.axis_index("s") * 2 + lax.axis_index("c")
    t = wid // 2
    half = wid % 2

    pltpu.sync_copy(fidx_hbm.at[pl.ds(half * 16, 16)], idx_v)
    off = t * _M
    for r in range(16):
        for l in range(_GCH // 16):
            sl = pl.ds(l * 16, 16)
            idx_v[r, sl] = idx_v[r, sl] + off
    copies = []
    for r in range(16):
        copies.append(
            pltpu.async_copy(
                pan_hbm.at[idx_v.at[r]], rows_v.at[pl.ds(r * _GCH, _GCH)], sem
            )
        )
    for cp in copies:
        cp.wait()
    pltpu.sync_copy(rows_v, pan_out.at[pl.ds(wid * _RPW, _RPW)])

    pltpu.sync_copy(fidx_hbm.at[pl.ds(wid, 1)], idx2_v)
    pltpu.async_copy(cpan_hbm.at[idx2_v.at[0]], crows_v, sem).wait()
    pltpu.sync_copy(crows_v, cpan_out.at[pl.ds(wid * _GCH, _GCH)])


_CPAD = 16


def _sc_gather(pan_flat, fidx, cpan):
    L = pan_flat.shape[1]
    kern = functools.partial(
        pl.kernel,
        mesh=plsc.VectorSubcoreMesh(core_axis_name="c", subcore_axis_name="s"),
        out_type=[
            jax.ShapeDtypeStruct((_NW * _RPW, L), jnp.float32),
            jax.ShapeDtypeStruct((_N * _K, _CPAD), jnp.float32),
        ],
        scratch_types=[
            pltpu.VMEM((16, _GCH), jnp.int32),
            pltpu.VMEM((_RPW, L), jnp.float32),
            pltpu.VMEM((1, _GCH), jnp.int32),
            pltpu.VMEM((_GCH, _CPAD), jnp.float32),
            pltpu.SemaphoreType.DMA,
        ],
        compiler_params=pltpu.CompilerParams(use_tc_tiling_on_sc=False),
    )(_sc_gather_body)
    return kern(pan_flat, fidx, cpan)


def kernel(obs_his, cobs, pan_fut, cpan):
    B, C, N, L = obs_his.shape
    pan_fut = pan_fut.reshape(B, C, -1, L)
    cpan_flat = cpan.reshape(-1, 2)
    cpt = cpan_flat.T.reshape(2, _M)

    idx = _topk_call(cobs, cpt)
    fidx = idx.reshape(_NW, _GCH)
    pan_flat = pan_fut.reshape(B * C * _M, L)
    cpan_pad = jnp.pad(cpan_flat, ((0, 0), (0, _CPAD - 2)))

    pan_rows, cpan_rows = _sc_gather(pan_flat, fidx, cpan_pad)
    pan_k = pan_rows.reshape(B, C, N, _K, L)
    cpan_k = cpan_rows[:, :2].reshape(N, _K, 2)
    return pan_k, cpan_k

# --- scband reference (transcript-rebuilt; emitter-appended) ---
"""Pipeline reference for scband-find-k-nearest-neighbors-23192823398853 (READ-ONLY COPY).

The authoritative reference and input builder live on the scoring server;
editing this copy changes nothing except your own understanding.
"""

import jax, jax.numpy as jnp
import numpy as np

K = 8

def setup_inputs(seed: int = 0) -> dict:
    key = jax.random.key(seed)
    k1, k2, k3, k4 = jax.random.split(key, 4)
    obs_his = jax.random.normal(k1, (2, 8, 512, 24), dtype=jnp.float32)
    cobs = jax.random.uniform(k2, (512, 2), dtype=jnp.float32)
    pan_fut = jax.random.normal(k3, (2, 8, 65536, 24), dtype=jnp.float32)
    cpan = jax.random.uniform(k4, (65536, 2), dtype=jnp.float32)
    return {"obs_his": obs_his, "cobs": cobs, "pan_fut": pan_fut, "cpan": cpan}

def reference(obs_his, cobs, pan_fut, cpan):
    # Mirrors find_k_nearest_neighbors.forward:
    # for each station n, find K nearest pan grid points (Euclidean, as in
    # sklearn NearestNeighbors ball_tree) and gather pan_fut features + coords.
    B, C, N, L = obs_his.shape
    pan_fut = pan_fut.reshape(B, C, -1, L)          # [B, C, M, L]
    cpan_flat = cpan.reshape(-1, 2)                  # [M, 2]
    # Squared Euclidean distances between every station and every grid point.
    # Ordering by squared distance == ordering by distance (monotonic).
    d2 = jnp.sum((cobs[:, None, :] - cpan_flat[None, :, :]) ** 2, axis=-1)  # [N, M]
    _, indices = jax.lax.top_k(-d2, K)               # [N, K], nearest-first like kneighbors
    flat_idx = indices.reshape(-1)                   # [N*K]
    # pan_fut[:, :, indices_pan, :] gathered per station then concatenated along dim=2
    pan_k = jnp.take(pan_fut, flat_idx, axis=2).reshape(B, C, N, K, L)
    # cpan_flat[indices] per station, concatenated along dim=0 -> [N, K, 2]
    cpan_k = jnp.take(cpan_flat, flat_idx, axis=0).reshape(N, K, 2)
    return pan_k, cpan_k

if __name__ == "__main__":
    import jax
    _d = setup_inputs()
    print(jax.jit(kernel)(*tuple(_d.values())))

</pallas_src>

<mosaic_0001>
#map = affine_map<(d0, d1) -> (0, 0)>
module attributes {stable_mosaic.version = 14 : i64} {
  func.func @_sc_gather_body(%arg0: i32, %arg1: i32, %arg2: memref<1048576x24xf32, #tpu.memory_space<hbm>>, %arg3: memref<32x128xi32, #tpu.memory_space<hbm>>, %arg4: memref<65536x16xf32, #tpu.memory_space<hbm>>, %arg5: memref<65536x24xf32, #tpu.memory_space<hbm>>, %arg6: memref<4096x16xf32, #tpu.memory_space<hbm>>, %arg7: memref<16x128xi32, #tpu.memory_space<vmem>>, %arg8: memref<2048x24xf32, #tpu.memory_space<vmem>>, %arg9: memref<1x128xi32, #tpu.memory_space<vmem>>, %arg10: memref<128x16xf32, #tpu.memory_space<vmem>>, %arg11: memref<!tpu.dma_semaphore, #tpu.memory_space<semaphore_mem>>) attributes {dimension_semantics = [#tpu.dimension_semantics<core_parallel>, #tpu.dimension_semantics<subcore_parallel>], iteration_bounds = array<i64: 2, 16>, scalar_prefetch = 0 : i64, scratch_operands = 5 : i64, tpu.core_type = #tpu.core_type<sc_vector_subcore>, window_params = [{transform_indices = #map}, {transform_indices = #map}, {transform_indices = #map}, {transform_indices = #map}, {transform_indices = #map}]} {
    %mul3A = arith.constant 2 : i32
    %mul3A_0 = arith.muli %arg1, %mul3A : i32
    %add3A = arith.addi %mul3A_0, %arg0 : i32
    %jit3A = arith.constant 2 : i32
    %div3A = arith.divsi %add3A, %jit3A : i32
    %sign3A = arith.constant 0 : i32
    %sign3A_1 = arith.cmpi sgt, %add3A, %sign3A : i32
    %sign3A_2 = arith.extui %sign3A_1 : i1 to i32
    %sign3A_3 = arith.constant 0 : i32
    %sign3A_4 = arith.cmpi slt, %add3A, %sign3A_3 : i32
    %sign3A_5 = arith.extui %sign3A_4 : i1 to i32
    %sign3A_6 = arith.subi %sign3A_2, %sign3A_5 : i32
    %sign3A_7 = arith.constant 0 : i32
    %sign3A_8 = arith.cmpi sgt, %jit3A, %sign3A_7 : i32
    %sign3A_9 = arith.extui %sign3A_8 : i1 to i32
    %sign3A_10 = arith.constant 0 : i32
    %sign3A_11 = arith.cmpi slt, %jit3A, %sign3A_10 : i32
    %sign3A_12 = arith.extui %sign3A_11 : i1 to i32
    %sign3A_13 = arith.subi %sign3A_9, %sign3A_12 : i32
    %ne3A = arith.cmpi ne, %sign3A_6, %sign3A_13 : i32
    %rem3A = arith.remsi %add3A, %jit3A : i32
    %ne3A_14 = arith.constant 0 : i32
    %ne3A_15 = arith.cmpi ne, %rem3A, %ne3A_14 : i32
    %and3A = arith.andi %ne3A, %ne3A_15 : i1
    %sub3A = arith.constant 1 : i32
    %sub3A_16 = arith.subi %div3A, %sub3A : i32
    %select_n3A = arith.select %and3A, %sub3A_16, %div3A : i32
    %jit3A_17 = arith.constant 2 : i32
    %eq3A = arith.constant 0 : i32
    %eq3A_18 = arith.cmpi eq, %jit3A_17, %eq3A : i32
    %jit3A_19 = arith.constant 1 : i32
    %select_n3A_20 = arith.select %eq3A_18, %jit3A_19, %jit3A_17 : i32
    %rem3A_21 = arith.remsi %add3A, %select_n3A_20 : i32
    %ne3A_22 = arith.constant 0 : i32
    %ne3A_23 = arith.cmpi ne, %rem3A_21, %ne3A_22 : i32
    %lt3A = arith.constant 0 : i32
    %lt3A_24 = arith.cmpi slt, %rem3A_21, %lt3A : i32
    %lt3A_25 = arith.constant 0 : i32
    %lt3A_26 = arith.cmpi slt, %select_n3A_20, %lt3A_25 : i32
    %ne3A_27 = arith.xori %lt3A_24, %lt3A_26 : i1
    %and3A_28 = arith.andi %ne3A_27, %ne3A_23 : i1
    %add3A_29 = arith.addi %rem3A_21, %select_n3A_20 : i32
    %select_n3A_30 = arith.select %and3A_28, %add3A_29, %rem3A_21 : i32
    %mul3A_31 = arith.constant 16 : i32
    %mul3A_32 = arith.muli %select_n3A_30, %mul3A_31 : i32
    "tpu.region"() ({
      %run_scoped3A = tpu.sem_alloc : memref<!tpu.dma_semaphore, #tpu.memory_space<semaphore_mem>>
      %dma_start3A_2033 = arith.constant 0 : i32
      %dma_start3A_2034 = tpu.memref_slice %arg3[%mul3A_32, %dma_start3A_2033] : memref<32x128xi32, #tpu.memory_space<hbm>> -> memref<16x128xi32, #tpu.memory_space<hbm>>
      %dma_start3A_2035 = arith.constant 0 : i32
      %dma_start3A_2036 = tpu.memref_slice %arg3[%mul3A_32, %dma_start3A_2035] : memref<32x128xi32, #tpu.memory_space<hbm>> -> memref<16x128xi32, #tpu.memory_space<hbm>>
      tpu.enqueue_dma source(%dma_start3A_2036 : memref<16x128xi32, #tpu.memory_space<hbm>>) target(%arg7 : memref<16x128xi32, #tpu.memory_space<vmem>>) target_semaphore(%run_scoped3A : memref<!tpu.dma_semaphore, #tpu.memory_space<semaphore_mem>>)
      %dma_wait3A_2037 = arith.constant 0 : i32
      %dma_wait3A_2038 = tpu.memref_slice %arg3[%mul3A_32, %dma_wait3A_2037] : memref<32x128xi32, #tpu.memory_space<hbm>> -> memref<16x128xi32, #tpu.memory_space<hbm>>
      %dma_wait3A_2039 = arith.constant 0 : i32
      %dma_wait3A_2040 = tpu.memref_slice %arg3[%mul3A_32, %dma_wait3A_2039] : memref<32x128xi32, #tpu.memory_space<hbm>> -> memref<16x128xi32, #tpu.memory_space<hbm>>
      tpu.wait_dma2 semaphore(%run_scoped3A : memref<!tpu.dma_semaphore, #tpu.memory_space<semaphore_mem>>) src(%dma_wait3A_2040 : memref<16x128xi32, #tpu.memory_space<hbm>>) dst(%arg7 : memref<16x128xi32, #tpu.memory_space<vmem>>)
      tpu.yield
    }) : () -> ()
    %mul3A_33 = arith.constant 65536 : i32
    %mul3A_34 = arith.muli %select_n3A, %mul3A_33 : i32
    %get3A = arith.constant 0 : i32
    %get3A_35 = arith.index_cast %get3A : i32 to index
    %get3A_36 = arith.constant 0 : index
    %get3A_37 = tpu.vector_load %arg7[%get3A_35, %get3A_36] {strides = array<i32>} : memref<16x128xi32, #tpu.memory_space<vmem>>, vector<1x16xi32>,
    %get3A_38 = vector.shape_cast %get3A_37 : vector<1x16xi32> to vector<16xi32>
    %add3A_39 = vector.broadcast %mul3A_34 : i32 to vector<16xi32>
    %add3A_40 = arith.addi %get3A_38, %add3A_39 : vector<16xi32>
    %swap3A = arith.constant 0 : i32
    %swap3A_41 = arith.index_cast %swap3A : i32 to index
    %swap3A_42 = arith.constant 0 : index
    %swap3A_43 = tpu.vector_load %arg7[%swap3A_41, %swap3A_42] {strides = array<i32>} : memref<16x128xi32, #tpu.memory_space<vmem>>, vector<1x16xi32>,
    %swap3A_44 = vector.shape_cast %swap3A_43 : vector<1x16xi32> to vector<16xi32>
    %swap3A_45 = vector.shape_cast %add3A_40 : vector<16xi32> to vector<1x16xi32>
    tpu.vector_store %arg7[%swap3A_41, %swap3A_42], %swap3A_45 {strides = array<i32>} : memref<16x128xi32, #tpu.memory_space<vmem>>, vector<1x16xi32>,
    %get3A_46 = arith.constant 0 : i32
    %get3A_47 = arith.index_cast %get3A_46 : i32 to index
    %get3A_48 = arith.constant 16 : index
    %get3A_49 = tpu.vector_load %arg7[%get3A_47, %get3A_48] {strides = array<i32>} : memref<16x128xi32, #tpu.memory_space<vmem>>, vector<1x16xi32>,
    %get3A_50 = vector.shape_cast %get3A_49 : vector<1x16xi32> to vector<16xi32>
    %add3A_51 = vector.broadcast %mul3A_34 : i32 to vector<16xi32>
    %add3A_52 = arith.addi %get3A_50, %add3A_51 : vector<16xi32>
    %swap3A_53 = arith.constant 0 : i32
    %swap3A_54 = arith.index_cast %swap3A_53 : i32 to index
    %swap3A_55 = arith.constant 16 : index
    %swap3A_56 = tpu.vector_load %arg7[%swap3A_54, %swap3A_55] {strides = array<i32>} : memref<16x128xi32, #tpu.memory_space<vmem>>, vector<1x16xi32>,
    %swap3A_57 = vector.shape_cast %swap3A_56 : vector<1x16xi32> to vector<16xi32>
    %swap3A_58 = vector.shape_cast %add3A_52 : vector<16xi32> to vector<1x16xi32>
    tpu.vector_store %arg7[%swap3A_54, %swap3A_55], %swap3A_58 {strides = array<i32>} : memref<16x128xi32, #tpu.memory_space<vmem>>, vector<1x16xi32>,
    %get3A_59 = arith.constant 0 : i32
    %get3A_60 = arith.index_cast %get3A_59 : i32 to index
    %get3A_61 = arith.constant 32 : index
    %get3A_62 = tpu.vector_load %arg7[%get3A_60, %get3A_61] {strides = array<i32>} : memref<16x128xi32, #tpu.memory_space<vmem>>, vector<1x16xi32>,
    %get3A_63 = vector.shape_cast %get3A_62 : vector<1x16xi32> to vector<16xi32>
    %add3A_64 = vector.broadcast %mul3A_34 : i32 to vector<16xi32>
    %add3A_65 = arith.addi %get3A_63, %add3A_64 : vector<16xi32>
    %swap3A_66 = arith.constant 0 : i32
    %swap3A_67 = arith.index_cast %swap3A_66 : i32 to index
    %swap3A_68 = arith.constant 32 : index
    %swap3A_69 = tpu.vector_load %arg7[%swap3A_67, %swap3A_68] {strides = array<i32>} : memref<16x128xi32, #tpu.memory_space<vmem>>, vector<1x16xi32>,
    %swap3A_70 = vector.shape_cast %swap3A_69 : vector<1x16xi32> to vector<16xi32>
    %swap3A_71 = vector.shape_cast %add3A_65 : vector<16xi32> to vector<1x16xi32>
    tpu.vector_store %arg7[%swap3A_67, %swap3A_68], %swap3A_71 {strides = array<i32>} : memref<16x128xi32, #tpu.memory_space<vmem>>, vector<1x16xi32>,
    %get3A_72 = arith.constant 0 : i32
    %get3A_73 = arith.index_cast %get3A_72 : i32 to index
    %get3A_74 = arith.constant 48 : index
    %get3A_75 = tpu.vector_load %arg7[%get3A_73, %get3A_74] {strides = array<i32>} : memref<16x128xi32, #tpu.memory_space<vmem>>, vector<1x16xi32>,
    %get3A_76 = vector.shape_cast %get3A_75 : vector<1x16xi32> to vector<16xi32>
    %add3A_77 = vector.broadcast %mul3A_34 : i32 to vector<16xi32>
    %add3A_78 = arith.addi %get3A_76, %add3A_77 : vector<16xi32>
    %swap3A_79 = arith.constant 0 : i32
    %swap3A_80 = arith.index_cast %swap3A_79 : i32 to index
    %swap3A_81 = arith.constant 48 : index
    %swap3A_82 = tpu.vector_load %arg7[%swap3A_80, %swap3A_81] {strides = array<i32>} : memref<16x128xi32, #tpu.memory_space<vmem>>, vector<1x16xi32>,
    %swap3A_83 = vector.shape_cast %swap3A_82 : vector<1x16xi32> to vector<16xi32>
    %swap3A_84 = vector.shape_cast %add3A_78 : vector<16xi32> to vector<1x16xi32>
    tpu.vector_store %arg7[%swap3A_80, %swap3A_81], %swap3A_84 {strides = array<i32>} : memref<16x128xi32, #tpu.memory_space<vmem>>, vector<1x16xi32>,
    %get3A_85 = arith.constant 0 : i32
    %get3A_86 = arith.index_cast %get3A_85 : i32 to index
    %get3A_87 = arith.constant 64 : index
    %get3A_88 = tpu.vector_load %arg7[%get3A_86, %get3A_87] {strides = array<i32>} : memref<16x128xi32, #tpu.memory_space<vmem>>, vector<1x16xi32>,
    %get3A_89 = vector.shape_cast %get3A_88 : vector<1x16xi32> to vector<16xi32>
    %add3A_90 = vector.broadcast %mul3A_34 : i32 to vector<16xi32>
    %add3A_91 = arith.addi %get3A_89, %add3A_90 : vector<16xi32>
    %swap3A_92 = arith.constant 0 : i32
    %swap3A_93 = arith.index_cast %swap3A_92 : i32 to index
    %swap3A_94 = arith.constant 64 : index
    %swap3A_95 = tpu.vector_load %arg7[%swap3A_93, %swap3A_94] {strides = array<i32>} : memref<16x128xi32, #tpu.memory_space<vmem>>, vector<1x16xi32>,
    %swap3A_96 = vector.shape_cast %swap3A_95 : vector<1x16xi32> to vector<16xi32>
    %swap3A_97 = vector.shape_cast %add3A_91 : vector<16xi32> to vector<1x16xi32>
    tpu.vector_store %arg7[%swap3A_93, %swap3A_94], %swap3A_97 {strides = array<i32>} : memref<16x128xi32, #tpu.memory_space<vmem>>, vector<1x16xi32>,
    %get3A_98 = arith.constant 0 : i32
    %get3A_99 = arith.index_cast %get3A_98 : i32 to index
    %get3A_100 = arith.constant 80 : index
    %get3A_101 = tpu.vector_load %arg7[%get3A_99, %get3A_100] {strides = array<i32>} : memref<16x128xi32, #tpu.memory_space<vmem>>, vector<1x16xi32>,
    %get3A_102 = vector.shape_cast %get3A_101 : vector<1x16xi32> to vector<16xi32>
    %add3A_103 = vector.broadcast %mul3A_34 : i32 to vector<16xi32>
    %add3A_104 = arith.addi %get3A_102, %add3A_103 : vector<16xi32>
    %swap3A_105 = arith.constant 0 : i32
    %swap3A_106 = arith.index_cast %swap3A_105 : i32 to index
    %swap3A_107 = arith.constant 80 : index
    %swap3A_108 = tpu.vector_load %arg7[%swap3A_106, %swap3A_107] {strides = array<i32>} : memref<16x128xi32, #tpu.memory_space<vmem>>, vector<1x16xi32>,
    %swap3A_109 = vector.shape_cast %swap3A_108 : vector<1x16xi32> to vector<16xi32>
    %swap3A_110 = vector.shape_cast %add3A_104 : vector<16xi32> to vector<1x16xi32>
    tpu.vector_store %arg7[%swap3A_106, %swap3A_107], %swap3A_110 {strides = array<i32>} : memref<16x128xi32, #tpu.memory_space<vmem>>, vector<1x16xi32>,
    %get3A_111 = arith.constant 0 : i32
    %get3A_112 = arith.index_cast %get3A_111 : i32 to index
    %get3A_113 = arith.constant 96 : index
    %get3A_114 = tpu.vector_load %arg7[%get3A_112, %get3A_113] {strides = array<i32>} : memref<16x128xi32, #tpu.memory_space<vmem>>, vector<1x16xi32>,
    %get3A_115 = vector.shape_cast %get3A_114 : vector<1x16xi32> to vector<16xi32>
    %add3A_116 = vector.broadcast %mul3A_34 : i32 to vector<16xi32>
    %add3A_117 = arith.addi %get3A_115, %add3A_116 : vector<16xi32>
    %swap3A_118 = arith.constant 0 : i32
    %swap3A_119 = arith.index_cast %swap3A_118 : i32 to index
    %swap3A_120 = arith.constant 96 : index
    %swap3A_121 = tpu.vector_load %arg7[%swap3A_119, %swap3A_120] {strides = array<i32>} : memref<16x128xi32, #tpu.memory_space<vmem>>, vector<1x16xi32>,
    %swap3A_122 = vector.shape_cast %swap3A_121 : vector<1x16xi32> to vector<16xi32>
    %swap3A_123 = vector.shape_cast %add3A_117 : vector<16xi32> to vector<1x16xi32>
    tpu.vector_store %arg7[%swap3A_119, %swap3A_120], %swap3A_123 {strides = array<i32>} : memref<16x128xi32, #tpu.memory_space<vmem>>, vector<1x16xi32>,
    %get3A_124 = arith.constant 0 : i32
    %get3A_125 = arith.index_cast %get3A_124 : i32 to index
    %get3A_126 = arith.constant 112 : index
    %get3A_127 = tpu.vector_load %arg7[%get3A_125, %get3A_126] {strides = array<i32>} : memref<16x128xi32, #tpu.memory_space<vmem>>, vector<1x16xi32>,
    %get3A_128 = vector.shape_cast %get3A_127 : vector<1x16xi32> to vector<16xi32>
    %add3A_129 = vector.broadcast %mul3A_34 : i32 to vector<16xi32>
    %add3A_130 = arith.addi %get3A_128, %add3A_129 : vector<16xi32>
    %swap3A_131 = arith.constant 0 : i32
    %swap3A_132 = arith.index_cast %swap3A_131 : i32 to index
    %swap3A_133 = arith.constant 112 : index
    %swap3A_134 = tpu.vector_load %arg7[%swap3A_132, %swap3A_133] {strides = array<i32>} : memref<16x128xi32, #tpu.memory_space<vmem>>, vector<1x16xi32>,
    %swap3A_135 = vector.shape_cast %swap3A_134 : vector<1x16xi32> to vector<16xi32>
    %swap3A_136 = vector.shape_cast %add3A_130 : vector<16xi32> to vector<1x16xi32>
    tpu.vector_store %arg7[%swap3A_132, %swap3A_133], %swap3A_136 {strides = array<i32>} : memref<16x128xi32, #tpu.memory_space<vmem>>, vector<1x16xi32>,
    %get3A_137 = arith.constant 1 : i32
    %get3A_138 = arith.index_cast %get3A_137 : i32 to index
    %get3A_139 = arith.constant 0 : index
    %get3A_140 = tpu.vector_load %arg7[%get3A_138, %get3A_139] {strides = array<i32>} : memref<16x128xi32, #tpu.memory_space<vmem>>, vector<1x16xi32>,
    %get3A_141 = vector.shape_cast %get3A_140 : vector<1x16xi32> to vector<16xi32>
    %add3A_142 = vector.broadcast %mul3A_34 : i32 to vector<16xi32>
    %add3A_143 = arith.addi %get3A_141, %add3A_142 : vector<16xi32>
    %swap3A_144 = arith.constant 1 : i32
    %swap3A_145 = arith.index_cast %swap3A_144 : i32 to index
    %swap3A_146 = arith.constant 0 : index
    %swap3A_147 = tpu.vector_load %arg7[%swap3A_145, %swap3A_146] {strides = array<i32>} : memref<16x128xi32, #tpu.memory_space<vmem>>, vector<1x16xi32>,
    %swap3A_148 = vector.shape_cast %swap3A_147 : vector<1x16xi32> to vector<16xi32>
    %swap3A_149 = vector.shape_cast %add3A_143 : vector<16xi32> to vector<1x16xi32>
    tpu.vector_store %arg7[%swap3A_145, %swap3A_146], %swap3A_149 {strides = array<i32>} : memref<16x128xi32, #tpu.memory_space<vmem>>, vector<1x16xi32>,
    %get3A_150 = arith.constant 1 : i32
    %get3A_151 = arith.index_cast %get3A_150 : i32 to index
    %get3A_152 = arith.constant 16 : index
    %get3A_153 = tpu.vector_load %arg7[%get3A_151, %get3A_152] {strides = array<i32>} : memref<16x128xi32, #tpu.memory_space<vmem>>, vector<1x16xi32>,
    %get3A_154 = vector.shape_cast %get3A_153 : vector<1x16xi32> to vector<16xi32>
    %add3A_155 = vector.broadcast %mul3A_34 : i32 to vector<16xi32>
    %add3A_156 = arith.addi %get3A_154, %add3A_155 : vector<16xi32>
    %swap3A_157 = arith.constant 1 : i32
    %swap3A_158 = arith.index_cast %swap3A_157 : i32 to index
    %swap3A_159 = arith.constant 16 : index
    %swap3A_160 = tpu.vector_load %arg7[%swap3A_158, %swap3A_159] {strides = array<i32>} : memref<16x128xi32, #tpu.memory_space<vmem>>, vector<1x16xi32>,
    %swap3A_161 = vector.shape_cast %swap3A_160 : vector<1x16xi32> to vector<16xi32>
    %swap3A_162 = vector.shape_cast %add3A_156 : vector<16xi32> to vector<1x16xi32>
    tpu.vector_store %arg7[%swap3A_158, %swap3A_159], %swap3A_162 {strides = array<i32>} : memref<16x128xi32, #tpu.memory_space<vmem>>, vector<1x16xi32>,
    %get3A_163 = arith.constant 1 : i32
    %get3A_164 = arith.index_cast %get3A_163 : i32 to index
    %get3A_165 = arith.constant 32 : index
    %get3A_166 = tpu.vector_load %arg7[%get3A_164, %get3A_165] {strides = array<i32>} : memref<16x128xi32, #tpu.memory_space<vmem>>, vector<1x16xi32>,
    %get3A_167 = vector.shape_cast %get3A_166 : vector<1x16xi32> to vector<16xi32>
    %add3A_168 = vector.broadcast %mul3A_34 : i32 to vector<16xi32>
    %add3A_169 = arith.addi %get3A_167, %add3A_168 : vector<16xi32>
    %swap3A_170 = arith.constant 1 : i32
    %swap3A_171 = arith.index_cast %swap3A_170 : i32 to index
    %swap3A_172 = arith.constant 32 : index
    %swap3A_173 = tpu.vector_load %arg7[%swap3A_171, %swap3A_172] {strides = array<i32>} : memref<16x128xi32, #tpu.memory_space<vmem>>, vector<1x16xi32>,
    %swap3A_174 = vector.shape_cast %swap3A_173 : vector<1x16xi32> to vector<16xi32>
    %swap3A_175 = vector.shape_cast %add3A_169 : vector<16xi32> to vector<1x16xi32>
    tpu.vector_store %arg7[%swap3A_171, %swap3A_172], %swap3A_175 {strides = array<i32>} : memref<16x128xi32, #tpu.memory_space<vmem>>, vector<1x16xi32>,
    %get3A_176 = arith.constant 1 : i32
    %get3A_177 = arith.index_cast %get3A_176 : i32 to index
    %get3A_178 = arith.constant 48 : index
    %get3A_179 = tpu.vector_load %arg7[%get3A_177, %get3A_178] {strides = array<i32>} : memref<16x128xi32, #tpu.memory_space<vmem>>, vector<1x16xi32>,
    %get3A_180 = vector.shape_cast %get3A_179 : vector<1x16xi32> to vector<16xi32>
    %add3A_181 = vector.broadcast %mul3A_34 : i32 to vector<16xi32>
    %add3A_182 = arith.addi %get3A_180, %add3A_181 : vector<16xi32>
    %swap3A_183 = arith.constant 1 : i32
    %swap3A_184 = arith.index_cast %swap3A_183 : i32 to index
    %swap3A_185 = arith.constant 48 : index
    %swap3A_186 = tpu.vector_load %arg7[%swap3A_184, %swap3A_185] {strides = array<i32>} : memref<16x128xi32, #tpu.memory_space<vmem>>, vector<1x16xi32>,
    %swap3A_187 = vector.shape_cast %swap3A_186 : vector<1x16xi32> to vector<16xi32>
    %swap3A_188 = vector.shape_cast %add3A_182 : vector<16xi32> to vector<1x16xi32>
    tpu.vector_store %arg7[%swap3A_184, %swap3A_185], %swap3A_188 {strides = array<i32>} : memref<16x128xi32, #tpu.memory_space<vmem>>, vector<1x16xi32>,
    %get3A_189 = arith.constant 1 : i32
    %get3A_190 = arith.index_cast %get3A_189 : i32 to index
    %get3A_191 = arith.constant 64 : index
    %get3A_192 = tpu.vector_load %arg7[%get3A_190, %get3A_191] {strides = array<i32>} : memref<16x128xi32, #tpu.memory_space<vmem>>, vector<1x16xi32>,
    %get3A_193 = vector.shape_cast %get3A_192 : vector<1x16xi32> to vector<16xi32>
    %add3A_194 = vector.broadcast %mul3A_34 : i32 to vector<16xi32>
    %add3A_195 = arith.addi %get3A_193, %add3A_194 : vector<16xi32>
    %swap3A_196 = arith.constant 1 : i32
    %swap3A_197 = arith.index_cast %swap3A_196 : i32 to index
    %swap3A_198 = arith.constant 64 : index
    %swap3A_199 = tpu.vector_load %arg7[%swap3A_197, %swap3A_198] {strides = array<i32>} : memref<16x128xi32, #tpu.memory_space<vmem>>, vector<1x16xi32>,
    %swap3A_200 = vector.shape_cast %swap3A_199 : vector<1x16xi32> to vector<16xi32>
    %swap3A_201 = vector.shape_cast %add3A_195 : vector<16xi32> to vector<1x16xi32>
    tpu.vector_store %arg7[%swap3A_197, %swap3A_198], %swap3A_201 {strides = array<i32>} : memref<16x128xi32, #tpu.memory_space<vmem>>, vector<1x16xi32>,
    %get3A_202 = arith.constant 1 : i32
    %get3A_203 = arith.index_cast %get3A_202 : i32 to index
    %get3A_204 = arith.constant 80 : index
    %get3A_205 = tpu.vector_load %arg7[%get3A_203, %get3A_204] {strides = array<i32>} : memref<16x128xi32, #tpu.memory_space<vmem>>, vector<1x16xi32>,
    %get3A_206 = vector.shape_cast %get3A_205 : vector<1x16xi32> to vector<16xi32>
    %add3A_207 = vector.broadcast %mul3A_34 : i32 to vector<16xi32>
    %add3A_208 = arith.addi %get3A_206, %add3A_207 : vector<16xi32>
    %swap3A_209 = arith.constant 1 : i32
    %swap3A_210 = arith.index_cast %swap3A_209 : i32 to index
    %swap3A_211 = arith.constant 80 : index
    %swap3A_212 = tpu.vector_load %arg7[%swap3A_210, %swap3A_211] {strides = array<i32>} : memref<16x128xi32, #tpu.memory_space<vmem>>, vector<1x16xi32>,
    %swap3A_213 = vector.shape_cast %swap3A_212 : vector<1x16xi32> to vector<16xi32>
    %swap3A_214 = vector.shape_cast %add3A_208 : vector<16xi32> to vector<1x16xi32>
    tpu.vector_store %arg7[%swap3A_210, %swap3A_211], %swap3A_214 {strides = array<i32>} : memref<16x128xi32, #tpu.memory_space<vmem>>, vector<1x16xi32>,
    %get3A_215 = arith.constant 1 : i32
    %get3A_216 = arith.index_cast %get3A_215 : i32 to index
    %get3A_217 = arith.constant 96 : index
    %get3A_218 = tpu.vector_load %arg7[%get3A_216, %get3A_217] {strides = array<i32>} : memref<16x128xi32, #tpu.memory_space<vmem>>, vector<1x16xi32>,
    %get3A_219 = vector.shape_cast %get3A_218 : vector<1x16xi32> to vector<16xi32>
    %add3A_220 = vector.broadcast %mul3A_34 : i32 to vector<16xi32>
    %add3A_221 = arith.addi %get3A_219, %add3A_220 : vector<16xi32>
    %swap3A_222 = arith.constant 1 : i32
    %swap3A_223 = arith.index_cast %swap3A_222 : i32 to index
    %swap3A_224 = arith.constant 96 : index
    %swap3A_225 = tpu.vector_load %arg7[%swap3A_223, %swap3A_224] {strides = array<i32>} : memref<16x128xi32, #tpu.memory_space<vmem>>, vector<1x16xi32>,
    %swap3A_226 = vector.shape_cast %swap3A_225 : vector<1x16xi32> to vector<16xi32>
    %swap3A_227 = vector.shape_cast %add3A_221 : vector<16xi32> to vector<1x16xi32>
    tpu.vector_store %arg7[%swap3A_223, %swap3A_224], %swap3A_227 {strides = array<i32>} : memref<16x128xi32, #tpu.memory_space<vmem>>, vector<1x16xi32>,
    %get3A_228 = arith.constant 1 : i32
    %get3A_229 = arith.index_cast %get3A_228 : i32 to index
    %get3A_230 = arith.constant 112 : index
    %get3A_231 = tpu.vector_load %arg7[%get3A_229, %get3A_230] {strides = array<i32>} : memref<16x128xi32, #tpu.memory_space<vmem>>, vector<1x16xi32>,
    %get3A_232 = vector.shape_cast %get3A_231 : vector<1x16xi32> to vector<16xi32>
    %add3A_233 = vector.broadcast %mul3A_34 : i32 to vector<16xi32>
    %add3A_234 = arith.addi %get3A_232, %add3A_233 : vector<16xi32>
    %swap3A_235 = arith.constant 1 : i32
    %swap3A_236 = arith.index_cast %swap3A_235 : i32 to index
    %swap3A_237 = arith.constant 112 : index
    %swap3A_238 = tpu.vector_load %arg7[%swap3A_236, %swap3A_237] {strides = array<i32>} : memref<16x128xi32, #tpu.memory_space<vmem>>, vector<1x16xi32>,
    %swap3A_239 = vector.shape_cast %swap3A_238 : vector<1x16xi32> to vector<16xi32>
    %swap3A_240 = vector.shape_cast %add3A_234 : vector<16xi32> to vector<1x16xi32>
    tpu.vector_store %arg7[%swap3A_236, %swap3A_237], %swap3A_240 {strides = array<i32>} : memref<16x128xi32, #tpu.memory_space<vmem>>, vector<1x16xi32>,
    %get3A_241 = arith.constant 2 : i32
    %get3A_242 = arith.index_cast %get3A_241 : i32 to index
    %get3A_243 = arith.constant 0 : index
    %get3A_244 = tpu.vector_load %arg7[%get3A_242, %get3A_243] {strides = array<i32>} : memref<16x128xi32, #tpu.memory_space<vmem>>, vector<1x16xi32>,
    %get3A_245 = vector.shape_cast %get3A_244 : vector<1x16xi32> to vector<16xi32>
    %add3A_246 = vector.broadcast %mul3A_34 : i32 to vector<16xi32>
    %add3A_247 = arith.addi %get3A_245, %add3A_246 : vector<16xi32>
    %swap3A_248 = arith.constant 2 : i32
    %swap3A_249 = arith.index_cast %swap3A_248 : i32 to index
    %swap3A_250 = arith.constant 0 : index
    %swap3A_251 = tpu.vector_load %arg7[%swap3A_249, %swap3A_250] {strides = array<i32>} : memref<16x128xi32, #tpu.memory_space<vmem>>, vector<1x16xi32>,
    %swap3A_252 = vector.shape_cast %swap3A_251 : vector<1x16xi32> to vector<16xi32>
    %swap3A_253 = vector.shape_cast %add3A_247 : vector<16xi32> to vector<1x16xi32>
    tpu.vector_store %arg7[%swap3A_249, %swap3A_250], %swap3A_253 {strides = array<i32>} : memref<16x128xi32, #tpu.memory_space<vmem>>, vector<1x16xi32>,
    %get3A_254 = arith.constant 2 : i32
    %get3A_255 = arith.index_cast %get3A_254 : i32 to index
    %get3A_256 = arith.constant 16 : index
    %get3A_257 = tpu.vector_load %arg7[%get3A_255, %get3A_256] {strides = array<i32>} : memref<16x128xi32, #tpu.memory_space<vmem>>, vector<1x16xi32>,
    %get3A_258 = vector.shape_cast %get3A_257 : vector<1x16xi32> to vector<16xi32>
    %add3A_259 = vector.broadcast %mul3A_34 : i32 to vector<16xi32>
    %add3A_260 = arith.addi %get3A_258, %add3A_259 : vector<16xi32>
    %swap3A_261 = arith.constant 2 : i32
    %swap3A_262 = arith.index_cast %swap3A_261 : i32 to index
    %swap3A_263 = arith.constant 16 : index
    %swap3A_264 = tpu.vector_load %arg7[%swap3A_262, %swap3A_263] {strides = array<i32>} : memref<16x128xi32, #tpu.memory_space<vmem>>, vector<1x16xi32>,
    %swap3A_265 = vector.shape_cast %swap3A_264 : vector<1x16xi32> to vector<16xi32>
    %swap3A_266 = vector.shape_cast %add3A_260 : vector<16xi32> to vector<1x16xi32>
    tpu.vector_store %arg7[%swap3A_262, %swap3A_263], %swap3A_266 {strides = array<i32>} : memref<16x128xi32, #tpu.memory_space<vmem>>, vector<1x16xi32>,
    %get3A_267 = arith.constant 2 : i32
    %get3A_268 = arith.index_cast %get3A_267 : i32 to index
    %get3A_269 = arith.constant 32 : index
    %get3A_270 = tpu.vector_load %arg7[%get3A_268, %get3A_269] {strides = array<i32>} : memref<16x128xi32, #tpu.memory_space<vmem>>, vector<1x16xi32>,
    %get3A_271 = vector.shape_cast %get3A_270 : vector<1x16xi32> to vector<16xi32>
    %add3A_272 = vector.broadcast %mul3A_34 : i32 to vector<16xi32>
    %add3A_273 = arith.addi %get3A_271, %add3A_272 : vector<16xi32>
    %swap3A_274 = arith.constant 2 : i32
    %swap3A_275 = arith.index_cast %swap3A_274 : i32 to index
    %swap3A_276 = arith.constant 32 : index
    %swap3A_277 = tpu.vector_load %arg7[%swap3A_275, %swap3A_276] {strides = array<i32>} : memref<16x128xi32, #tpu.memory_space<vmem>>, vector<1x16xi32>,
    %swap3A_278 = vector.shape_cast %swap3A_277 : vector<1x16xi32> to vector<16xi32>
    %swap3A_279 = vector.shape_cast %add3A_273 : vector<16xi32> to vector<1x16xi32>
    tpu.vector_store %arg7[%swap3A_275, %swap3A_276], %swap3A_279 {strides = array<i32>} : memref<16x128xi32, #tpu.memory_space<vmem>>, vector<1x16xi32>,
    %get3A_280 = arith.constant 2 : i32
    %get3A_281 = arith.index_cast %get3A_280 : i32 to index
    %get3A_282 = arith.constant 48 : index
    %get3A_283 = tpu.vector_load %arg7[%get3A_281, %get3A_282] {strides = array<i32>} : memref<16x128xi32, #tpu.memory_space<vmem>>, vector<1x16xi32>,
    %get3A_284 = vector.shape_cast %get3A_283 : vector<1x16xi32> to vector<16xi32>
    %add3A_285 = vector.broadcast %mul3A_34 : i32 to vector<16xi32>
    %add3A_286 = arith.addi %get3A_284, %add3A_285 : vector<16xi32>
    %swap3A_287 = arith.constant 2 : i32
    %swap3A_288 = arith.index_cast %swap3A_287 : i32 to index
    %swap3A_289 = arith.constant 48 : index
    %swap3A_290 = tpu.vector_load %arg7[%swap3A_288, %swap3A_289] {strides = array<i32>} : memref<16x128xi32, #tpu.memory_space<vmem>>, vector<1x16xi32>,
    %swap3A_291 = vector.shape_cast %swap3A_290 : vector<1x16xi32> to vector<16xi32>
    %swap3A_292 = vector.shape_cast %add3A_286 : vector<16xi32> to vector<1x16xi32>
    tpu.vector_store %arg7[%swap3A_288, %swap3A_289], %swap3A_292 {strides = array<i32>} : memref<16x128xi32, #tpu.memory_space<vmem>>, vector<1x16xi32>,
    %get3A_293 = arith.constant 2 : i32
    %get3A_294 = arith.index_cast %get3A_293 : i32 to index
    %get3A_295 = arith.constant 64 : index
    %get3A_296 = tpu.vector_load %arg7[%get3A_294, %get3A_295] {strides = array<i32>} : memref<16x128xi32, #tpu.memory_space<vmem>>, vector<1x16xi32>,
    %get3A_297 = vector.shape_cast %get3A_296 : vector<1x16xi32> to vector<16xi32>
    %add3A_298 = vector.broadcast %mul3A_34 : i32 to vector<16xi32>
    %add3A_299 = arith.addi %get3A_297, %add3A_298 : vector<16xi32>
    %swap3A_300 = arith.constant 2 : i32
    %swap3A_301 = arith.index_cast %swap3A_300 : i32 to index
    %swap3A_302 = arith.constant 64 : index
    %swap3A_303 = tpu.vector_load %arg7[%swap3A_301, %swap3A_302] {strides = array<i32>} : memref<16x128xi32, #tpu.memory_space<vmem>>, vector<1x16xi32>,
    %swap3A_304 = vector.shape_cast %swap3A_303 : vector<1x16xi32> to vector<16xi32>
    %swap3A_305 = vector.shape_cast %add3A_299 : vector<16xi32> to vector<1x16xi32>
    tpu.vector_store %arg7[%swap3A_301, %swap3A_302], %swap3A_305 {strides = array<i32>} : memref<16x128xi32, #tpu.memory_space<vmem>>, vector<1x16xi32>,
    %get3A_306 = arith.constant 2 : i32
    %get3A_307 = arith.index_cast %get3A_306 : i32 to index
    %get3A_308 = arith.constant 80 : index
    %get3A_309 = tpu.vector_load %arg7[%get3A_307, %get3A_308] {strides = array<i32>} : memref<16x128xi32, #tpu.memory_space<vmem>>, vector<1x16xi32>,
    %get3A_310 = vector.shape_cast %get3A_309 : vector<1x16xi32> to vector<16xi32>
    %add3A_311 = vector.broadcast %mul3A_34 : i32 to vector<16xi32>
    %add3A_312 = arith.addi %get3A_310, %add3A_311 : vector<16xi32>
    %swap3A_313 = arith.constant 2 : i32
    %swap3A_314 = arith.index_cast %swap3A_313 : i32 to index
    %swap3A_315 = arith.constant 80 : index
    %swap3A_316 = tpu.vector_load %arg7[%swap3A_314, %swap3A_315] {strides = array<i32>} : memref<16x128xi32, #tpu.memory_space<vmem>>, vector<1x16xi32>,
    %swap3A_317 = vector.shape_cast %swap3A_316 : vector<1x16xi32> to vector<16xi32>
    %swap3A_318 = vector.shape_cast %add3A_312 : vector<16xi32> to vector<1x16xi32>
    tpu.vector_store %arg7[%swap3A_314, %swap3A_315], %swap3A_318 {strides = array<i32>} : memref<16x128xi32, #tpu.memory_space<vmem>>, vector<1x16xi32>,
    %get3A_319 = arith.constant 2 : i32
    %get3A_320 = arith.index_cast %get3A_319 : i32 to index
    %get3A_321 = arith.constant 96 : index
    %get3A_322 = tpu.vector_load %arg7[%get3A_320, %get3A_321] {strides = array<i32>} : memref<16x128xi32, #tpu.memory_space<vmem>>, vector<1x16xi32>,
    %get3A_323 = vector.shape_cast %get3A_322 : vector<1x16xi32> to vector<16xi32>
    %add3A_324 = vector.broadcast %mul3A_34 : i32 to vector<16xi32>
    %add3A_325 = arith.addi %get3A_323, %add3A_324 : vector<16xi32>
    %swap3A_326 = arith.constant 2 : i32
    %swap3A_327 = arith.index_cast %swap3A_326 : i32 to index
    %swap3A_328 = arith.constant 96 : index
    %swap3A_329 = tpu.vector_load %arg7[%swap3A_327, %swap3A_328] {strides = array<i32>} : memref<16x128xi32, #tpu.memory_space<vmem>>, vector<1x16xi32>,
    %swap3A_330 = vector.shape_cast %swap3A_329 : vector<1x16xi32> to vector<16xi32>
    %swap3A_331 = vector.shape_cast %add3A_325 : vector<16xi32> to vector<1x16xi32>
    tpu.vector_store %arg7[%swap3A_327, %swap3A_328], %swap3A_331 {strides = array<i32>} : memref<16x128xi32, #tpu.memory_space<vmem>>, vector<1x16xi32>,
    %get3A_332 = arith.constant 2 : i32
    %get3A_333 = arith.index_cast %get3A_332 : i32 to index
    %get3A_334 = arith.constant 112 : index
    %get3A_335 = tpu.vector_load %arg7[%get3A_333, %get3A_334] {strides = array<i32>} : memref<16x128xi32, #tpu.memory_space<vmem>>, vector<1x16xi32>,
    %get3A_336 = vector.shape_cast %get3A_335 : vector<1x16xi32> to vector<16xi32>
    %add3A_337 = vector.broadcast %mul3A_34 : i32 to vector<16xi32>
    %add3A_338 = arith.addi %get3A_336, %add3A_337 : vector<16xi32>
    %swap3A_339 = arith.constant 2 : i32
    %swap3A_340 = arith.index_cast %swap3A_339 : i32 to index
    %swap3A_341 = arith.constant 112 : index
    %swap3A_342 = tpu.vector_load %arg7[%swap3A_340, %swap3A_341] {strides = array<i32>} : memref<16x128xi32, #tpu.memory_space<vmem>>, vector<1x16xi32>,
    %swap3A_343 = vector.shape_cast %swap3A_342 : vector<1x16xi32> to vector<16xi32>
    %swap3A_344 = vector.shape_cast %add3A_338 : vector<16xi32> to vector<1x16xi32>
    tpu.vector_store %arg7[%swap3A_340, %swap3A_341], %swap3A_344 {strides = array<i32>} : memref<16x128xi32, #tpu.memory_space<vmem>>, vector<1x16xi32>,
    %get3A_345 = arith.constant 3 : i32
    %get3A_346 = arith.index_cast %get3A_345 : i32 to index
    %get3A_347 = arith.constant 0 : index
    %get3A_348 = tpu.vector_load %arg7[%get3A_346, %get3A_347] {strides = array<i32>} : memref<16x128xi32, #tpu.memory_space<vmem>>, vector<1x16xi32>,
    %get3A_349 = vector.shape_cast %get3A_348 : vector<1x16xi32> to vector<16xi32>
    %add3A_350 = vector.broadcast %mul3A_34 : i32 to vector<16xi32>
    %add3A_351 = arith.addi %get3A_349, %add3A_350 : vector<16xi32>
    %swap3A_352 = arith.constant 3 : i32
    %swap3A_353 = arith.index_cast %swap3A_352 : i32 to index
    %swap3A_354 = arith.constant 0 : index
    %swap3A_355 = tpu.vector_load %arg7[%swap3A_353, %swap3A_354] {strides = array<i32>} : memref<16x128xi32, #tpu.memory_space<vmem>>, vector<1x16xi32>,
    %swap3A_356 = vector.shape_cast %swap3A_355 : vector<1x16xi32> to vector<16xi32>
    %swap3A_357 = vector.shape_cast %add3A_351 : vector<16xi32> to vector<1x16xi32>
    tpu.vector_store %arg7[%swap3A_353, %swap3A_354], %swap3A_357 {strides = array<i32>} : memref<16x128xi32, #tpu.memory_space<vmem>>, vector<1x16xi32>,
    %get3A_358 = arith.constant 3 : i32
    %get3A_359 = arith.index_cast %get3A_358 : i32 to index
    %get3A_360 = arith.constant 16 : index
    %get3A_361 = tpu.vector_load %arg7[%get3A_359, %get3A_360] {strides = array<i32>} : memref<16x128xi32, #tpu.memory_space<vmem>>, vector<1x16xi32>,
    %get3A_362 = vector.shape_cast %get3A_361 : vector<1x16xi32> to vector<16xi32>
    %add3A_363 = vector.broadcast %mul3A_34 : i32 to vector<16xi32>
    %add3A_364 = arith.addi %get3A_362, %add3A_363 : vector<16xi32>
    %swap3A_365 = arith.constant 3 : i32
    %swap3A_366 = arith.index_cast %swap3A_365 : i32 to index
    %swap3A_367 = arith.constant 16 : index
    %swap3A_368 = tpu.vector_load %arg7[%swap3A_366, %swap3A_367] {strides = array<i32>} : memref<16x128xi32, #tpu.memory_space<vmem>>, vector<1x16xi32>,
    %swap3A_369 = vector.shape_cast %swap3A_368 : vector<1x16xi32> to vector<16xi32>
    %swap3A_370 = vector.shape_cast %add3A_364 : vector<16xi32> to vector<1x16xi32>
    tpu.vector_store %arg7[%swap3A_366, %swap3A_367], %swap3A_370 {strides = array<i32>} : memref<16x128xi32, #tpu.memory_space<vmem>>, vector<1x16xi32>,
    %get3A_371 = arith.constant 3 : i32
    %get3A_372 = arith.index_cast %get3A_371 : i32 to index
    %get3A_373 = arith.constant 32 : index
    %get3A_374 = tpu.vector_load %arg7[%get3A_372, %get3A_373] {strides = array<i32>} : memref<16x128xi32, #tpu.memory_space<vmem>>, vector<1x16xi32>,
    %get3A_375 = vector.shape_cast %get3A_374 : vector<1x16xi32> to vector<16xi32>
    %add3A_376 = vector.broadcast %mul3A_34 : i32 to vector<16xi32>
    %add3A_377 = arith.addi %get3A_375, %add3A_376 : vector<16xi32>
    %swap3A_378 = arith.constant 3 : i32
    %swap3A_379 = arith.index_cast %swap3A_378 : i32 to index
    %swap3A_380 = arith.constant 32 : index
    %swap3A_381 = tpu.vector_load %arg7[%swap3A_379, %swap3A_380] {strides = array<i32>} : memref<16x128xi32, #tpu.memory_space<vmem>>, vector<1x16xi32>,
    %swap3A_382 = vector.shape_cast %swap3A_381 : vector<1x16xi32> to vector<16xi32>
    %swap3A_383 = vector.shape_cast %add3A_377 : vector<16xi32> to vector<1x16xi32>
    tpu.vector_store %arg7[%swap3A_379, %swap3A_380], %swap3A_383 {strides = array<i32>} : memref<16x128xi32, #tpu.memory_space<vmem>>, vector<1x16xi32>,
    %get3A_384 = arith.constant 3 : i32
    %get3A_385 = arith.index_cast %get3A_384 : i32 to index
    %get3A_386 = arith.constant 48 : index
    %get3A_387 = tpu.vector_load %arg7[%get3A_385, %get3A_386] {strides = array<i32>} : memref<16x128xi32, #tpu.memory_space<vmem>>, vector<1x16xi32>,
    %get3A_388 = vector.shape_cast %get3A_387 : vector<1x16xi32> to vector<16xi32>
    %add3A_389 = vector.broadcast %mul3A_34 : i32 to vector<16xi32>
    %add3A_390 = arith.addi %get3A_388, %add3A_389 : vector<16xi32>
    %swap3A_391 = arith.constant 3 : i32
    %swap3A_392 = arith.index_cast %swap3A_391 : i32 to index
    %swap3A_393 = arith.constant 48 : index
    %swap3A_394 = tpu.vector_load %arg7[%swap3A_392, %swap3A_393] {strides = array<i32>} : memref<16x128xi32, #tpu.memory_space<vmem>>, vector<1x16xi32>,
    %swap3A_395 = vector.shape_cast %swap3A_394 : vector<1x16xi32> to vector<16xi32>
    %swap3A_396 = vector.shape_cast %add3A_390 : vector<16xi32> to vector<1x16xi32>
    tpu.vector_store %arg7[%swap3A_392, %swap3A_393], %swap3A_396 {strides = array<i32>} : memref<16x128xi32, #tpu.memory_space<vmem>>, vector<1x16xi32>,
    %get3A_397 = arith.constant 3 : i32
    %get3A_398 = arith.index_cast %get3A_397 : i32 to index
    %get3A_399 = arith.constant 64 : index
    %get3A_400 = tpu.vector_load %arg7[%get3A_398, %get3A_399] {strides = array<i32>} : memref<16x128xi32, #tpu.memory_space<vmem>>, vector<1x16xi32>,
    %get3A_401 = vector.shape_cast %get3A_400 : vector<1x16xi32> to vector<16xi32>
    %add3A_402 = vector.broadcast %mul3A_34 : i32 to vector<16xi32>
    %add3A_403 = arith.addi %get3A_401, %add3A_402 : vector<16xi32>
    %swap3A_404 = arith.constant 3 : i32
    %swap3A_405 = arith.index_cast %swap3A_404 : i32 to index
    %swap3A_406 = arith.constant 64 : index
    %swap3A_407 = tpu.vector_load %arg7[%swap3A_405, %swap3A_406] {strides = array<i32>} : memref<16x128xi32, #tpu.memory_space<vmem>>, vector<1x16xi32>,
    %swap3A_408 = vector.shape_cast %swap3A_407 : vector<1x16xi32> to vector<16xi32>
    %swap3A_409 = vector.shape_cast %add3A_403 : vector<16xi32> to vector<1x16xi32>
    tpu.vector_store %arg7[%swap3A_405, %swap3A_406], %swap3A_409 {strides = array<i32>} : memref<16x128xi32, #tpu.memory_space<vmem>>, vector<1x16xi32>,
    %get3A_410 = arith.constant 3 : i32
    %get3A_411 = arith.index_cast %get3A_410 : i32 to index
    %get3A_412 = arith.constant 80 : index
    %get3A_413 = tpu.vector_load %arg7[%get3A_411, %get3A_412] {strides = array<i32>} : memref<16x128xi32, #tpu.memory_space<vmem>>, vector<1x16xi32>,
    %get3A_414 = vector.shape_cast %get3A_413 : vector<1x16xi32> to vector<16xi32>
    %add3A_415 = vector.broadcast %mul3A_34 : i32 to vector<16xi32>
    %add3A_416 = arith.addi %get3A_414, %add3A_415 : vector<16xi32>
    %swap3A_417 = arith.constant 3 : i32
    %swap3A_418 = arith.index_cast %swap3A_417 : i32 to index
    %swap3A_419 = arith.constant 80 : index
    %swap3A_420 = tpu.vector_load %arg7[%swap3A_418, %swap3A_419] {strides = array<i32>} : memref<16x128xi32, #tpu.memory_space<vmem>>, vector<1x16xi32>,
    %swap3A_421 = vector.shape_cast %swap3A_420 : vector<1x16xi32> to vector<16xi32>
    %swap3A_422 = vector.shape_cast %add3A_416 : vector<16xi32> to vector<1x16xi32>
    tpu.vector_store %arg7[%swap3A_418, %swap3A_419], %swap3A_422 {strides = array<i32>} : memref<16x128xi32, #tpu.memory_space<vmem>>, vector<1x16xi32>,
    %get3A_423 = arith.constant 3 : i32
    %get3A_424 = arith.index_cast %get3A_423 : i32 to index
    %get3A_425 = arith.constant 96 : index
    %get3A_426 = tpu.vector_load %arg7[%get3A_424, %get3A_425] {strides = array<i32>} : memref<16x128xi32, #tpu.memory_space<vmem>>, vector<1x16xi32>,
    %get3A_427 = vector.shape_cast %get3A_426 : vector<1x16xi32> to vector<16xi32>
    %add3A_428 = vector.broadcast %mul3A_34 : i32 to vector<16xi32>
    %add3A_429 = arith.addi %get3A_427, %add3A_428 : vector<16xi32>
    %swap3A_430 = arith.constant 3 : i32
    %swap3A_431 = arith.index_cast %swap3A_430 : i32 to index
    %swap3A_432 = arith.constant 96 : index
    %swap3A_433 = tpu.vector_load %arg7[%swap3A_431, %swap3A_432] {strides = array<i32>} : memref<16x128xi32, #tpu.memory_space<vmem>>, vector<1x16xi32>,
    %swap3A_434 = vector.shape_cast %swap3A_433 : vector<1x16xi32> to vector<16xi32>
    %swap3A_435 = vector.shape_cast %add3A_429 : vector<16xi32> to vector<1x16xi32>
    tpu.vector_store %arg7[%swap3A_431, %swap3A_432], %swap3A_435 {strides = array<i32>} : memref<16x128xi32, #tpu.memory_space<vmem>>, vector<1x16xi32>,
    %get3A_436 = arith.constant 3 : i32
    %get3A_437 = arith.index_cast %get3A_436 : i32 to index
    %get3A_438 = arith.constant 112 : index
    %get3A_439 = tpu.vector_load %arg7[%get3A_437, %get3A_438] {strides = array<i32>} : memref<16x128xi32, #tpu.memory_space<vmem>>, vector<1x16xi32>,
    %get3A_440 = vector.shape_cast %get3A_439 : vector<1x16xi32> to vector<16xi32>
    %add3A_441 = vector.broadcast %mul3A_34 : i32 to vector<16xi32>
    %add3A_442 = arith.addi %get3A_440, %add3A_441 : vector<16xi32>
    %swap3A_443 = arith.constant 3 : i32
    %swap3A_444 = arith.index_cast %swap3A_443 : i32 to index
    %swap3A_445 = arith.constant 112 : index
    %swap3A_446 = tpu.vector_load %arg7[%swap3A_444, %swap3A_445] {strides = array<i32>} : memref<16x128xi32, #tpu.memory_space<vmem>>, vector<1x16xi32>,
    %swap3A_447 = vector.shape_cast %swap3A_446 : vector<1x16xi32> to vector<16xi32>
    %swap3A_448 = vector.shape_cast %add3A_442 : vector<16xi32> to vector<1x16xi32>
    tpu.vector_store %arg7[%swap3A_444, %swap3A_445], %swap3A_448 {strides = array<i32>} : memref<16x128xi32, #tpu.memory_space<vmem>>, vector<1x16xi32>,
    %get3A_449 = arith.constant 4 : i32
    %get3A_450 = arith.index_cast %get3A_449 : i32 to index
    %get3A_451 = arith.constant 0 : index
    %get3A_452 = tpu.vector_load %arg7[%get3A_450, %get3A_451] {strides = array<i32>} : memref<16x128xi32, #tpu.memory_space<vmem>>, vector<1x16xi32>,
    %get3A_453 = vector.shape_cast %get3A_452 : vector<1x16xi32> to vector<16xi32>
    %add3A_454 = vector.broadcast %mul3A_34 : i32 to vector<16xi32>
    %add3A_455 = arith.addi %get3A_453, %add3A_454 : vector<16xi32>
    %swap3A_456 = arith.constant 4 : i32
    %swap3A_457 = arith.index_cast %swap3A_456 : i32 to index
    %swap3A_458 = arith.constant 0 : index
    %swap3A_459 = tpu.vector_load %arg7[%swap3A_457, %swap3A_458] {strides = array<i32>} : memref<16x128xi32, #tpu.memory_space<vmem>>, vector<1x16xi32>,
    %swap3A_460 = vector.shape_cast %swap3A_459 : vector<1x16xi32> to vector<16xi32>
    %swap3A_461 = vector.shape_cast %add3A_455 : vector<16xi32> to vector<1x16xi32>
    tpu.vector_store %arg7[%swap3A_457, %swap3A_458], %swap3A_461 {strides = array<i32>} : memref<16x128xi32, #tpu.memory_space<vmem>>, vector<1x16xi32>,
    %get3A_462 = arith.constant 4 : i32
    %get3A_463 = arith.index_cast %get3A_462 : i32 to index
    %get3A_464 = arith.constant 16 : index
    %get3A_465 = tpu.vector_load %arg7[%get3A_463, %get3A_464] {strides = array<i32>} : memref<16x128xi32, #tpu.memory_space<vmem>>, vector<1x16xi32>,
    %get3A_466 = vector.shape_cast %get3A_465 : vector<1x16xi32> to vector<16xi32>
    %add3A_467 = vector.broadcast %mul3A_34 : i32 to vector<16xi32>
    %add3A_468 = arith.addi %get3A_466, %add3A_467 : vector<16xi32>
    %swap3A_469 = arith.constant 4 : i32
    %swap3A_470 = arith.index_cast %swap3A_469 : i32 to index
    %swap3A_471 = arith.constant 16 : index
    %swap3A_472 = tpu.vector_load %arg7[%swap3A_470, %swap3A_471] {strides = array<i32>} : memref<16x128xi32, #tpu.memory_space<vmem>>, vector<1x16xi32>,
    %swap3A_473 = vector.shape_cast %swap3A_472 : vector<1x16xi32> to vector<16xi32>
    %swap3A_474 = vector.shape_cast %add3A_468 : vector<16xi32> to vector<1x16xi32>
    tpu.vector_store %arg7[%swap3A_470, %swap3A_471], %swap3A_474 {strides = array<i32>} : memref<16x128xi32, #tpu.memory_space<vmem>>, vector<1x16xi32>,
    %get3A_475 = arith.constant 4 : i32
    %get3A_476 = arith.index_cast %get3A_475 : i32 to index
    %get3A_477 = arith.constant 32 : index
    %get3A_478 = tpu.vector_load %arg7[%get3A_476, %get3A_477] {strides = array<i32>} : memref<16x128xi32, #tpu.memory_space<vmem>>, vector<1x16xi32>,
    %get3A_479 = vector.shape_cast %get3A_478 : vector<1x16xi32> to vector<16xi32>
    %add3A_480 = vector.broadcast %mul3A_34 : i32 to vector<16xi32>
    %add3A_481 = arith.addi %get3A_479, %add3A_480 : vector<16xi32>
    %swap3A_482 = arith.constant 4 : i32
    %swap3A_483 = arith.index_cast %swap3A_482 : i32 to index
    %swap3A_484 = arith.constant 32 : index
    %swap3A_485 = tpu.vector_load %arg7[%swap3A_483, %swap3A_484] {strides = array<i32>} : memref<16x128xi32, #tpu.memory_space<vmem>>, vector<1x16xi32>,
    %swap3A_486 = vector.shape_cast %swap3A_485 : vector<1x16xi32> to vector<16xi32>
    %swap3A_487 = vector.shape_cast %add3A_481 : vector<16xi32> to vector<1x16xi32>
    tpu.vector_store %arg7[%swap3A_483, %swap3A_484], %swap3A_487 {strides = array<i32>} : memref<16x128xi32, #tpu.memory_space<vmem>>, vector<1x16xi32>,
    %get3A_488 = arith.constant 4 : i32
    %get3A_489 = arith.index_cast %get3A_488 : i32 to index
    %get3A_490 = arith.constant 48 : index
    %get3A_491 = tpu.vector_load %arg7[%get3A_489, %get3A_490] {strides = array<i32>} : memref<16x128xi32, #tpu.memory_space<vmem>>, vector<1x16xi32>,
    %get3A_492 = vector.shape_cast %get3A_491 : vector<1x16xi32> to vector<16xi32>
    %add3A_493 = vector.broadcast %mul3A_34 : i32 to vector<16xi32>
    %add3A_494 = arith.addi %get3A_492, %add3A_493 : vector<16xi32>
    %swap3A_495 = arith.constant 4 : i32
    %swap3A_496 = arith.index_cast %swap3A_495 : i32 to index
    %swap3A_497 = arith.constant 48 : index
    %swap3A_498 = tpu.vector_load %arg7[%swap3A_496, %swap3A_497] {strides = array<i32>} : memref<16x128xi32, #tpu.memory_space<vmem>>, vector<1x16xi32>,
    %swap3A_499 = vector.shape_cast %swap3A_498 : vector<1x16xi32> to vector<16xi32>
    %swap3A_500 = vector.shape_cast %add3A_494 : vector<16xi32> to vector<1x16xi32>
    tpu.vector_store %arg7[%swap3A_496, %swap3A_497], %swap3A_500 {strides = array<i32>} : memref<16x128xi32, #tpu.memory_space<vmem>>, vector<1x16xi32>,
    %get3A_501 = arith.constant 4 : i32
    %get3A_502 = arith.index_cast %get3A_501 : i32 to index
    %get3A_503 = arith.constant 64 : index
    %get3A_504 = tpu.vector_load %arg7[%get3A_502, %get3A_503] {strides = array<i32>} : memref<16x128xi32, #tpu.memory_space<vmem>>, vector<1x16xi32>,
    %get3A_505 = vector.shape_cast %get3A_504 : vector<1x16xi32> to vector<16xi32>
    %add3A_506 = vector.broadcast %mul3A_34 : i32 to vector<16xi32>
    %add3A_507 = arith.addi %get3A_505, %add3A_506 : vector<16xi32>
    %swap3A_508 = arith.constant 4 : i32
    %swap3A_509 = arith.index_cast %swap3A_508 : i32 to index
    %swap3A_510 = arith.constant 64 : index
    %swap3A_511 = tpu.vector_load %arg7[%swap3A_509, %swap3A_510] {strides = array<i32>} : memref<16x128xi32, #tpu.memory_space<vmem>>, vector<1x16xi32>,
    %swap3A_512 = vector.shape_cast %swap3A_511 : vector<1x16xi32> to vector<16xi32>
    %swap3A_513 = vector.shape_cast %add3A_507 : vector<16xi32> to vector<1x16xi32>
    tpu.vector_store %arg7[%swap3A_509, %swap3A_510], %swap3A_513 {strides = array<i32>} : memref<16x128xi32, #tpu.memory_space<vmem>>, vector<1x16xi32>,
    %get3A_514 = arith.constant 4 : i32
    %get3A_515 = arith.index_cast %get3A_514 : i32 to index
    %get3A_516 = arith.constant 80 : index
    %get3A_517 = tpu.vector_load %arg7[%get3A_515, %get3A_516] {strides = array<i32>} : memref<16x128xi32, #tpu.memory_space<vmem>>, vector<1x16xi32>,
    %get3A_518 = vector.shape_cast %get3A_517 : vector<1x16xi32> to vector<16xi32>
    %add3A_519 = vector.broadcast %mul3A_34 : i32 to vector<16xi32>
    %add3A_520 = arith.addi %get3A_518, %add3A_519 : vector<16xi32>
    %swap3A_521 = arith.constant 4 : i32
    %swap3A_522 = arith.index_cast %swap3A_521 : i32 to index
    %swap3A_523 = arith.constant 80 : index
    %swap3A_524 = tpu.vector_load %arg7[%swap3A_522, %swap3A_523] {strides = array<i32>} : memref<16x128xi32, #tpu.memory_space<vmem>>, vector<1x16xi32>,
    %swap3A_525 = vector.shape_cast %swap3A_524 : vector<1x16xi32> to vector<16xi32>
    %swap3A_526 = vector.shape_cast %add3A_520 : vector<16xi32> to vector<1x16xi32>
    tpu.vector_store %arg7[%swap3A_522, %swap3A_523], %swap3A_526 {strides = array<i32>} : memref<16x128xi32, #tpu.memory_space<vmem>>, vector<1x16xi32>,
    %get3A_527 = arith.constant 4 : i32
    %get3A_528 = arith.index_cast %get3A_527 : i32 to index
    %get3A_529 = arith.constant 96 : index
    %get3A_530 = tpu.vector_load %arg7[%get3A_528, %get3A_529] {strides = array<i32>} : memref<16x128xi32, #tpu.memory_space<vmem>>, vector<1x16xi32>,
    %get3A_531 = vector.shape_cast %get3A_530 : vector<1x16xi32> to vector<16xi32>
    %add3A_532 = vector.broadcast %mul3A_34 : i32 to vector<16xi32>
    %add3A_533 = arith.addi %get3A_531, %add3A_532 : vector<16xi32>
    %swap3A_534 = arith.constant 4 : i32
    %swap3A_535 = arith.index_cast %swap3A_534 : i32 to index
    %swap3A_536 = arith.constant 96 : index
    %swap3A_537 = tpu.vector_load %arg7[%swap3A_535, %swap3A_536] {strides = array<i32>} : memref<16x128xi32, #tpu.memory_space<vmem>>, vector<1x16xi32>,
    %swap3A_538 = vector.shape_cast %swap3A_537 : vector<1x16xi32> to vector<16xi32>
    %swap3A_539 = vector.shape_cast %add3A_533 : vector<16xi32> to vector<1x16xi32>
    tpu.vector_store %arg7[%swap3A_535, %swap3A_536], %swap3A_539 {strides = array<i32>} : memref<16x128xi32, #tpu.memory_space<vmem>>, vector<1x16xi32>,
    %get3A_540 = arith.constant 4 : i32
    %get3A_541 = arith.index_cast %get3A_540 : i32 to index
    %get3A_542 = arith.constant 112 : index
    %get3A_543 = tpu.vector_load %arg7[%get3A_541, %get3A_542] {strides = array<i32>} : memref<16x128xi32, #tpu.memory_space<vmem>>, vector<1x16xi32>,
    %get3A_544 = vector.shape_cast %get3A_543 : vector<1x16xi32> to vector<16xi32>
    %add3A_545 = vector.broadcast %mul3A_34 : i32 to vector<16xi32>
    %add3A_546 = arith.addi %get3A_544, %add3A_545 : vector<16xi32>
    %swap3A_547 = arith.constant 4 : i32
    %swap3A_548 = arith.index_cast %swap3A_547 : i32 to index
    %swap3A_549 = arith.constant 112 : index
    %swap3A_550 = tpu.vector_load %arg7[%swap3A_548, %swap3A_549] {strides = array<i32>} : memref<16x128xi32, #tpu.memory_space<vmem>>, vector<1x16xi32>,
    %swap3A_551 = vector.shape_cast %swap3A_550 : vector<1x16xi32> to vector<16xi32>
    %swap3A_552 = vector.shape_cast %add3A_546 : vector<16xi32> to vector<1x16xi32>
    tpu.vector_store %arg7[%swap3A_548, %swap3A_549], %swap3A_552 {strides = array<i32>} : memref<16x128xi32, #tpu.memory_space<vmem>>, vector<1x16xi32>,
    %get3A_553 = arith.constant 5 : i32
    %get3A_554 = arith.index_cast %get3A_553 : i32 to index
    %get3A_555 = arith.constant 0 : index
    %get3A_556 = tpu.vector_load %arg7[%get3A_554, %get3A_555] {strides = array<i32>} : memref<16x128xi32, #tpu.memory_space<vmem>>, vector<1x16xi32>,
    %get3A_557 = vector.shape_cast %get3A_556 : vector<1x16xi32> to vector<16xi32>
    %add3A_558 = vector.broadcast %mul3A_34 : i32 to vector<16xi32>
    %add3A_559 = arith.addi %get3A_557, %add3A_558 : vector<16xi32>
    %swap3A_560 = arith.constant 5 : i32
    %swap3A_561 = arith.index_cast %swap3A_560 : i32 to index
    %swap3A_562 = arith.constant 0 : index
    %swap3A_563 = tpu.vector_load %arg7[%swap3A_561, %swap3A_562] {strides = array<i32>} : memref<16x128xi32, #tpu.memory_space<vmem>>, vector<1x16xi32>,
    %swap3A_564 = vector.shape_cast %swap3A_563 : vector<1x16xi32> to vector<16xi32>
    %swap3A_565 = vector.shape_cast %add3A_559 : vector<16xi32> to vector<1x16xi32>
    tpu.vector_store %arg7[%swap3A_561, %swap3A_562], %swap3A_565 {strides = array<i32>} : memref<16x128xi32, #tpu.memory_space<vmem>>, vector<1x16xi32>,
    %get3A_566 = arith.constant 5 : i32
    %get3A_567 = arith.index_cast %get3A_566 : i32 to index
    %get3A_568 = arith.constant 16 : index
    %get3A_569 = tpu.vector_load %arg7[%get3A_567, %get3A_568] {strides = array<i32>} : memref<16x128xi32, #tpu.memory_space<vmem>>, vector<1x16xi32>,
    %get3A_570 = vector.shape_cast %get3A_569 : vector<1x16xi32> to vector<16xi32>
    %add3A_571 = vector.broadcast %mul3A_34 : i32 to vector<16xi32>
    %add3A_572 = arith.addi %get3A_570, %add3A_571 : vector<16xi32>
    %swap3A_573 = arith.constant 5 : i32
    %swap3A_574 = arith.index_cast %swap3A_573 : i32 to index
    %swap3A_575 = arith.constant 16 : index
    %swap3A_576 = tpu.vector_load %arg7[%swap3A_574, %swap3A_575] {strides = array<i32>} : memref<16x128xi32, #tpu.memory_space<vmem>>, vector<1x16xi32>,
    %swap3A_577 = vector.shape_cast %swap3A_576 : vector<1x16xi32> to vector<16xi32>
    %swap3A_578 = vector.shape_cast %add3A_572 : vector<16xi32> to vector<1x16xi32>
    tpu.vector_store %arg7[%swap3A_574, %swap3A_575], %swap3A_578 {strides = array<i32>} : memref<16x128xi32, #tpu.memory_space<vmem>>, vector<1x16xi32>,
    %get3A_579 = arith.constant 5 : i32
    %get3A_580 = arith.index_cast %get3A_579 : i32 to index
    %get3A_581 = arith.constant 32 : index
    %get3A_582 = tpu.vector_load %arg7[%get3A_580, %get3A_581] {strides = array<i32>} : memref<16x128xi32, #tpu.memory_space<vmem>>, vector<1x16xi32>,
    %get3A_583 = vector.shape_cast %get3A_582 : vector<1x16xi32> to vector<16xi32>
    %add3A_584 = vector.broadcast %mul3A_34 : i32 to vector<16xi32>
    %add3A_585 = arith.addi %get3A_583, %add3A_584 : vector<16xi32>
    %swap3A_586 = arith.constant 5 : i32
    %swap3A_587 = arith.index_cast %swap3A_586 : i32 to index
    %swap3A_588 = arith.constant 32 : index
    %swap3A_589 = tpu.vector_load %arg7[%swap3A_587, %swap3A_588] {strides = array<i32>} : memref<16x128xi32, #tpu.memory_space<vmem>>, vector<1x16xi32>,
    %swap3A_590 = vector.shape_cast %swap3A_589 : vector<1x16xi32> to vector<16xi32>
    %swap3A_591 = vector.shape_cast %add3A_585 : vector<16xi32> to vector<1x16xi32>
    tpu.vector_store %arg7[%swap3A_587, %swap3A_588], %swap3A_591 {strides = array<i32>} : memref<16x128xi32, #tpu.memory_space<vmem>>, vector<1x16xi32>,
    %get3A_592 = arith.constant 5 : i32
    %get3A_593 = arith.index_cast %get3A_592 : i32 to index
    %get3A_594 = arith.constant 48 : index
    %get3A_595 = tpu.vector_load %arg7[%get3A_593, %get3A_594] {strides = array<i32>} : memref<16x128xi32, #tpu.memory_space<vmem>>, vector<1x16xi32>,
    %get3A_596 = vector.shape_cast %get3A_595 : vector<1x16xi32> to vector<16xi32>
    %add3A_597 = vector.broadcast %mul3A_34 : i32 to vector<16xi32>
    %add3A_598 = arith.addi %get3A_596, %add3A_597 : vector<16xi32>
    %swap3A_599 = arith.constant 5 : i32
    %swap3A_600 = arith.index_cast %swap3A_599 : i32 to index
    %swap3A_601 = arith.constant 48 : index
    %swap3A_602 = tpu.vector_load %arg7[%swap3A_600, %swap3A_601] {strides = array<i32>} : memref<16x128xi32, #tpu.memory_space<vmem>>, vector<1x16xi32>,
    %swap3A_603 = vector.shape_cast %swap3A_602 : vector<1x16xi32> to vector<16xi32>
    %swap3A_604 = vector.shape_cast %add3A_598 : vector<16xi32> to vector<1x16xi32>
    tpu.vector_store %arg7[%swap3A_600, %swap3A_601], %swap3A_604 {strides = array<i32>} : memref<16x128xi32, #tpu.memory_space<vmem>>, vector<1x16xi32>,
    %get3A_605 = arith.constant 5 : i32
    %get3A_606 = arith.index_cast %get3A_605 : i32 to index
    %get3A_607 = arith.constant 64 : index
    %get3A_608 = tpu.vector_load %arg7[%get3A_606, %get3A_607] {strides = array<i32>} : memref<16x128xi32, #tpu.memory_space<vmem>>, vector<1x16xi32>,
    %get3A_609 = vector.shape_cast %get3A_608 : vector<1x16xi32> to vector<16xi32>
    %add3A_610 = vector.broadcast %mul3A_34 : i32 to vector<16xi32>
    %add3A_611 = arith.addi %get3A_609, %add3A_610 : vector<16xi32>
    %swap3A_612 = arith.constant 5 : i32
    %swap3A_613 = arith.index_cast %swap3A_612 : i32 to index
    %swap3A_614 = arith.constant 64 : index
    %swap3A_615 = tpu.vector_load %arg7[%swap3A_613, %swap3A_614] {strides = array<i32>} : memref<16x128xi32, #tpu.memory_space<vmem>>, vector<1x16xi32>,
    %swap3A_616 = vector.shape_cast %swap3A_615 : vector<1x16xi32> to vector<16xi32>
    %swap3A_617 = vector.shape_cast %add3A_611 : vector<16xi32> to vector<1x16xi32>
    tpu.vector_store %arg7[%swap3A_613, %swap3A_614], %swap3A_617 {strides = array<i32>} : memref<16x128xi32, #tpu.memory_space<vmem>>, vector<1x16xi32>,
    %get3A_618 = arith.constant 5 : i32
    %get3A_619 = arith.index_cast %get3A_618 : i32 to index
    %get3A_620 = arith.constant 80 : index
    %get3A_621 = tpu.vector_load %arg7[%get3A_619, %get3A_620] {strides = array<i32>} : memref<16x128xi32, #tpu.memory_space<vmem>>, vector<1x16xi32>,
    %get3A_622 = vector.shape_cast %get3A_621 : vector<1x16xi32> to vector<16xi32>
    %add3A_623 = vector.broadcast %mul3A_34 : i32 to vector<16xi32>
    %add3A_624 = arith.addi %get3A_622, %add3A_623 : vector<16xi32>
    %swap3A_625 = arith.constant 5 : i32
    %swap3A_626 = arith.index_cast %swap3A_625 : i32 to index
    %swap3A_627 = arith.constant 80 : index
    %swap3A_628 = tpu.vector_load %arg7[%swap3A_626, %swap3A_627] {strides = array<i32>} : memref<16x128xi32, #tpu.memory_space<vmem>>, vector<1x16xi32>,
    %swap3A_629 = vector.shape_cast %swap3A_628 : vector<1x16xi32> to vector<16xi32>
    %swap3A_630 = vector.shape_cast %add3A_624 : vector<16xi32> to vector<1x16xi32>
    tpu.vector_store %arg7[%swap3A_626, %swap3A_627], %swap3A_630 {strides = array<i32>} : memref<16x128xi32, #tpu.memory_space<vmem>>, vector<1x16xi32>,
    %get3A_631 = arith.constant 5 : i32
    %get3A_632 = arith.index_cast %get3A_631 : i32 to index
    %get3A_633 = arith.constant 96 : index
    %get3A_634 = tpu.vector_load %arg7[%get3A_632, %get3A_633] {strides = array<i32>} : memref<16x128xi32, #tpu.memory_space<vmem>>, vector<1x16xi32>,
    %get3A_635 = vector.shape_cast %get3A_634 : vector<1x16xi32> to vector<16xi32>
    %add3A_636 = vector.broadcast %mul3A_34 : i32 to vector<16xi32>
    %add3A_637 = arith.addi %get3A_635, %add3A_636 : vector<16xi32>
    %swap3A_638 = arith.constant 5 : i32
    %swap3A_639 = arith.index_cast %swap3A_638 : i32 to index
    %swap3A_640 = arith.constant 96 : index
    %swap3A_641 = tpu.vector_load %arg7[%swap3A_639, %swap3A_640] {strides = array<i32>} : memref<16x128xi32, #tpu.memory_space<vmem>>, vector<1x16xi32>,
    %swap3A_642 = vector.shape_cast %swap3A_641 : vector<1x16xi32> to vector<16xi32>
    %swap3A_643 = vector.shape_cast %add3A_637 : vector<16xi32> to vector<1x16xi32>
    tpu.vector_store %arg7[%swap3A_639, %swap3A_640], %swap3A_643 {strides = array<i32>} : memref<16x128xi32, #tpu.memory_space<vmem>>, vector<1x16xi32>,
    %get3A_644 = arith.constant 5 : i32
    %get3A_645 = arith.index_cast %get3A_644 : i32 to index
    %get3A_646 = arith.constant 112 : index
    %get3A_647 = tpu.vector_load %arg7[%get3A_645, %get3A_646] {strides = array<i32>} : memref<16x128xi32, #tpu.memory_space<vmem>>, vector<1x16xi32>,
    %get3A_648 = vector.shape_cast %get3A_647 : vector<1x16xi32> to vector<16xi32>
    %add3A_649 = vector.broadcast %mul3A_34 : i32 to vector<16xi32>
    %add3A_650 = arith.addi %get3A_648, %add3A_649 : vector<16xi32>
    %swap3A_651 = arith.constant 5 : i32
    %swap3A_652 = arith.index_cast %swap3A_651 : i32 to index
    %swap3A_653 = arith.constant 112 : index
    %swap3A_654 = tpu.vector_load %arg7[%swap3A_652, %swap3A_653] {strides = array<i32>} : memref<16x128xi32, #tpu.memory_space<vmem>>, vector<1x16xi32>,
    %swap3A_655 = vector.shape_cast %swap3A_654 : vector<1x16xi32> to vector<16xi32>
    %swap3A_656 = vector.shape_cast %add3A_650 : vector<16xi32> to vector<1x16xi32>
    tpu.vector_store %arg7[%swap3A_652, %swap3A_653], %swap3A_656 {strides = array<i32>} : memref<16x128xi32, #tpu.memory_space<vmem>>, vector<1x16xi32>,
    %get3A_657 = arith.constant 6 : i32
    %get3A_658 = arith.index_cast %get3A_657 : i32 to index
    %get3A_659 = arith.constant 0 : index
    %get3A_660 = tpu.vector_load %arg7[%get3A_658, %get3A_659] {strides = array<i32>} : memref<16x128xi32, #tpu.memory_space<vmem>>, vector<1x16xi32>,
    %get3A_661 = vector.shape_cast %get3A_660 : vector<1x16xi32> to vector<16xi32>
    %add3A_662 = vector.broadcast %mul3A_34 : i32 to vector<16xi32>
    %add3A_663 = arith.addi %get3A_661, %add3A_662 : vector<16xi32>
    %swap3A_664 = arith.constant 6 : i32
    %swap3A_665 = arith.index_cast %swap3A_664 : i32 to index
    %swap3A_666 = arith.constant 0 : index
    %swap3A_667 = tpu.vector_load %arg7[%swap3A_665, %swap3A_666] {strides = array<i32>} : memref<16x128xi32, #tpu.memory_space<vmem>>, vector<1x16xi32>,
    %swap3A_668 = vector.shape_cast %swap3A_667 : vector<1x16xi32> to vector<16xi32>
    %swap3A_669 = vector.shape_cast %add3A_663 : vector<16xi32> to vector<1x16xi32>
    tpu.vector_store %arg7[%swap3A_665, %swap3A_666], %swap3A_669 {strides = array<i32>} : memref<16x128xi32, #tpu.memory_space<vmem>>, vector<1x16xi32>,
    %get3A_670 = arith.constant 6 : i32
    %get3A_671 = arith.index_cast %get3A_670 : i32 to index
    %get3A_672 = arith.constant 16 : index
    %get3A_673 = tpu.vector_load %arg7[%get3A_671, %get3A_672] {strides = array<i32>} : memref<16x128xi32, #tpu.memory_space<vmem>>, vector<1x16xi32>,
    %get3A_674 = vector.shape_cast %get3A_673 : vector<1x16xi32> to vector<16xi32>
    %add3A_675 = vector.broadcast %mul3A_34 : i32 to vector<16xi32>
    %add3A_676 = arith.addi %get3A_674, %add3A_675 : vector<16xi32>
    %swap3A_677 = arith.constant 6 : i32
    %swap3A_678 = arith.index_cast %swap3A_677 : i32 to index
    %swap3A_679 = arith.constant 16 : index
    %swap3A_680 = tpu.vector_load %arg7[%swap3A_678, %swap3A_679] {strides = array<i32>} : memref<16x128xi32, #tpu.memory_space<vmem>>, vector<1x16xi32>,
    %swap3A_681 = vector.shape_cast %swap3A_680 : vector<1x16xi32> to vector<16xi32>
    %swap3A_682 = vector.shape_cast %add3A_676 : vector<16xi32> to vector<1x16xi32>
    tpu.vector_store %arg7[%swap3A_678, %swap3A_679], %swap3A_682 {strides = array<i32>} : memref<16x128xi32, #tpu.memory_space<vmem>>, vector<1x16xi32>,
    %get3A_683 = arith.constant 6 : i32
    %get3A_684 = arith.index_cast %get3A_683 : i32 to index
    %get3A_685 = arith.constant 32 : index
    %get3A_686 = tpu.vector_load %arg7[%get3A_684, %get3A_685] {strides = array<i32>} : memref<16x128xi32, #tpu.memory_space<vmem>>, vector<1x16xi32>,
    %get3A_687 = vector.shape_cast %get3A_686 : vector<1x16xi32> to vector<16xi32>
    %add3A_688 = vector.broadcast %mul3A_34 : i32 to vector<16xi32>
    %add3A_689 = arith.addi %get3A_687, %add3A_688 : vector<16xi32>
    %swap3A_690 = arith.constant 6 : i32
    %swap3A_691 = arith.index_cast %swap3A_690 : i32 to index
    %swap3A_692 = arith.constant 32 : index
    %swap3A_693 = tpu.vector_load %arg7[%swap3A_691, %swap3A_692] {strides = array<i32>} : memref<16x128xi32, #tpu.memory_space<vmem>>, vector<1x16xi32>,
    %swap3A_694 = vector.shape_cast %swap3A_693 : vector<1x16xi32> to vector<16xi32>
    %swap3A_695 = vector.shape_cast %add3A_689 : vector<16xi32> to vector<1x16xi32>
    tpu.vector_store %arg7[%swap3A_691, %swap3A_692], %swap3A_695 {strides = array<i32>} : memref<16x128xi32, #tpu.memory_space<vmem>>, vector<1x16xi32>,
    %get3A_696 = arith.constant 6 : i32
    %get3A_697 = arith.index_cast %get3A_696 : i32 to index
    %get3A_698 = arith.constant 48 : index
    %get3A_699 = tpu.vector_load %arg7[%get3A_697, %get3A_698] {strides = array<i32>} : memref<16x128xi32, #tpu.memory_space<vmem>>, vector<1x16xi32>,
    %get3A_700 = vector.shape_cast %get3A_699 : vector<1x16xi32> to vector<16xi32>
    %add3A_701 = vector.broadcast %mul3A_34 : i32 to vector<16xi32>
    %add3A_702 = arith.addi %get3A_700, %add3A_701 : vector<16xi32>
    %swap3A_703 = arith.constant 6 : i32
    %swap3A_704 = arith.index_cast %swap3A_703 : i32 to index
    %swap3A_705 = arith.constant 48 : index
    %swap3A_706 = tpu.vector_load %arg7[%swap3A_704, %swap3A_705] {strides = array<i32>} : memref<16x128xi32, #tpu.memory_space<vmem>>, vector<1x16xi32>,
    %swap3A_707 = vector.shape_cast %swap3A_706 : vector<1x16xi32> to vector<16xi32>
    %swap3A_708 = vector.shape_cast %add3A_702 : vector<16xi32> to vector<1x16xi32>
    tpu.vector_store %arg7[%swap3A_704, %swap3A_705], %swap3A_708 {strides = array<i32>} : memref<16x128xi32, #tpu.memory_space<vmem>>, vector<1x16xi32>,
    %get3A_709 = arith.constant 6 : i32
    %get3A_710 = arith.index_cast %get3A_709 : i32 to index
    %get3A_711 = arith.constant 64 : index
    %get3A_712 = tpu.vector_load %arg7[%get3A_710, %get3A_711] {strides = array<i32>} : memref<16x128xi32, #tpu.memory_space<vmem>>, vector<1x16xi32>,
    %get3A_713 = vector.shape_cast %get3A_712 : vector<1x16xi32> to vector<16xi32>
    %add3A_714 = vector.broadcast %mul3A_34 : i32 to vector<16xi32>
    %add3A_715 = arith.addi %get3A_713, %add3A_714 : vector<16xi32>
    %swap3A_716 = arith.constant 6 : i32
    %swap3A_717 = arith.index_cast %swap3A_716 : i32 to index
    %swap3A_718 = arith.constant 64 : index
    %swap3A_719 = tpu.vector_load %arg7[%swap3A_717, %swap3A_718] {strides = array<i32>} : memref<16x128xi32, #tpu.memory_space<vmem>>, vector<1x16xi32>,
    %swap3A_720 = vector.shape_cast %swap3A_719 : vector<1x16xi32> to vector<16xi32>
    %swap3A_721 = vector.shape_cast %add3A_715 : vector<16xi32> to vector<1x16xi32>
    tpu.vector_store %arg7[%swap3A_717, %swap3A_718], %swap3A_721 {strides = array<i32>} : memref<16x128xi32, #tpu.memory_space<vmem>>, vector<1x16xi32>,
    %get3A_722 = arith.constant 6 : i32
    %get3A_723 = arith.index_cast %get3A_722 : i32 to index
    %get3A_724 = arith.constant 80 : index
    %get3A_725 = tpu.vector_load %arg7[%get3A_723, %get3A_724] {strides = array<i32>} : memref<16x128xi32, #tpu.memory_space<vmem>>, vector<1x16xi32>,
    %get3A_726 = vector.shape_cast %get3A_725 : vector<1x16xi32> to vector<16xi32>
    %add3A_727 = vector.broadcast %mul3A_34 : i32 to vector<16xi32>
    %add3A_728 = arith.addi %get3A_726, %add3A_727 : vector<16xi32>
    %swap3A_729 = arith.constant 6 : i32
    %swap3A_730 = arith.index_cast %swap3A_729 : i32 to index
    %swap3A_731 = arith.constant 80 : index
    %swap3A_732 = tpu.vector_load %arg7[%swap3A_730, %swap3A_731] {strides = array<i32>} : memref<16x128xi32, #tpu.memory_space<vmem>>, vector<1x16xi32>,
    %swap3A_733 = vector.shape_cast %swap3A_732 : vector<1x16xi32> to vector<16xi32>
    %swap3A_734 = vector.shape_cast %add3A_728 : vector<16xi32> to vector<1x16xi32>
    tpu.vector_store %arg7[%swap3A_730, %swap3A_731], %swap3A_734 {strides = array<i32>} : memref<16x128xi32, #tpu.memory_space<vmem>>, vector<1x16xi32>,
    %get3A_735 = arith.constant 6 : i32
    %get3A_736 = arith.index_cast %get3A_735 : i32 to index
    %get3A_737 = arith.constant 96 : index
    %get3A_738 = tpu.vector_load %arg7[%get3A_736, %get3A_737] {strides = array<i32>} : memref<16x128xi32, #tpu.memory_space<vmem>>, vector<1x16xi32>,
    %get3A_739 = vector.shape_cast %get3A_738 : vector<1x16xi32> to vector<16xi32>
    %add3A_740 = vector.broadcast %mul3A_34 : i32 to vector<16xi32>
    %add3A_741 = arith.addi %get3A_739, %add3A_740 : vector<16xi32>
    %swap3A_742 = arith.constant 6 : i32
    %swap3A_743 = arith.index_cast %swap3A_742 : i32 to index
    %swap3A_744 = arith.constant 96 : index
    %swap3A_745 = tpu.vector_load %arg7[%swap3A_743, %swap3A_744] {strides = array<i32>} : memref<16x128xi32, #tpu.memory_space<vmem>>, vector<1x16xi32>,
    %swap3A_746 = vector.shape_cast %swap3A_745 : vector<1x16xi32> to vector<16xi32>
    %swap3A_747 = vector.shape_cast %add3A_741 : vector<16xi32> to vector<1x16xi32>
    tpu.vector_store %arg7[%swap3A_743, %swap3A_744], %swap3A_747 {strides = array<i32>} : memref<16x128xi32, #tpu.memory_space<vmem>>, vector<1x16xi32>,
    %get3A_748 = arith.constant 6 : i32
    %get3A_749 = arith.index_cast %get3A_748 : i32 to index
    %get3A_750 = arith.constant 112 : index
    %get3A_751 = tpu.vector_load %arg7[%get3A_749, %get3A_750] {strides = array<i32>} : memref<16x128xi32, #tpu.memory_space<vmem>>, vector<1x16xi32>,
    %get3A_752 = vector.shape_cast %get3A_751 : vector<1x16xi32> to vector<16xi32>
    %add3A_753 = vector.broadcast %mul3A_34 : i32 to vector<16xi32>
    %add3A_754 = arith.addi %get3A_752, %add3A_753 : vector<16xi32>
    %swap3A_755 = arith.constant 6 : i32
    %swap3A_756 = arith.index_cast %swap3A_755 : i32 to index
    %swap3A_757 = arith.constant 112 : index
    %swap3A_758 = tpu.vector_load %arg7[%swap3A_756, %swap3A_757] {strides = array<i32>} : memref<16x128xi32, #tpu.memory_space<vmem>>, vector<1x16xi32>,
    %swap3A_759 = vector.shape_cast %swap3A_758 : vector<1x16xi32> to vector<16xi32>
    %swap3A_760 = vector.shape_cast %add3A_754 : vector<16xi32> to vector<1x16xi32>
    tpu.vector_store %arg7[%swap3A_756, %swap3A_757], %swap3A_760 {strides = array<i32>} : memref<16x128xi32, #tpu.memory_space<vmem>>, vector<1x16xi32>,
    %get3A_761 = arith.constant 7 : i32
    %get3A_762 = arith.index_cast %get3A_761 : i32 to index
    %get3A_763 = arith.constant 0 : index
    %get3A_764 = tpu.vector_load %arg7[%get3A_762, %get3A_763] {strides = array<i32>} : memref<16x128xi32, #tpu.memory_space<vmem>>, vector<1x16xi32>,
    %get3A_765 = vector.shape_cast %get3A_764 : vector<1x16xi32> to vector<16xi32>
    %add3A_766 = vector.broadcast %mul3A_34 : i32 to vector<16xi32>
    %add3A_767 = arith.addi %get3A_765, %add3A_766 : vector<16xi32>
    %swap3A_768 = arith.constant 7 : i32
    %swap3A_769 = arith.index_cast %swap3A_768 : i32 to index
    %swap3A_770 = arith.constant 0 : index
    %swap3A_771 = tpu.vector_load %arg7[%swap3A_769, %swap3A_770] {strides = array<i32>} : memref<16x128xi32, #tpu.memory_space<vmem>>, vector<1x16xi32>,
    %swap3A_772 = vector.shape_cast %swap3A_771 : vector<1x16xi32> to vector<16xi32>
    %swap3A_773 = vector.shape_cast %add3A_767 : vector<16xi32> to vector<1x16xi32>
    tpu.vector_store %arg7[%swap3A_769, %swap3A_770], %swap3A_773 {strides = array<i32>} : memref<16x128xi32, #tpu.memory_space<vmem>>, vector<1x16xi32>,
    %get3A_774 = arith.constant 7 : i32
    %get3A_775 = arith.index_cast %get3A_774 : i32 to index
    %get3A_776 = arith.constant 16 : index
    %get3A_777 = tpu.vector_load %arg7[%get3A_775, %get3A_776] {strides = array<i32>} : memref<16x128xi32, #tpu.memory_space<vmem>>, vector<1x16xi32>,
    %get3A_778 = vector.shape_cast %get3A_777 : vector<1x16xi32> to vector<16xi32>
    %add3A_779 = vector.broadcast %mul3A_34 : i32 to vector<16xi32>
    %add3A_780 = arith.addi %get3A_778, %add3A_779 : vector<16xi32>
    %swap3A_781 = arith.constant 7 : i32
    %swap3A_782 = arith.index_cast %swap3A_781 : i32 to index
    %swap3A_783 = arith.constant 16 : index
    %swap3A_784 = tpu.vector_load %arg7[%swap3A_782, %swap3A_783] {strides = array<i32>} : memref<16x128xi32, #tpu.memory_space<vmem>>, vector<1x16xi32>,
    %swap3A_785 = vector.shape_cast %swap3A_784 : vector<1x16xi32> to vector<16xi32>
    %swap3A_786 = vector.shape_cast %add3A_780 : vector<16xi32> to vector<1x16xi32>
    tpu.vector_store %arg7[%swap3A_782, %swap3A_783], %swap3A_786 {strides = array<i32>} : memref<16x128xi32, #tpu.memory_space<vmem>>, vector<1x16xi32>,
    %get3A_787 = arith.constant 7 : i32
    %get3A_788 = arith.index_cast %get3A_787 : i32 to index
    %get3A_789 = arith.constant 32 : index
    %get3A_790 = tpu.vector_load %arg7[%get3A_788, %get3A_789] {strides = array<i32>} : memref<16x128xi32, #tpu.memory_space<vmem>>, vector<1x16xi32>,
    %get3A_791 = vector.shape_cast %get3A_790 : vector<1x16xi32> to vector<16xi32>
    %add3A_792 = vector.broadcast %mul3A_34 : i32 to vector<16xi32>
    %add3A_793 = arith.addi %get3A_791, %add3A_792 : vector<16xi32>
    %swap3A_794 = arith.constant 7 : i32
    %swap3A_795 = arith.index_cast %swap3A_794 : i32 to index
    %swap3A_796 = arith.constant 32 : index
    %swap3A_797 = tpu.vector_load %arg7[%swap3A_795, %swap3A_796] {strides = array<i32>} : memref<16x128xi32, #tpu.memory_space<vmem>>, vector<1x16xi32>,
    %swap3A_798 = vector.shape_cast %swap3A_797 : vector<1x16xi32> to vector<16xi32>
    %swap3A_799 = vector.shape_cast %add3A_793 : vector<16xi32> to vector<1x16xi32>
    tpu.vector_store %arg7[%swap3A_795, %swap3A_796], %swap3A_799 {strides = array<i32>} : memref<16x128xi32, #tpu.memory_space<vmem>>, vector<1x16xi32>,
    %get3A_800 = arith.constant 7 : i32
    %get3A_801 = arith.index_cast %get3A_800 : i32 to index
    %get3A_802 = arith.constant 48 : index
    %get3A_803 = tpu.vector_load %arg7[%get3A_801, %get3A_802] {strides = array<i32>} : memref<16x128xi32, #tpu.memory_space<vmem>>, vector<1x16xi32>,
    %get3A_804 = vector.shape_cast %get3A_803 : vector<1x16xi32> to vector<16xi32>
    %add3A_805 = vector.broadcast %mul3A_34 : i32 to vector<16xi32>
    %add3A_806 = arith.addi %get3A_804, %add3A_805 : vector<16xi32>
    %swap3A_807 = arith.constant 7 : i32
    %swap3A_808 = arith.index_cast %swap3A_807 : i32 to index
    %swap3A_809 = arith.constant 48 : index
    %swap3A_810 = tpu.vector_load %arg7[%swap3A_808, %swap3A_809] {strides = array<i32>} : memref<16x128xi32, #tpu.memory_space<vmem>>, vector<1x16xi32>,
    %swap3A_811 = vector.shape_cast %swap3A_810 : vector<1x16xi32> to vector<16xi32>
    %swap3A_812 = vector.shape_cast %add3A_806 : vector<16xi32> to vector<1x16xi32>
    tpu.vector_store %arg7[%swap3A_808, %swap3A_809], %swap3A_812 {strides = array<i32>} : memref<16x128xi32, #tpu.memory_space<vmem>>, vector<1x16xi32>,
    %get3A_813 = arith.constant 7 : i32
    %get3A_814 = arith.index_cast %get3A_813 : i32 to index
    %get3A_815 = arith.constant 64 : index
    %get3A_816 = tpu.vector_load %arg7[%get3A_814, %get3A_815] {strides = array<i32>} : memref<16x128xi32, #tpu.memory_space<vmem>>, vector<1x16xi32>,
    %get3A_817 = vector.shape_cast %get3A_816 : vector<1x16xi32> to vector<16xi32>
    %add3A_818 = vector.broadcast %mul3A_34 : i32 to vector<16xi32>
    %add3A_819 = arith.addi %get3A_817, %add3A_818 : vector<16xi32>
    %swap3A_820 = arith.constant 7 : i32
    %swap3A_821 = arith.index_cast %swap3A_820 : i32 to index
    %swap3A_822 = arith.constant 64 : index
    %swap3A_823 = tpu.vector_load %arg7[%swap3A_821, %swap3A_822] {strides = array<i32>} : memref<16x128xi32, #tpu.memory_space<vmem>>, vector<1x16xi32>,
    %swap3A_824 = vector.shape_cast %swap3A_823 : vector<1x16xi32> to vector<16xi32>
    %swap3A_825 = vector.shape_cast %add3A_819 : vector<16xi32> to vector<1x16xi32>
    tpu.vector_store %arg7[%swap3A_821, %swap3A_822], %swap3A_825 {strides = array<i32>} : memref<16x128xi32, #tpu.memory_space<vmem>>, vector<1x16xi32>,
    %get3A_826 = arith.constant 7 : i32
    %get3A_827 = arith.index_cast %get3A_826 : i32 to index
    %get3A_828 = arith.constant 80 : index
    %get3A_829 = tpu.vector_load %arg7[%get3A_827, %get3A_828] {strides = array<i32>} : memref<16x128xi32, #tpu.memory_space<vmem>>, vector<1x16xi32>,
    %get3A_830 = vector.shape_cast %get3A_829 : vector<1x16xi32> to vector<16xi32>
    %add3A_831 = vector.broadcast %mul3A_34 : i32 to vector<16xi32>
    %add3A_832 = arith.addi %get3A_830, %add3A_831 : vector<16xi32>
    %swap3A_833 = arith.constant 7 : i32
    %swap3A_834 = arith.index_cast %swap3A_833 : i32 to index
    %swap3A_835 = arith.constant 80 : index
    %swap3A_836 = tpu.vector_load %arg7[%swap3A_834, %swap3A_835] {strides = array<i32>} : memref<16x128xi32, #tpu.memory_space<vmem>>, vector<1x16xi32>,
    %swap3A_837 = vector.shape_cast %swap3A_836 : vector<1x16xi32> to vector<16xi32>
    %swap3A_838 = vector.shape_cast %add3A_832 : vector<16xi32> to vector<1x16xi32>
    tpu.vector_store %arg7[%swap3A_834, %swap3A_835], %swap3A_838 {strides = array<i32>} : memref<16x128xi32, #tpu.memory_space<vmem>>, vector<1x16xi32>,
    %get3A_839 = arith.constant 7 : i32
    %get3A_840 = arith.index_cast %get3A_839 : i32 to index
    %get3A_841 = arith.constant 96 : index
    %get3A_842 = tpu.vector_load %arg7[%get3A_840, %get3A_841] {strides = array<i32>} : memref<16x128xi32, #tpu.memory_space<vmem>>, vector<1x16xi32>,
    %get3A_843 = vector.shape_cast %get3A_842 : vector<1x16xi32> to vector<16xi32>
    %add3A_844 = vector.broadcast %mul3A_34 : i32 to vector<16xi32>
    %add3A_845 = arith.addi %get3A_843, %add3A_844 : vector<16xi32>
    %swap3A_846 = arith.constant 7 : i32
    %swap3A_847 = arith.index_cast %swap3A_846 : i32 to index
    %swap3A_848 = arith.constant 96 : index
    %swap3A_849 = tpu.vector_load %arg7[%swap3A_847, %swap3A_848] {strides = array<i32>} : memref<16x128xi32, #tpu.memory_space<vmem>>, vector<1x16xi32>,
    %swap3A_850 = vector.shape_cast %swap3A_849 : vector<1x16xi32> to vector<16xi32>
    %swap3A_851 = vector.shape_cast %add3A_845 : vector<16xi32> to vector<1x16xi32>
    tpu.vector_store %arg7[%swap3A_847, %swap3A_848], %swap3A_851 {strides = array<i32>} : memref<16x128xi32, #tpu.memory_space<vmem>>, vector<1x16xi32>,
    %get3A_852 = arith.constant 7 : i32
    %get3A_853 = arith.index_cast %get3A_852 : i32 to index
    %get3A_854 = arith.constant 112 : index
    %get3A_855 = tpu.vector_load %arg7[%get3A_853, %get3A_854] {strides = array<i32>} : memref<16x128xi32, #tpu.memory_space<vmem>>, vector<1x16xi32>,
    %get3A_856 = vector.shape_cast %get3A_855 : vector<1x16xi32> to vector<16xi32>
    %add3A_857 = vector.broadcast %mul3A_34 : i32 to vector<16xi32>
    %add3A_858 = arith.addi %get3A_856, %add3A_857 : vector<16xi32>
    %swap3A_859 = arith.constant 7 : i32
    %swap3A_860 = arith.index_cast %swap3A_859 : i32 to index
    %swap3A_861 = arith.constant 112 : index
    %swap3A_862 = tpu.vector_load %arg7[%swap3A_860, %swap3A_861] {strides = array<i32>} : memref<16x128xi32, #tpu.memory_space<vmem>>, vector<1x16xi32>,
    %swap3A_863 = vector.shape_cast %swap3A_862 : vector<1x16xi32> to vector<16xi32>
    %swap3A_864 = vector.shape_cast %add3A_858 : vector<16xi32> to vector<1x16xi32>
    tpu.vector_store %arg7[%swap3A_860, %swap3A_861], %swap3A_864 {strides = array<i32>} : memref<16x128xi32, #tpu.memory_space<vmem>>, vector<1x16xi32>,
    %get3A_865 = arith.constant 8 : i32
    %get3A_866 = arith.index_cast %get3A_865 : i32 to index
    %get3A_867 = arith.constant 0 : index
    %get3A_868 = tpu.vector_load %arg7[%get3A_866, %get3A_867] {strides = array<i32>} : memref<16x128xi32, #tpu.memory_space<vmem>>, vector<1x16xi32>,
    %get3A_869 = vector.shape_cast %get3A_868 : vector<1x16xi32> to vector<16xi32>
    %add3A_870 = vector.broadcast %mul3A_34 : i32 to vector<16xi32>
    %add3A_871 = arith.addi %get3A_869, %add3A_870 : vector<16xi32>
    %swap3A_872 = arith.constant 8 : i32
    %swap3A_873 = arith.index_cast %swap3A_872 : i32 to index
    %swap3A_874 = arith.constant 0 : index
    %swap3A_875 = tpu.vector_load %arg7[%swap3A_873, %swap3A_874] {strides = array<i32>} : memref<16x128xi32, #tpu.memory_space<vmem>>, vector<1x16xi32>,
    %swap3A_876 = vector.shape_cast %swap3A_875 : vector<1x16xi32> to vector<16xi32>
    %swap3A_877 = vector.shape_cast %add3A_871 : vector<16xi32> to vector<1x16xi32>
    tpu.vector_store %arg7[%swap3A_873, %swap3A_874], %swap3A_877 {strides = array<i32>} : memref<16x128xi32, #tpu.memory_space<vmem>>, vector<1x16xi32>,
    %get3A_878 = arith.constant 8 : i32
    %get3A_879 = arith.index_cast %get3A_878 : i32 to index
    %get3A_880 = arith.constant 16 : index
    %get3A_881 = tpu.vector_load %arg7[%get3A_879, %get3A_880] {strides = array<i32>} : memref<16x128xi32, #tpu.memory_space<vmem>>, vector<1x16xi32>,
    %get3A_882 = vector.shape_cast %get3A_881 : vector<1x16xi32> to vector<16xi32>
    %add3A_883 = vector.broadcast %mul3A_34 : i32 to vector<16xi32>
    %add3A_884 = arith.addi %get3A_882, %add3A_883 : vector<16xi32>
    %swap3A_885 = arith.constant 8 : i32
    %swap3A_886 = arith.index_cast %swap3A_885 : i32 to index
    %swap3A_887 = arith.constant 16 : index
    %swap3A_888 = tpu.vector_load %arg7[%swap3A_886, %swap3A_887] {strides = array<i32>} : memref<16x128xi32, #tpu.memory_space<vmem>>, vector<1x16xi32>,
    %swap3A_889 = vector.shape_cast %swap3A_888 : vector<1x16xi32> to vector<16xi32>
    %swap3A_890 = vector.shape_cast %add3A_884 : vector<16xi32> to vector<1x16xi32>
    tpu.vector_store %arg7[%swap3A_886, %swap3A_887], %swap3A_890 {strides = array<i32>} : memref<16x128xi32, #tpu.memory_space<vmem>>, vector<1x16xi32>,
    %get3A_891 = arith.constant 8 : i32
    %get3A_892 = arith.index_cast %get3A_891 : i32 to index
    %get3A_893 = arith.constant 32 : index
    %get3A_894 = tpu.vector_load %arg7[%get3A_892, %get3A_893] {strides = array<i32>} : memref<16x128xi32, #tpu.memory_space<vmem>>, vector<1x16xi32>,
    %get3A_895 = vector.shape_cast %get3A_894 : vector<1x16xi32> to vector<16xi32>
    %add3A_896 = vector.broadcast %mul3A_34 : i32 to vector<16xi32>
    %add3A_897 = arith.addi %get3A_895, %add3A_896 : vector<16xi32>
    %swap3A_898 = arith.constant 8 : i32
    %swap3A_899 = arith.index_cast %swap3A_898 : i32 to index
    %swap3A_900 = arith.constant 32 : index
    %swap3A_901 = tpu.vector_load %arg7[%swap3A_899, %swap3A_900] {strides = array<i32>} : memref<16x128xi32, #tpu.memory_space<vmem>>, vector<1x16xi32>,
    %swap3A_902 = vector.shape_cast %swap3A_901 : vector<1x16xi32> to vector<16xi32>
    %swap3A_903 = vector.shape_cast %add3A_897 : vector<16xi32> to vector<1x16xi32>
    tpu.vector_store %arg7[%swap3A_899, %swap3A_900], %swap3A_903 {strides = array<i32>} : memref<16x128xi32, #tpu.memory_space<vmem>>, vector<1x16xi32>,
    %get3A_904 = arith.constant 8 : i32
    %get3A_905 = arith.index_cast %get3A_904 : i32 to index
    %get3A_906 = arith.constant 48 : index
    %get3A_907 = tpu.vector_load %arg7[%get3A_905, %get3A_906] {strides = array<i32>} : memref<16x128xi32, #tpu.memory_space<vmem>>, vector<1x16xi32>,
    %get3A_908 = vector.shape_cast %get3A_907 : vector<1x16xi32> to vector<16xi32>
    %add3A_909 = vector.broadcast %mul3A_34 : i32 to vector<16xi32>
    %add3A_910 = arith.addi %get3A_908, %add3A_909 : vector<16xi32>
    %swap3A_911 = arith.constant 8 : i32
    %swap3A_912 = arith.index_cast %swap3A_911 : i32 to index
    %swap3A_913 = arith.constant 48 : index
    %swap3A_914 = tpu.vector_load %arg7[%swap3A_912, %swap3A_913] {strides = array<i32>} : memref<16x128xi32, #tpu.memory_space<vmem>>, vector<1x16xi32>,
    %swap3A_915 = vector.shape_cast %swap3A_914 : vector<1x16xi32> to vector<16xi32>
    %swap3A_916 = vector.shape_cast %add3A_910 : vector<16xi32> to vector<1x16xi32>
    tpu.vector_store %arg7[%swap3A_912, %swap3A_913], %swap3A_916 {strides = array<i32>} : memref<16x128xi32, #tpu.memory_space<vmem>>, vector<1x16xi32>,
    %get3A_917 = arith.constant 8 : i32
    %get3A_918 = arith.index_cast %get3A_917 : i32 to index
    %get3A_919 = arith.constant 64 : index
    %get3A_920 = tpu.vector_load %arg7[%get3A_918, %get3A_919] {strides = array<i32>} : memref<16x128xi32, #tpu.memory_space<vmem>>, vector<1x16xi32>,
    %get3A_921 = vector.shape_cast %get3A_920 : vector<1x16xi32> to vector<16xi32>
    %add3A_922 = vector.broadcast %mul3A_34 : i32 to vector<16xi32>
    %add3A_923 = arith.addi %get3A_921, %add3A_922 : vector<16xi32>
    %swap3A_924 = arith.constant 8 : i32
    %swap3A_925 = arith.index_cast %swap3A_924 : i32 to index
    %swap3A_926 = arith.constant 64 : index
    %swap3A_927 = tpu.vector_load %arg7[%swap3A_925, %swap3A_926] {strides = array<i32>} : memref<16x128xi32, #tpu.memory_space<vmem>>, vector<1x16xi32>,
    %swap3A_928 = vector.shape_cast %swap3A_927 : vector<1x16xi32> to vector<16xi32>
    %swap3A_929 = vector.shape_cast %add3A_923 : vector<16xi32> to vector<1x16xi32>
    tpu.vector_store %arg7[%swap3A_925, %swap3A_926], %swap3A_929 {strides = array<i32>} : memref<16x128xi32, #tpu.memory_space<vmem>>, vector<1x16xi32>,
    %get3A_930 = arith.constant 8 : i32
    %get3A_931 = arith.index_cast %get3A_930 : i32 to index
    %get3A_932 = arith.constant 80 : index
    %get3A_933 = tpu.vector_load %arg7[%get3A_931, %get3A_932] {strides = array<i32>} : memref<16x128xi32, #tpu.memory_space<vmem>>, vector<1x16xi32>,
    %get3A_934 = vector.shape_cast %get3A_933 : vector<1x16xi32> to vector<16xi32>
    %add3A_935 = vector.broadcast %mul3A_34 : i32 to vector<16xi32>
    %add3A_936 = arith.addi %get3A_934, %add3A_935 : vector<16xi32>
    %swap3A_937 = arith.constant 8 : i32
    %swap3A_938 = arith.index_cast %swap3A_937 : i32 to index
    %swap3A_939 = arith.constant 80 : index
    %swap3A_940 = tpu.vector_load %arg7[%swap3A_938, %swap3A_939] {strides = array<i32>} : memref<16x128xi32, #tpu.memory_space<vmem>>, vector<1x16xi32>,
    %swap3A_941 = vector.shape_cast %swap3A_940 : vector<1x16xi32> to vector<16xi32>
    %swap3A_942 = vector.shape_cast %add3A_936 : vector<16xi32> to vector<1x16xi32>
    tpu.vector_store %arg7[%swap3A_938, %swap3A_939], %swap3A_942 {strides = array<i32>} : memref<16x128xi32, #tpu.memory_space<vmem>>, vector<1x16xi32>,
    %get3A_943 = arith.constant 8 : i32
    %get3A_944 = arith.index_cast %get3A_943 : i32 to index
    %get3A_945 = arith.constant 96 : index
    %get3A_946 = tpu.vector_load %arg7[%get3A_944, %get3A_945] {strides = array<i32>} : memref<16x128xi32, #tpu.memory_space<vmem>>, vector<1x16xi32>,
    %get3A_947 = vector.shape_cast %get3A_946 : vector<1x16xi32> to vector<16xi32>
    %add3A_948 = vector.broadcast %mul3A_34 : i32 to vector<16xi32>
    %add3A_949 = arith.addi %get3A_947, %add3A_948 : vector<16xi32>
    %swap3A_950 = arith.constant 8 : i32
    %swap3A_951 = arith.index_cast %swap3A_950 : i32 to index
    %swap3A_952 = arith.constant 96 : index
    %swap3A_953 = tpu.vector_load %arg7[%swap3A_951, %swap3A_952] {strides = array<i32>} : memref<16x128xi32, #tpu.memory_space<vmem>>, vector<1x16xi32>,
    %swap3A_954 = vector.shape_cast %swap3A_953 : vector<1x16xi32> to vector<16xi32>
    %swap3A_955 = vector.shape_cast %add3A_949 : vector<16xi32> to vector<1x16xi32>
    tpu.vector_store %arg7[%swap3A_951, %swap3A_952], %swap3A_955 {strides = array<i32>} : memref<16x128xi32, #tpu.memory_space<vmem>>, vector<1x16xi32>,
    %get3A_956 = arith.constant 8 : i32
    %get3A_957 = arith.index_cast %get3A_956 : i32 to index
    %get3A_958 = arith.constant 112 : index
    %get3A_959 = tpu.vector_load %arg7[%get3A_957, %get3A_958] {strides = array<i32>} : memref<16x128xi32, #tpu.memory_space<vmem>>, vector<1x16xi32>,
    %get3A_960 = vector.shape_cast %get3A_959 : vector<1x16xi32> to vector<16xi32>
    %add3A_961 = vector.broadcast %mul3A_34 : i32 to vector<16xi32>
    %add3A_962 = arith.addi %get3A_960, %add3A_961 : vector<16xi32>
    %swap3A_963 = arith.constant 8 : i32
    %swap3A_964 = arith.index_cast %swap3A_963 : i32 to index
    %swap3A_965 = arith.constant 112 : index
    %swap3A_966 = tpu.vector_load %arg7[%swap3A_964, %swap3A_965] {strides = array<i32>} : memref<16x128xi32, #tpu.memory_space<vmem>>, vector<1x16xi32>,
    %swap3A_967 = vector.shape_cast %swap3A_966 : vector<1x16xi32> to vector<16xi32>
    %swap3A_968 = vector.shape_cast %add3A_962 : vector<16xi32> to vector<1x16xi32>
    tpu.vector_store %arg7[%swap3A_964, %swap3A_965], %swap3A_968 {strides = array<i32>} : memref<16x128xi32, #tpu.memory_space<vmem>>, vector<1x16xi32>,
    %get3A_969 = arith.constant 9 : i32
    %get3A_970 = arith.index_cast %get3A_969 : i32 to index
    %get3A_971 = arith.constant 0 : index
    %get3A_972 = tpu.vector_load %arg7[%get3A_970, %get3A_971] {strides = array<i32>} : memref<16x128xi32, #tpu.memory_space<vmem>>, vector<1x16xi32>,
    %get3A_973 = vector.shape_cast %get3A_972 : vector<1x16xi32> to vector<16xi32>
    %add3A_974 = vector.broadcast %mul3A_34 : i32 to vector<16xi32>
    %add3A_975 = arith.addi %get3A_973, %add3A_974 : vector<16xi32>
    %swap3A_976 = arith.constant 9 : i32
    %swap3A_977 = arith.index_cast %swap3A_976 : i32 to index
    %swap3A_978 = arith.constant 0 : index
    %swap3A_979 = tpu.vector_load %arg7[%swap3A_977, %swap3A_978] {strides = array<i32>} : memref<16x128xi32, #tpu.memory_space<vmem>>, vector<1x16xi32>,
    %swap3A_980 = vector.shape_cast %swap3A_979 : vector<1x16xi32> to vector<16xi32>
    %swap3A_981 = vector.shape_cast %add3A_975 : vector<16xi32> to vector<1x16xi32>
    tpu.vector_store %arg7[%swap3A_977, %swap3A_978], %swap3A_981 {strides = array<i32>} : memref<16x128xi32, #tpu.memory_space<vmem>>, vector<1x16xi32>,
    %get3A_982 = arith.constant 9 : i32
    %get3A_983 = arith.index_cast %get3A_982 : i32 to index
    %get3A_984 = arith.constant 16 : index
    %get3A_985 = tpu.vector_load %arg7[%get3A_983, %get3A_984] {strides = array<i32>} : memref<16x128xi32, #tpu.memory_space<vmem>>, vector<1x16xi32>,
    %get3A_986 = vector.shape_cast %get3A_985 : vector<1x16xi32> to vector<16xi32>
    %add3A_987 = vector.broadcast %mul3A_34 : i32 to vector<16xi32>
    %add3A_988 = arith.addi %get3A_986, %add3A_987 : vector<16xi32>
    %swap3A_989 = arith.constant 9 : i32
    %swap3A_990 = arith.index_cast %swap3A_989 : i32 to index
    %swap3A_991 = arith.constant 16 : index
    %swap3A_992 = tpu.vector_load %arg7[%swap3A_990, %swap3A_991] {strides = array<i32>} : memref<16x128xi32, #tpu.memory_space<vmem>>, vector<1x16xi32>,
    %swap3A_993 = vector.shape_cast %swap3A_992 : vector<1x16xi32> to vector<16xi32>
    %swap3A_994 = vector.shape_cast %add3A_988 : vector<16xi32> to vector<1x16xi32>
    tpu.vector_store %arg7[%swap3A_990, %swap3A_991], %swap3A_994 {strides = array<i32>} : memref<16x128xi32, #tpu.memory_space<vmem>>, vector<1x16xi32>,
    %get3A_995 = arith.constant 9 : i32
    %get3A_996 = arith.index_cast %get3A_995 : i32 to index
    %get3A_997 = arith.constant 32 : index
    %get3A_998 = tpu.vector_load %arg7[%get3A_996, %get3A_997] {strides = array<i32>} : memref<16x128xi32, #tpu.memory_space<vmem>>, vector<1x16xi32>,
    %get3A_999 = vector.shape_cast %get3A_998 : vector<1x16xi32> to vector<16xi32>
    %add3A_1000 = vector.broadcast %mul3A_34 : i32 to vector<16xi32>
    %add3A_1001 = arith.addi %get3A_999, %add3A_1000 : vector<16xi32>
    %swap3A_1002 = arith.constant 9 : i32
    %swap3A_1003 = arith.index_cast %swap3A_1002 : i32 to index
    %swap3A_1004 = arith.constant 32 : index
    %swap3A_1005 = tpu.vector_load %arg7[%swap3A_1003, %swap3A_1004] {strides = array<i32>} : memref<16x128xi32, #tpu.memory_space<vmem>>, vector<1x16xi32>,
    %swap3A_1006 = vector.shape_cast %swap3A_1005 : vector<1x16xi32> to vector<16xi32>
    %swap3A_1007 = vector.shape_cast %add3A_1001 : vector<16xi32> to vector<1x16xi32>
    tpu.vector_store %arg7[%swap3A_1003, %swap3A_1004], %swap3A_1007 {strides = array<i32>} : memref<16x128xi32, #tpu.memory_space<vmem>>, vector<1x16xi32>,
    %get3A_1008 = arith.constant 9 : i32
    %get3A_1009 = arith.index_cast %get3A_1008 : i32 to index
    %get3A_1010 = arith.constant 48 : index
    %get3A_1011 = tpu.vector_load %arg7[%get3A_1009, %get3A_1010] {strides = array<i32>} : memref<16x128xi32, #tpu.memory_space<vmem>>, vector<1x16xi32>,
    %get3A_1012 = vector.shape_cast %get3A_1011 : vector<1x16xi32> to vector<16xi32>
    %add3A_1013 = vector.broadcast %mul3A_34 : i32 to vector<16xi32>
    %add3A_1014 = arith.addi %get3A_1012, %add3A_1013 : vector<16xi32>
    %swap3A_1015 = arith.constant 9 : i32
    %swap3A_1016 = arith.index_cast %swap3A_1015 : i32 to index
    %swap3A_1017 = arith.constant 48 : index
    %swap3A_1018 = tpu.vector_load %arg7[%swap3A_1016, %swap3A_1017] {strides = array<i32>} : memref<16x128xi32, #tpu.memory_space<vmem>>, vector<1x16xi32>,
    %swap3A_1019 = vector.shape_cast %swap3A_1018 : vector<1x16xi32> to vector<16xi32>
    %swap3A_1020 = vector.shape_cast %add3A_1014 : vector<16xi32> to vector<1x16xi32>
    tpu.vector_store %arg7[%swap3A_1016, %swap3A_1017], %swap3A_1020 {strides = array<i32>} : memref<16x128xi32, #tpu.memory_space<vmem>>, vector<1x16xi32>,
    %get3A_1021 = arith.constant 9 : i32
    %get3A_1022 = arith.index_cast %get3A_1021 : i32 to index
    %get3A_1023 = arith.constant 64 : index
    %get3A_1024 = tpu.vector_load %arg7[%get3A_1022, %get3A_1023] {strides = array<i32>} : memref<16x128xi32, #tpu.memory_space<vmem>>, vector<1x16xi32>,
    %get3A_1025 = vector.shape_cast %get3A_1024 : vector<1x16xi32> to vector<16xi32>
    %add3A_1026 = vector.broadcast %mul3A_34 : i32 to vector<16xi32>
    %add3A_1027 = arith.addi %get3A_1025, %add3A_1026 : vector<16xi32>
    %swap3A_1028 = arith.constant 9 : i32
    %swap3A_1029 = arith.index_cast %swap3A_1028 : i32 to index
    %swap3A_1030 = arith.constant 64 : index
    %swap3A_1031 = tpu.vector_load %arg7[%swap3A_1029, %swap3A_1030] {strides = array<i32>} : memref<16x128xi32, #tpu.memory_space<vmem>>, vector<1x16xi32>,
    %swap3A_1032 = vector.shape_cast %swap3A_1031 : vector<1x16xi32> to vector<16xi32>
    %swap3A_1033 = vector.shape_cast %add3A_1027 : vector<16xi32> to vector<1x16xi32>
    tpu.vector_store %arg7[%swap3A_1029, %swap3A_1030], %swap3A_1033 {strides = array<i32>} : memref<16x128xi32, #tpu.memory_space<vmem>>, vector<1x16xi32>,
    %get3A_1034 = arith.constant 9 : i32
    %get3A_1035 = arith.index_cast %get3A_1034 : i32 to index
    %get3A_1036 = arith.constant 80 : index
    %get3A_1037 = tpu.vector_load %arg7[%get3A_1035, %get3A_1036] {strides = array<i32>} : memref<16x128xi32, #tpu.memory_space<vmem>>, vector<1x16xi32>,
    %get3A_1038 = vector.shape_cast %get3A_1037 : vector<1x16xi32> to vector<16xi32>
    %add3A_1039 = vector.broadcast %mul3A_34 : i32 to vector<16xi32>
    %add3A_1040 = arith.addi %get3A_1038, %add3A_1039 : vector<16xi32>
    %swap3A_1041 = arith.constant 9 : i32
    %swap3A_1042 = arith.index_cast %swap3A_1041 : i32 to index
    %swap3A_1043 = arith.constant 80 : index
    %swap3A_1044 = tpu.vector_load %arg7[%swap3A_1042, %swap3A_1043] {strides = array<i32>} : memref<16x128xi32, #tpu.memory_space<vmem>>, vector<1x16xi32>,
    %swap3A_1045 = vector.shape_cast %swap3A_1044 : vector<1x16xi32> to vector<16xi32>
    %swap3A_1046 = vector.shape_cast %add3A_1040 : vector<16xi32> to vector<1x16xi32>
    tpu.vector_store %arg7[%swap3A_1042, %swap3A_1043], %swap3A_1046 {strides = array<i32>} : memref<16x128xi32, #tpu.memory_space<vmem>>, vector<1x16xi32>,
    %get3A_1047 = arith.constant 9 : i32
    %get3A_1048 = arith.index_cast %get3A_1047 : i32 to index
    %get3A_1049 = arith.constant 96 : index
    %get3A_1050 = tpu.vector_load %arg7[%get3A_1048, %get3A_1049] {strides = array<i32>} : memref<16x128xi32, #tpu.memory_space<vmem>>, vector<1x16xi32>,
    %get3A_1051 = vector.shape_cast %get3A_1050 : vector<1x16xi32> to vector<16xi32>
    %add3A_1052 = vector.broadcast %mul3A_34 : i32 to vector<16xi32>
    %add3A_1053 = arith.addi %get3A_1051, %add3A_1052 : vector<16xi32>
    %swap3A_1054 = arith.constant 9 : i32
    %swap3A_1055 = arith.index_cast %swap3A_1054 : i32 to index
    %swap3A_1056 = arith.constant 96 : index
    %swap3A_1057 = tpu.vector_load %arg7[%swap3A_1055, %swap3A_1056] {strides = array<i32>} : memref<16x128xi32, #tpu.memory_space<vmem>>, vector<1x16xi32>,
    %swap3A_1058 = vector.shape_cast %swap3A_1057 : vector<1x16xi32> to vector<16xi32>
    %swap3A_1059 = vector.shape_cast %add3A_1053 : vector<16xi32> to vector<1x16xi32>
    tpu.vector_store %arg7[%swap3A_1055, %swap3A_1056], %swap3A_1059 {strides = array<i32>} : memref<16x128xi32, #tpu.memory_space<vmem>>, vector<1x16xi32>,
    %get3A_1060 = arith.constant 9 : i32
    %get3A_1061 = arith.index_cast %get3A_1060 : i32 to index
    %get3A_1062 = arith.constant 112 : index
    %get3A_1063 = tpu.vector_load %arg7[%get3A_1061, %get3A_1062] {strides = array<i32>} : memref<16x128xi32, #tpu.memory_space<vmem>>, vector<1x16xi32>,
    %get3A_1064 = vector.shape_cast %get3A_1063 : vector<1x16xi32> to vector<16xi32>
    %add3A_1065 = vector.broadcast %mul3A_34 : i32 to vector<16xi32>
    %add3A_1066 = arith.addi %get3A_1064, %add3A_1065 : vector<16xi32>
    %swap3A_1067 = arith.constant 9 : i32
    %swap3A_1068 = arith.index_cast %swap3A_1067 : i32 to index
    %swap3A_1069 = arith.constant 112 : index
    %swap3A_1070 = tpu.vector_load %arg7[%swap3A_1068, %swap3A_1069] {strides = array<i32>} : memref<16x128xi32, #tpu.memory_space<vmem>>, vector<1x16xi32>,
    %swap3A_1071 = vector.shape_cast %swap3A_1070 : vector<1x16xi32> to vector<16xi32>
    %swap3A_1072 = vector.shape_cast %add3A_1066 : vector<16xi32> to vector<1x16xi32>
    tpu.vector_store %arg7[%swap3A_1068, %swap3A_1069], %swap3A_1072 {strides = array<i32>} : memref<16x128xi32, #tpu.memory_space<vmem>>, vector<1x16xi32>,
    %get3A_1073 = arith.constant 10 : i32
    %get3A_1074 = arith.index_cast %get3A_1073 : i32 to index
    %get3A_1075 = arith.constant 0 : index
    %get3A_1076 = tpu.vector_load %arg7[%get3A_1074, %get3A_1075] {strides = array<i32>} : memref<16x128xi32, #tpu.memory_space<vmem>>, vector<1x16xi32>,
    %get3A_1077 = vector.shape_cast %get3A_1076 : vector<1x16xi32> to vector<16xi32>
    %add3A_1078 = vector.broadcast %mul3A_34 : i32 to vector<16xi32>
    %add3A_1079 = arith.addi %get3A_1077, %add3A_1078 : vector<16xi32>
    %swap3A_1080 = arith.constant 10 : i32
    %swap3A_1081 = arith.index_cast %swap3A_1080 : i32 to index
    %swap3A_1082 = arith.constant 0 : index
    %swap3A_1083 = tpu.vector_load %arg7[%swap3A_1081, %swap3A_1082] {strides = array<i32>} : memref<16x128xi32, #tpu.memory_space<vmem>>, vector<1x16xi32>,
    %swap3A_1084 = vector.shape_cast %swap3A_1083 : vector<1x16xi32> to vector<16xi32>
    %swap3A_1085 = vector.shape_cast %add3A_1079 : vector<16xi32> to vector<1x16xi32>
    tpu.vector_store %arg7[%swap3A_1081, %swap3A_1082], %swap3A_1085 {strides = array<i32>} : memref<16x128xi32, #tpu.memory_space<vmem>>, vector<1x16xi32>,
    %get3A_1086 = arith.constant 10 : i32
    %get3A_1087 = arith.index_cast %get3A_1086 : i32 to index
    %get3A_1088 = arith.constant 16 : index
    %get3A_1089 = tpu.vector_load %arg7[%get3A_1087, %get3A_1088] {strides = array<i32>} : memref<16x128xi32, #tpu.memory_space<vmem>>, vector<1x16xi32>,
    %get3A_1090 = vector.shape_cast %get3A_1089 : vector<1x16xi32> to vector<16xi32>
    %add3A_1091 = vector.broadcast %mul3A_34 : i32 to vector<16xi32>
    %add3A_1092 = arith.addi %get3A_1090, %add3A_1091 : vector<16xi32>
    %swap3A_1093 = arith.constant 10 : i32
    %swap3A_1094 = arith.index_cast %swap3A_1093 : i32 to index
    %swap3A_1095 = arith.constant 16 : index
    %swap3A_1096 = tpu.vector_load %arg7[%swap3A_1094, %swap3A_1095] {strides = array<i32>} : memref<16x128xi32, #tpu.memory_space<vmem>>, vector<1x16xi32>,
    %swap3A_1097 = vector.shape_cast %swap3A_1096 : vector<1x16xi32> to vector<16xi32>
    %swap3A_1098 = vector.shape_cast %add3A_1092 : vector<16xi32> to vector<1x16xi32>
    tpu.vector_store %arg7[%swap3A_1094, %swap3A_1095], %swap3A_1098 {strides = array<i32>} : memref<16x128xi32, #tpu.memory_space<vmem>>, vector<1x16xi32>,
    %get3A_1099 = arith.constant 10 : i32
    %get3A_1100 = arith.index_cast %get3A_1099 : i32 to index
    %get3A_1101 = arith.constant 32 : index
    %get3A_1102 = tpu.vector_load %arg7[%get3A_1100, %get3A_1101] {strides = array<i32>} : memref<16x128xi32, #tpu.memory_space<vmem>>, vector<1x16xi32>,
    %get3A_1103 = vector.shape_cast %get3A_1102 : vector<1x16xi32> to vector<16xi32>
    %add3A_1104 = vector.broadcast %mul3A_34 : i32 to vector<16xi32>
    %add3A_1105 = arith.addi %get3A_1103, %add3A_1104 : vector<16xi32>
    %swap3A_1106 = arith.constant 10 : i32
    %swap3A_1107 = arith.index_cast %swap3A_1106 : i32 to index
    %swap3A_1108 = arith.constant 32 : index
    %swap3A_1109 = tpu.vector_load %arg7[%swap3A_1107, %swap3A_1108] {strides = array<i32>} : memref<16x128xi32, #tpu.memory_space<vmem>>, vector<1x16xi32>,
    %swap3A_1110 = vector.shape_cast %swap3A_1109 : vector<1x16xi32> to vector<16xi32>
    %swap3A_1111 = vector.shape_cast %add3A_1105 : vector<16xi32> to vector<1x16xi32>
    tpu.vector_store %arg7[%swap3A_1107, %swap3A_1108], %swap3A_1111 {strides = array<i32>} : memref<16x128xi32, #tpu.memory_space<vmem>>, vector<1x16xi32>,
    %get3A_1112 = arith.constant 10 : i32
    %get3A_1113 = arith.index_cast %get3A_1112 : i32 to index
    %get3A_1114 = arith.constant 48 : index
    %get3A_1115 = tpu.vector_load %arg7[%get3A_1113, %get3A_1114] {strides = array<i32>} : memref<16x128xi32, #tpu.memory_space<vmem>>, vector<1x16xi32>,
    %get3A_1116 = vector.shape_cast %get3A_1115 : vector<1x16xi32> to vector<16xi32>
    %add3A_1117 = vector.broadcast %mul3A_34 : i32 to vector<16xi32>
    %add3A_1118 = arith.addi %get3A_1116, %add3A_1117 : vector<16xi32>
    %swap3A_1119 = arith.constant 10 : i32
    %swap3A_1120 = arith.index_cast %swap3A_1119 : i32 to index
    %swap3A_1121 = arith.constant 48 : index
    %swap3A_1122 = tpu.vector_load %arg7[%swap3A_1120, %swap3A_1121] {strides = array<i32>} : memref<16x128xi32, #tpu.memory_space<vmem>>, vector<1x16xi32>,
    %swap3A_1123 = vector.shape_cast %swap3A_1122 : vector<1x16xi32> to vector<16xi32>
    %swap3A_1124 = vector.shape_cast %add3A_1118 : vector<16xi32> to vector<1x16xi32>
    tpu.vector_store %arg7[%swap3A_1120, %swap3A_1121], %swap3A_1124 {strides = array<i32>} : memref<16x128xi32, #tpu.memory_space<vmem>>, vector<1x16xi32>,
    %get3A_1125 = arith.constant 10 : i32
    %get3A_1126 = arith.index_cast %get3A_1125 : i32 to index
    %get3A_1127 = arith.constant 64 : index
    %get3A_1128 = tpu.vector_load %arg7[%get3A_1126, %get3A_1127] {strides = array<i32>} : memref<16x128xi32, #tpu.memory_space<vmem>>, vector<1x16xi32>,
    %get3A_1129 = vector.shape_cast %get3A_1128 : vector<1x16xi32> to vector<16xi32>
    %add3A_1130 = vector.broadcast %mul3A_34 : i32 to vector<16xi32>
    %add3A_1131 = arith.addi %get3A_1129, %add3A_1130 : vector<16xi32>
    %swap3A_1132 = arith.constant 10 : i32
    %swap3A_1133 = arith.index_cast %swap3A_1132 : i32 to index
    %swap3A_1134 = arith.constant 64 : index
    %swap3A_1135 = tpu.vector_load %arg7[%swap3A_1133, %swap3A_1134] {strides = array<i32>} : memref<16x128xi32, #tpu.memory_space<vmem>>, vector<1x16xi32>,
    %swap3A_1136 = vector.shape_cast %swap3A_1135 : vector<1x16xi32> to vector<16xi32>
    %swap3A_1137 = vector.shape_cast %add3A_1131 : vector<16xi32> to vector<1x16xi32>
    tpu.vector_store %arg7[%swap3A_1133, %swap3A_1134], %swap3A_1137 {strides = array<i32>} : memref<16x128xi32, #tpu.memory_space<vmem>>, vector<1x16xi32>,
    %get3A_1138 = arith.constant 10 : i32
    %get3A_1139 = arith.index_cast %get3A_1138 : i32 to index
    %get3A_1140 = arith.constant 80 : index
    %get3A_1141 = tpu.vector_load %arg7[%get3A_1139, %get3A_1140] {strides = array<i32>} : memref<16x128xi32, #tpu.memory_space<vmem>>, vector<1x16xi32>,
    %get3A_1142 = vector.shape_cast %get3A_1141 : vector<1x16xi32> to vector<16xi32>
    %add3A_1143 = vector.broadcast %mul3A_34 : i32 to vector<16xi32>
    %add3A_1144 = arith.addi %get3A_1142, %add3A_1143 : vector<16xi32>
    %swap3A_1145 = arith.constant 10 : i32
    %swap3A_1146 = arith.index_cast %swap3A_1145 : i32 to index
    %swap3A_1147 = arith.constant 80 : index
    %swap3A_1148 = tpu.vector_load %arg7[%swap3A_1146, %swap3A_1147] {strides = array<i32>} : memref<16x128xi32, #tpu.memory_space<vmem>>, vector<1x16xi32>,
    %swap3A_1149 = vector.shape_cast %swap3A_1148 : vector<1x16xi32> to vector<16xi32>
    %swap3A_1150 = vector.shape_cast %add3A_1144 : vector<16xi32> to vector<1x16xi32>
    tpu.vector_store %arg7[%swap3A_1146, %swap3A_1147], %swap3A_1150 {strides = array<i32>} : memref<16x128xi32, #tpu.memory_space<vmem>>, vector<1x16xi32>,
    %get3A_1151 = arith.constant 10 : i32
    %get3A_1152 = arith.index_cast %get3A_1151 : i32 to index
    %get3A_1153 = arith.constant 96 : index
    %get3A_1154 = tpu.vector_load %arg7[%get3A_1152, %get3A_1153] {strides = array<i32>} : memref<16x128xi32, #tpu.memory_space<vmem>>, vector<1x16xi32>,
    %get3A_1155 = vector.shape_cast %get3A_1154 : vector<1x16xi32> to vector<16xi32>
    %add3A_1156 = vector.broadcast %mul3A_34 : i32 to vector<16xi32>
    %add3A_1157 = arith.addi %get3A_1155, %add3A_1156 : vector<16xi32>
    %swap3A_1158 = arith.constant 10 : i32
    %swap3A_1159 = arith.index_cast %swap3A_1158 : i32 to index
    %swap3A_1160 = arith.constant 96 : index
    %swap3A_1161 = tpu.vector_load %arg7[%swap3A_1159, %swap3A_1160] {strides = array<i32>} : memref<16x128xi32, #tpu.memory_space<vmem>>, vector<1x16xi32>,
    %swap3A_1162 = vector.shape_cast %swap3A_1161 : vector<1x16xi32> to vector<16xi32>
    %swap3A_1163 = vector.shape_cast %add3A_1157 : vector<16xi32> to vector<1x16xi32>
    tpu.vector_store %arg7[%swap3A_1159, %swap3A_1160], %swap3A_1163 {strides = array<i32>} : memref<16x128xi32, #tpu.memory_space<vmem>>, vector<1x16xi32>,
    %get3A_1164 = arith.constant 10 : i32
    %get3A_1165 = arith.index_cast %get3A_1164 : i32 to index
    %get3A_1166 = arith.constant 112 : index
    %get3A_1167 = tpu.vector_load %arg7[%get3A_1165, %get3A_1166] {strides = array<i32>} : memref<16x128xi32, #tpu.memory_space<vmem>>, vector<1x16xi32>,
    %get3A_1168 = vector.shape_cast %get3A_1167 : vector<1x16xi32> to vector<16xi32>
    %add3A_1169 = vector.broadcast %mul3A_34 : i32 to vector<16xi32>
    %add3A_1170 = arith.addi %get3A_1168, %add3A_1169 : vector<16xi32>
    %swap3A_1171 = arith.constant 10 : i32
    %swap3A_1172 = arith.index_cast %swap3A_1171 : i32 to index
    %swap3A_1173 = arith.constant 112 : index
    %swap3A_1174 = tpu.vector_load %arg7[%swap3A_1172, %swap3A_1173] {strides = array<i32>} : memref<16x128xi32, #tpu.memory_space<vmem>>, vector<1x16xi32>,
    %swap3A_1175 = vector.shape_cast %swap3A_1174 : vector<1x16xi32> to vector<16xi32>
    %swap3A_1176 = vector.shape_cast %add3A_1170 : vector<16xi32> to vector<1x16xi32>
    tpu.vector_store %arg7[%swap3A_1172, %swap3A_1173], %swap3A_1176 {strides = array<i32>} : memref<16x128xi32, #tpu.memory_space<vmem>>, vector<1x16xi32>,
    %get3A_1177 = arith.constant 11 : i32
    %get3A_1178 = arith.index_cast %get3A_1177 : i32 to index
    %get3A_1179 = arith.constant 0 : index
    %get3A_1180 = tpu.vector_load %arg7[%get3A_1178, %get3A_1179] {strides = array<i32>} : memref<16x128xi32, #tpu.memory_space<vmem>>, vector<1x16xi32>,
    %get3A_1181 = vector.shape_cast %get3A_1180 : vector<1x16xi32> to vector<16xi32>
    %add3A_1182 = vector.broadcast %mul3A_34 : i32 to vector<16xi32>
    %add3A_1183 = arith.addi %get3A_1181, %add3A_1182 : vector<16xi32>
    %swap3A_1184 = arith.constant 11 : i32
    %swap3A_1185 = arith.index_cast %swap3A_1184 : i32 to index
    %swap3A_1186 = arith.constant 0 : index
    %swap3A_1187 = tpu.vector_load %arg7[%swap3A_1185, %swap3A_1186] {strides = array<i32>} : memref<16x128xi32, #tpu.memory_space<vmem>>, vector<1x16xi32>,
    %swap3A_1188 = vector.shape_cast %swap3A_1187 : vector<1x16xi32> to vector<16xi32>
    %swap3A_1189 = vector.shape_cast %add3A_1183 : vector<16xi32> to vector<1x16xi32>
    tpu.vector_store %arg7[%swap3A_1185, %swap3A_1186], %swap3A_1189 {strides = array<i32>} : memref<16x128xi32, #tpu.memory_space<vmem>>, vector<1x16xi32>,
    %get3A_1190 = arith.constant 11 : i32
    %get3A_1191 = arith.index_cast %get3A_1190 : i32 to index
    %get3A_1192 = arith.constant 16 : index
    %get3A_1193 = tpu.vector_load %arg7[%get3A_1191, %get3A_1192] {strides = array<i32>} : memref<16x128xi32, #tpu.memory_space<vmem>>, vector<1x16xi32>,
    %get3A_1194 = vector.shape_cast %get3A_1193 : vector<1x16xi32> to vector<16xi32>
    %add3A_1195 = vector.broadcast %mul3A_34 : i32 to vector<16xi32>
    %add3A_1196 = arith.addi %get3A_1194, %add3A_1195 : vector<16xi32>
    %swap3A_1197 = arith.constant 11 : i32
    %swap3A_1198 = arith.index_cast %swap3A_1197 : i32 to index
    %swap3A_1199 = arith.constant 16 : index
    %swap3A_1200 = tpu.vector_load %arg7[%swap3A_1198, %swap3A_1199] {strides = array<i32>} : memref<16x128xi32, #tpu.memory_space<vmem>>, vector<1x16xi32>,
    %swap3A_1201 = vector.shape_cast %swap3A_1200 : vector<1x16xi32> to vector<16xi32>
    %swap3A_1202 = vector.shape_cast %add3A_1196 : vector<16xi32> to vector<1x16xi32>
    tpu.vector_store %arg7[%swap3A_1198, %swap3A_1199], %swap3A_1202 {strides = array<i32>} : memref<16x128xi32, #tpu.memory_space<vmem>>, vector<1x16xi32>,
    %get3A_1203 = arith.constant 11 : i32
    %get3A_1204 = arith.index_cast %get3A_1203 : i32 to index
    %get3A_1205 = arith.constant 32 : index
    %get3A_1206 = tpu.vector_load %arg7[%get3A_1204, %get3A_1205] {strides = array<i32>} : memref<16x128xi32, #tpu.memory_space<vmem>>, vector<1x16xi32>,
    %get3A_1207 = vector.shape_cast %get3A_1206 : vector<1x16xi32> to vector<16xi32>
    %add3A_1208 = vector.broadcast %mul3A_34 : i32 to vector<16xi32>
    %add3A_1209 = arith.addi %get3A_1207, %add3A_1208 : vector<16xi32>
    %swap3A_1210 = arith.constant 11 : i32
    %swap3A_1211 = arith.index_cast %swap3A_1210 : i32 to index
    %swap3A_1212 = arith.constant 32 : index
    %swap3A_1213 = tpu.vector_load %arg7[%swap3A_1211, %swap3A_1212] {strides = array<i32>} : memref<16x128xi32, #tpu.memory_space<vmem>>, vector<1x16xi32>,
    %swap3A_1214 = vector.shape_cast %swap3A_1213 : vector<1x16xi32> to vector<16xi32>
    %swap3A_1215 = vector.shape_cast %add3A_1209 : vector<16xi32> to vector<1x16xi32>
    tpu.vector_store %arg7[%swap3A_1211, %swap3A_1212], %swap3A_1215 {strides = array<i32>} : memref<16x128xi32, #tpu.memory_space<vmem>>, vector<1x16xi32>,
    %get3A_1216 = arith.constant 11 : i32
    %get3A_1217 = arith.index_cast %get3A_1216 : i32 to index
    %get3A_1218 = arith.constant 48 : index
    %get3A_1219 = tpu.vector_load %arg7[%get3A_1217, %get3A_1218] {strides = array<i32>} : memref<16x128xi32, #tpu.memory_space<vmem>>, vector<1x16xi32>,
    %get3A_1220 = vector.shape_cast %get3A_1219 : vector<1x16xi32> to vector<16xi32>
    %add3A_1221 = vector.broadcast %mul3A_34 : i32 to vector<16xi32>
    %add3A_1222 = arith.addi %get3A_1220, %add3A_1221 : vector<16xi32>
    %swap3A_1223 = arith.constant 11 : i32
    %swap3A_1224 = arith.index_cast %swap3A_1223 : i32 to index
    %swap3A_1225 = arith.constant 48 : index
    %swap3A_1226 = tpu.vector_load %arg7[%swap3A_1224, %swap3A_1225] {strides = array<i32>} : memref<16x128xi32, #tpu.memory_space<vmem>>, vector<1x16xi32>,
    %swap3A_1227 = vector.shape_cast %swap3A_1226 : vector<1x16xi32> to vector<16xi32>
    %swap3A_1228 = vector.shape_cast %add3A_1222 : vector<16xi32> to vector<1x16xi32>
    tpu.vector_store %arg7[%swap3A_1224, %swap3A_1225], %swap3A_1228 {strides = array<i32>} : memref<16x128xi32, #tpu.memory_space<vmem>>, vector<1x16xi32>,
    %get3A_1229 = arith.constant 11 : i32
    %get3A_1230 = arith.index_cast %get3A_1229 : i32 to index
    %get3A_1231 = arith.constant 64 : index
    %get3A_1232 = tpu.vector_load %arg7[%get3A_1230, %get3A_1231] {strides = array<i32>} : memref<16x128xi32, #tpu.memory_space<vmem>>, vector<1x16xi32>,
    %get3A_1233 = vector.shape_cast %get3A_1232 : vector<1x16xi32> to vector<16xi32>
    %add3A_1234 = vector.broadcast %mul3A_34 : i32 to vector<16xi32>
    %add3A_1235 = arith.addi %get3A_1233, %add3A_1234 : vector<16xi32>
    %swap3A_1236 = arith.constant 11 : i32
    %swap3A_1237 = arith.index_cast %swap3A_1236 : i32 to index
    %swap3A_1238 = arith.constant 64 : index
    %swap3A_1239 = tpu.vector_load %arg7[%swap3A_1237, %swap3A_1238] {strides = array<i32>} : memref<16x128xi32, #tpu.memory_space<vmem>>, vector<1x16xi32>,
    %swap3A_1240 = vector.shape_cast %swap3A_1239 : vector<1x16xi32> to vector<16xi32>
    %swap3A_1241 = vector.shape_cast %add3A_1235 : vector<16xi32> to vector<1x16xi32>
    tpu.vector_store %arg7[%swap3A_1237, %swap3A_1238], %swap3A_1241 {strides = array<i32>} : memref<16x128xi32, #tpu.memory_space<vmem>>, vector<1x16xi32>,
    %get3A_1242 = arith.constant 11 : i32
    %get3A_1243 = arith.index_cast %get3A_1242 : i32 to index
    %get3A_1244 = arith.constant 80 : index
    %get3A_1245 = tpu.vector_load %arg7[%get3A_1243, %get3A_1244] {strides = array<i32>} : memref<16x128xi32, #tpu.memory_space<vmem>>, vector<1x16xi32>,
    %get3A_1246 = vector.shape_cast %get3A_1245 : vector<1x16xi32> to vector<16xi32>
    %add3A_1247 = vector.broadcast %mul3A_34 : i32 to vector<16xi32>
    %add3A_1248 = arith.addi %get3A_1246, %add3A_1247 : vector<16xi32>
    %swap3A_1249 = arith.constant 11 : i32
    %swap3A_1250 = arith.index_cast %swap3A_1249 : i32 to index
    %swap3A_1251 = arith.constant 80 : index
    %swap3A_1252 = tpu.vector_load %arg7[%swap3A_1250, %swap3A_1251] {strides = array<i32>} : memref<16x128xi32, #tpu.memory_space<vmem>>, vector<1x16xi32>,
    %swap3A_1253 = vector.shape_cast %swap3A_1252 : vector<1x16xi32> to vector<16xi32>
    %swap3A_1254 = vector.shape_cast %add3A_1248 : vector<16xi32> to vector<1x16xi32>
    tpu.vector_store %arg7[%swap3A_1250, %swap3A_1251], %swap3A_1254 {strides = array<i32>} : memref<16x128xi32, #tpu.memory_space<vmem>>, vector<1x16xi32>,
    %get3A_1255 = arith.constant 11 : i32
    %get3A_1256 = arith.index_cast %get3A_1255 : i32 to index
    %get3A_1257 = arith.constant 96 : index
    %get3A_1258 = tpu.vector_load %arg7[%get3A_1256, %get3A_1257] {strides = array<i32>} : memref<16x128xi32, #tpu.memory_space<vmem>>, vector<1x16xi32>,
    %get3A_1259 = vector.shape_cast %get3A_1258 : vector<1x16xi32> to vector<16xi32>
    %add3A_1260 = vector.broadcast %mul3A_34 : i32 to vector<16xi32>
    %add3A_1261 = arith.addi %get3A_1259, %add3A_1260 : vector<16xi32>
    %swap3A_1262 = arith.constant 11 : i32
    %swap3A_1263 = arith.index_cast %swap3A_1262 : i32 to index
    %swap3A_1264 = arith.constant 96 : index
    %swap3A_1265 = tpu.vector_load %arg7[%swap3A_1263, %swap3A_1264] {strides = array<i32>} : memref<16x128xi32, #tpu.memory_space<vmem>>, vector<1x16xi32>,
    %swap3A_1266 = vector.shape_cast %swap3A_1265 : vector<1x16xi32> to vector<16xi32>
    %swap3A_1267 = vector.shape_cast %add3A_1261 : vector<16xi32> to vector<1x16xi32>
    tpu.vector_store %arg7[%swap3A_1263, %swap3A_1264], %swap3A_1267 {strides = array<i32>} : memref<16x128xi32, #tpu.memory_space<vmem>>, vector<1x16xi32>,
    %get3A_1268 = arith.constant 11 : i32
    %get3A_1269 = arith.index_cast %get3A_1268 : i32 to index
    %get3A_1270 = arith.constant 112 : index
    %get3A_1271 = tpu.vector_load %arg7[%get3A_1269, %get3A_1270] {strides = array<i32>} : memref<16x128xi32, #tpu.memory_space<vmem>>, vector<1x16xi32>,
    %get3A_1272 = vector.shape_cast %get3A_1271 : vector<1x16xi32> to vector<16xi32>
    %add3A_1273 = vector.broadcast %mul3A_34 : i32 to vector<16xi32>
    %add3A_1274 = arith.addi %get3A_1272, %add3A_1273 : vector<16xi32>
    %swap3A_1275 = arith.constant 11 : i32
    %swap3A_1276 = arith.index_cast %swap3A_1275 : i32 to index
    %swap3A_1277 = arith.constant 112 : index
    %swap3A_1278 = tpu.vector_load %arg7[%swap3A_1276, %swap3A_1277] {strides = array<i32>} : memref<16x128xi32, #tpu.memory_space<vmem>>, vector<1x16xi32>,
    %swap3A_1279 = vector.shape_cast %swap3A_1278 : vector<1x16xi32> to vector<16xi32>
    %swap3A_1280 = vector.shape_cast %add3A_1274 : vector<16xi32> to vector<1x16xi32>
    tpu.vector_store %arg7[%swap3A_1276, %swap3A_1277], %swap3A_1280 {strides = array<i32>} : memref<16x128xi32, #tpu.memory_space<vmem>>, vector<1x16xi32>,
    %get3A_1281 = arith.constant 12 : i32
    %get3A_1282 = arith.index_cast %get3A_1281 : i32 to index
    %get3A_1283 = arith.constant 0 : index
    %get3A_1284 = tpu.vector_load %arg7[%get3A_1282, %get3A_1283] {strides = array<i32>} : memref<16x128xi32, #tpu.memory_space<vmem>>, vector<1x16xi32>,
    %get3A_1285 = vector.shape_cast %get3A_1284 : vector<1x16xi32> to vector<16xi32>
    %add3A_1286 = vector.broadcast %mul3A_34 : i32 to vector<16xi32>
    %add3A_1287 = arith.addi %get3A_1285, %add3A_1286 : vector<16xi32>
    %swap3A_1288 = arith.constant 12 : i32
    %swap3A_1289 = arith.index_cast %swap3A_1288 : i32 to index
    %swap3A_1290 = arith.constant 0 : index
    %swap3A_1291 = tpu.vector_load %arg7[%swap3A_1289, %swap3A_1290] {strides = array<i32>} : memref<16x128xi32, #tpu.memory_space<vmem>>, vector<1x16xi32>,
    %swap3A_1292 = vector.shape_cast %swap3A_1291 : vector<1x16xi32> to vector<16xi32>
    %swap3A_1293 = vector.shape_cast %add3A_1287 : vector<16xi32> to vector<1x16xi32>
    tpu.vector_store %arg7[%swap3A_1289, %swap3A_1290], %swap3A_1293 {strides = array<i32>} : memref<16x128xi32, #tpu.memory_space<vmem>>, vector<1x16xi32>,
    %get3A_1294 = arith.constant 12 : i32
    %get3A_1295 = arith.index_cast %get3A_1294 : i32 to index
    %get3A_1296 = arith.constant 16 : index
    %get3A_1297 = tpu.vector_load %arg7[%get3A_1295, %get3A_1296] {strides = array<i32>} : memref<16x128xi32, #tpu.memory_space<vmem>>, vector<1x16xi32>,
    %get3A_1298 = vector.shape_cast %get3A_1297 : vector<1x16xi32> to vector<16xi32>
    %add3A_1299 = vector.broadcast %mul3A_34 : i32 to vector<16xi32>
    %add3A_1300 = arith.addi %get3A_1298, %add3A_1299 : vector<16xi32>
    %swap3A_1301 = arith.constant 12 : i32
    %swap3A_1302 = arith.index_cast %swap3A_1301 : i32 to index
    %swap3A_1303 = arith.constant 16 : index
    %swap3A_1304 = tpu.vector_load %arg7[%swap3A_1302, %swap3A_1303] {strides = array<i32>} : memref<16x128xi32, #tpu.memory_space<vmem>>, vector<1x16xi32>,
    %swap3A_1305 = vector.shape_cast %swap3A_1304 : vector<1x16xi32> to vector<16xi32>
    %swap3A_1306 = vector.shape_cast %add3A_1300 : vector<16xi32> to vector<1x16xi32>
    tpu.vector_store %arg7[%swap3A_1302, %swap3A_1303], %swap3A_1306 {strides = array<i32>} : memref<16x128xi32, #tpu.memory_space<vmem>>, vector<1x16xi32>,
    %get3A_1307 = arith.constant 12 : i32
    %get3A_1308 = arith.index_cast %get3A_1307 : i32 to index
    %get3A_1309 = arith.constant 32 : index
    %get3A_1310 = tpu.vector_load %arg7[%get3A_1308, %get3A_1309] {strides = array<i32>} : memref<16x128xi32, #tpu.memory_space<vmem>>, vector<1x16xi32>,
    %get3A_1311 = vector.shape_cast %get3A_1310 : vector<1x16xi32> to vector<16xi32>
    %add3A_1312 = vector.broadcast %mul3A_34 : i32 to vector<16xi32>
    %add3A_1313 = arith.addi %get3A_1311, %add3A_1312 : vector<16xi32>
    %swap3A_1314 = arith.constant 12 : i32
    %swap3A_1315 = arith.index_cast %swap3A_1314 : i32 to index
    %swap3A_1316 = arith.constant 32 : index
    %swap3A_1317 = tpu.vector_load %arg7[%swap3A_1315, %swap3A_1316] {strides = array<i32>} : memref<16x128xi32, #tpu.memory_space<vmem>>, vector<1x16xi32>,
    %swap3A_1318 = vector.shape_cast %swap3A_1317 : vector<1x16xi32> to vector<16xi32>
    %swap3A_1319 = vector.shape_cast %add3A_1313 : vector<16xi32> to vector<1x16xi32>
    tpu.vector_store %arg7[%swap3A_1315, %swap3A_1316], %swap3A_1319 {strides = array<i32>} : memref<16x128xi32, #tpu.memory_space<vmem>>, vector<1x16xi32>,
    %get3A_1320 = arith.constant 12 : i32
    %get3A_1321 = arith.index_cast %get3A_1320 : i32 to index
    %get3A_1322 = arith.constant 48 : index
    %get3A_1323 = tpu.vector_load %arg7[%get3A_1321, %get3A_1322] {strides = array<i32>} : memref<16x128xi32, #tpu.memory_space<vmem>>, vector<1x16xi32>,
    %get3A_1324 = vector.shape_cast %get3A_1323 : vector<1x16xi32> to vector<16xi32>
    %add3A_1325 = vector.broadcast %mul3A_34 : i32 to vector<16xi32>
    %add3A_1326 = arith.addi %get3A_1324, %add3A_1325 : vector<16xi32>
    %swap3A_1327 = arith.constant 12 : i32
    %swap3A_1328 = arith.index_cast %swap3A_1327 : i32 to index
    %swap3A_1329 = arith.constant 48 : index
    %swap3A_1330 = tpu.vector_load %arg7[%swap3A_1328, %swap3A_1329] {strides = array<i32>} : memref<16x128xi32, #tpu.memory_space<vmem>>, vector<1x16xi32>,
    %swap3A_1331 = vector.shape_cast %swap3A_1330 : vector<1x16xi32> to vector<16xi32>
    %swap3A_1332 = vector.shape_cast %add3A_1326 : vector<16xi32> to vector<1x16xi32>
    tpu.vector_store %arg7[%swap3A_1328, %swap3A_1329], %swap3A_1332 {strides = array<i32>} : memref<16x128xi32, #tpu.memory_space<vmem>>, vector<1x16xi32>,
    %get3A_1333 = arith.constant 12 : i32
    %get3A_1334 = arith.index_cast %get3A_1333 : i32 to index
    %get3A_1335 = arith.constant 64 : index
    %get3A_1336 = tpu.vector_load %arg7[%get3A_1334, %get3A_1335] {strides = array<i32>} : memref<16x128xi32, #tpu.memory_space<vmem>>, vector<1x16xi32>,
    %get3A_1337 = vector.shape_cast %get3A_1336 : vector<1x16xi32> to vector<16xi32>
    %add3A_1338 = vector.broadcast %mul3A_34 : i32 to vector<16xi32>
    %add3A_1339 = arith.addi %get3A_1337, %add3A_1338 : vector<16xi32>
    %swap3A_1340 = arith.constant 12 : i32
    %swap3A_1341 = arith.index_cast %swap3A_1340 : i32 to index
    %swap3A_1342 = arith.constant 64 : index
    %swap3A_1343 = tpu.vector_load %arg7[%swap3A_1341, %swap3A_1342] {strides = array<i32>} : memref<16x128xi32, #tpu.memory_space<vmem>>, vector<1x16xi32>,
    %swap3A_1344 = vector.shape_cast %swap3A_1343 : vector<1x16xi32> to vector<16xi32>
    %swap3A_1345 = vector.shape_cast %add3A_1339 : vector<16xi32> to vector<1x16xi32>
    tpu.vector_store %arg7[%swap3A_1341, %swap3A_1342], %swap3A_1345 {strides = array<i32>} : memref<16x128xi32, #tpu.memory_space<vmem>>, vector<1x16xi32>,
    %get3A_1346 = arith.constant 12 : i32
    %get3A_1347 = arith.index_cast %get3A_1346 : i32 to index
    %get3A_1348 = arith.constant 80 : index
    %get3A_1349 = tpu.vector_load %arg7[%get3A_1347, %get3A_1348] {strides = array<i32>} : memref<16x128xi32, #tpu.memory_space<vmem>>, vector<1x16xi32>,
    %get3A_1350 = vector.shape_cast %get3A_1349 : vector<1x16xi32> to vector<16xi32>
    %add3A_1351 = vector.broadcast %mul3A_34 : i32 to vector<16xi32>
    %add3A_1352 = arith.addi %get3A_1350, %add3A_1351 : vector<16xi32>
    %swap3A_1353 = arith.constant 12 : i32
    %swap3A_1354 = arith.index_cast %swap3A_1353 : i32 to index
    %swap3A_1355 = arith.constant 80 : index
    %swap3A_1356 = tpu.vector_load %arg7[%swap3A_1354, %swap3A_1355] {strides = array<i32>} : memref<16x128xi32, #tpu.memory_space<vmem>>, vector<1x16xi32>,
    %swap3A_1357 = vector.shape_cast %swap3A_1356 : vector<1x16xi32> to vector<16xi32>
    %swap3A_1358 = vector.shape_cast %add3A_1352 : vector<16xi32> to vector<1x16xi32>
    tpu.vector_store %arg7[%swap3A_1354, %swap3A_1355], %swap3A_1358 {strides = array<i32>} : memref<16x128xi32, #tpu.memory_space<vmem>>, vector<1x16xi32>,
    %get3A_1359 = arith.constant 12 : i32
    %get3A_1360 = arith.index_cast %get3A_1359 : i32 to index
    %get3A_1361 = arith.constant 96 : index
    %get3A_1362 = tpu.vector_load %arg7[%get3A_1360, %get3A_1361] {strides = array<i32>} : memref<16x128xi32, #tpu.memory_space<vmem>>, vector<1x16xi32>,
    %get3A_1363 = vector.shape_cast %get3A_1362 : vector<1x16xi32> to vector<16xi32>
    %add3A_1364 = vector.broadcast %mul3A_34 : i32 to vector<16xi32>
    %add3A_1365 = arith.addi %get3A_1363, %add3A_1364 : vector<16xi32>
    %swap3A_1366 = arith.constant 12 : i32
    %swap3A_1367 = arith.index_cast %swap3A_1366 : i32 to index
    %swap3A_1368 = arith.constant 96 : index
    %swap3A_1369 = tpu.vector_load %arg7[%swap3A_1367, %swap3A_1368] {strides = array<i32>} : memref<16x128xi32, #tpu.memory_space<vmem>>, vector<1x16xi32>,
    %swap3A_1370 = vector.shape_cast %swap3A_1369 : vector<1x16xi32> to vector<16xi32>
    %swap3A_1371 = vector.shape_cast %add3A_1365 : vector<16xi32> to vector<1x16xi32>
    tpu.vector_store %arg7[%swap3A_1367, %swap3A_1368], %swap3A_1371 {strides = array<i32>} : memref<16x128xi32, #tpu.memory_space<vmem>>, vector<1x16xi32>,
    %get3A_1372 = arith.constant 12 : i32
    %get3A_1373 = arith.index_cast %get3A_1372 : i32 to index
    %get3A_1374 = arith.constant 112 : index
    %get3A_1375 = tpu.vector_load %arg7[%get3A_1373, %get3A_1374] {strides = array<i32>} : memref<16x128xi32, #tpu.memory_space<vmem>>, vector<1x16xi32>,
    %get3A_1376 = vector.shape_cast %get3A_1375 : vector<1x16xi32> to vector<16xi32>
    %add3A_1377 = vector.broadcast %mul3A_34 : i32 to vector<16xi32>
    %add3A_1378 = arith.addi %get3A_1376, %add3A_1377 : vector<16xi32>
    %swap3A_1379 = arith.constant 12 : i32
    %swap3A_1380 = arith.index_cast %swap3A_1379 : i32 to index
    %swap3A_1381 = arith.constant 112 : index
    %swap3A_1382 = tpu.vector_load %arg7[%swap3A_1380, %swap3A_1381] {strides = array<i32>} : memref<16x128xi32, #tpu.memory_space<vmem>>, vector<1x16xi32>,
    %swap3A_1383 = vector.shape_cast %swap3A_1382 : vector<1x16xi32> to vector<16xi32>
    %swap3A_1384 = vector.shape_cast %add3A_1378 : vector<16xi32> to vector<1x16xi32>
    tpu.vector_store %arg7[%swap3A_1380, %swap3A_1381], %swap3A_1384 {strides = array<i32>} : memref<16x128xi32, #tpu.memory_space<vmem>>, vector<1x16xi32>,
    %get3A_1385 = arith.constant 13 : i32
    %get3A_1386 = arith.index_cast %get3A_1385 : i32 to index
    %get3A_1387 = arith.constant 0 : index
    %get3A_1388 = tpu.vector_load %arg7[%get3A_1386, %get3A_1387] {strides = array<i32>} : memref<16x128xi32, #tpu.memory_space<vmem>>, vector<1x16xi32>,
    %get3A_1389 = vector.shape_cast %get3A_1388 : vector<1x16xi32> to vector<16xi32>
    %add3A_1390 = vector.broadcast %mul3A_34 : i32 to vector<16xi32>
    %add3A_1391 = arith.addi %get3A_1389, %add3A_1390 : vector<16xi32>
    %swap3A_1392 = arith.constant 13 : i32
    %swap3A_1393 = arith.index_cast %swap3A_1392 : i32 to index
    %swap3A_1394 = arith.constant 0 : index
    %swap3A_1395 = tpu.vector_load %arg7[%swap3A_1393, %swap3A_1394] {strides = array<i32>} : memref<16x128xi32, #tpu.memory_space<vmem>>, vector<1x16xi32>,
    %swap3A_1396 = vector.shape_cast %swap3A_1395 : vector<1x16xi32> to vector<16xi32>
    %swap3A_1397 = vector.shape_cast %add3A_1391 : vector<16xi32> to vector<1x16xi32>
    tpu.vector_store %arg7[%swap3A_1393, %swap3A_1394], %swap3A_1397 {strides = array<i32>} : memref<16x128xi32, #tpu.memory_space<vmem>>, vector<1x16xi32>,
    %get3A_1398 = arith.constant 13 : i32
    %get3A_1399 = arith.index_cast %get3A_1398 : i32 to index
    %get3A_1400 = arith.constant 16 : index
    %get3A_1401 = tpu.vector_load %arg7[%get3A_1399, %get3A_1400] {strides = array<i32>} : memref<16x128xi32, #tpu.memory_space<vmem>>, vector<1x16xi32>,
    %get3A_1402 = vector.shape_cast %get3A_1401 : vector<1x16xi32> to vector<16xi32>
    %add3A_1403 = vector.broadcast %mul3A_34 : i32 to vector<16xi32>
    %add3A_1404 = arith.addi %get3A_1402, %add3A_1403 : vector<16xi32>
    %swap3A_1405 = arith.constant 13 : i32
    %swap3A_1406 = arith.index_cast %swap3A_1405 : i32 to index
    %swap3A_1407 = arith.constant 16 : index
    %swap3A_1408 = tpu.vector_load %arg7[%swap3A_1406, %swap3A_1407] {strides = array<i32>} : memref<16x128xi32, #tpu.memory_space<vmem>>, vector<1x16xi32>,
    %swap3A_1409 = vector.shape_cast %swap3A_1408 : vector<1x16xi32> to vector<16xi32>
    %swap3A_1410 = vector.shape_cast %add3A_1404 : vector<16xi32> to vector<1x16xi32>
    tpu.vector_store %arg7[%swap3A_1406, %swap3A_1407], %swap3A_1410 {strides = array<i32>} : memref<16x128xi32, #tpu.memory_space<vmem>>, vector<1x16xi32>,
    %get3A_1411 = arith.constant 13 : i32
    %get3A_1412 = arith.index_cast %get3A_1411 : i32 to index
    %get3A_1413 = arith.constant 32 : index
    %get3A_1414 = tpu.vector_load %arg7[%get3A_1412, %get3A_1413] {strides = array<i32>} : memref<16x128xi32, #tpu.memory_space<vmem>>, vector<1x16xi32>,
    %get3A_1415 = vector.shape_cast %get3A_1414 : vector<1x16xi32> to vector<16xi32>
    %add3A_1416 = vector.broadcast %mul3A_34 : i32 to vector<16xi32>
    %add3A_1417 = arith.addi %get3A_1415, %add3A_1416 : vector<16xi32>
    %swap3A_1418 = arith.constant 13 : i32
    %swap3A_1419 = arith.index_cast %swap3A_1418 : i32 to index
    %swap3A_1420 = arith.constant 32 : index
    %swap3A_1421 = tpu.vector_load %arg7[%swap3A_1419, %swap3A_1420] {strides = array<i32>} : memref<16x128xi32, #tpu.memory_space<vmem>>, vector<1x16xi32>,
    %swap3A_1422 = vector.shape_cast %swap3A_1421 : vector<1x16xi32> to vector<16xi32>
    %swap3A_1423 = vector.shape_cast %add3A_1417 : vector<16xi32> to vector<1x16xi32>
    tpu.vector_store %arg7[%swap3A_1419, %swap3A_1420], %swap3A_1423 {strides = array<i32>} : memref<16x128xi32, #tpu.memory_space<vmem>>, vector<1x16xi32>,
    %get3A_1424 = arith.constant 13 : i32
    %get3A_1425 = arith.index_cast %get3A_1424 : i32 to index
    %get3A_1426 = arith.constant 48 : index
    %get3A_1427 = tpu.vector_load %arg7[%get3A_1425, %get3A_1426] {strides = array<i32>} : memref<16x128xi32, #tpu.memory_space<vmem>>, vector<1x16xi32>,
    %get3A_1428 = vector.shape_cast %get3A_1427 : vector<1x16xi32> to vector<16xi32>
    %add3A_1429 = vector.broadcast %mul3A_34 : i32 to vector<16xi32>
    %add3A_1430 = arith.addi %get3A_1428, %add3A_1429 : vector<16xi32>
    %swap3A_1431 = arith.constant 13 : i32
    %swap3A_1432 = arith.index_cast %swap3A_1431 : i32 to index
    %swap3A_1433 = arith.constant 48 : index
    %swap3A_1434 = tpu.vector_load %arg7[%swap3A_1432, %swap3A_1433] {strides = array<i32>} : memref<16x128xi32, #tpu.memory_space<vmem>>, vector<1x16xi32>,
    %swap3A_1435 = vector.shape_cast %swap3A_1434 : vector<1x16xi32> to vector<16xi32>
    %swap3A_1436 = vector.shape_cast %add3A_1430 : vector<16xi32> to vector<1x16xi32>
    tpu.vector_store %arg7[%swap3A_1432, %swap3A_1433], %swap3A_1436 {strides = array<i32>} : memref<16x128xi32, #tpu.memory_space<vmem>>, vector<1x16xi32>,
    %get3A_1437 = arith.constant 13 : i32
    %get3A_1438 = arith.index_cast %get3A_1437 : i32 to index
    %get3A_1439 = arith.constant 64 : index
    %get3A_1440 = tpu.vector_load %arg7[%get3A_1438, %get3A_1439] {strides = array<i32>} : memref<16x128xi32, #tpu.memory_space<vmem>>, vector<1x16xi32>,
    %get3A_1441 = vector.shape_cast %get3A_1440 : vector<1x16xi32> to vector<16xi32>
    %add3A_1442 = vector.broadcast %mul3A_34 : i32 to vector<16xi32>
    %add3A_1443 = arith.addi %get3A_1441, %add3A_1442 : vector<16xi32>
    %swap3A_1444 = arith.constant 13 : i32
    %swap3A_1445 = arith.index_cast %swap3A_1444 : i32 to index
    %swap3A_1446 = arith.constant 64 : index
    %swap3A_1447 = tpu.vector_load %arg7[%swap3A_1445, %swap3A_1446] {strides = array<i32>} : memref<16x128xi32, #tpu.memory_space<vmem>>, vector<1x16xi32>,
    %swap3A_1448 = vector.shape_cast %swap3A_1447 : vector<1x16xi32> to vector<16xi32>
    %swap3A_1449 = vector.shape_cast %add3A_1443 : vector<16xi32> to vector<1x16xi32>
    tpu.vector_store %arg7[%swap3A_1445, %swap3A_1446], %swap3A_1449 {strides = array<i32>} : memref<16x128xi32, #tpu.memory_space<vmem>>, vector<1x16xi32>,
    %get3A_1450 = arith.constant 13 : i32
    %get3A_1451 = arith.index_cast %get3A_1450 : i32 to index
    %get3A_1452 = arith.constant 80 : index
    %get3A_1453 = tpu.vector_load %arg7[%get3A_1451, %get3A_1452] {strides = array<i32>} : memref<16x128xi32, #tpu.memory_space<vmem>>, vector<1x16xi32>,
    %get3A_1454 = vector.shape_cast %get3A_1453 : vector<1x16xi32> to vector<16xi32>
    %add3A_1455 = vector.broadcast %mul3A_34 : i32 to vector<16xi32>
    %add3A_1456 = arith.addi %get3A_1454, %add3A_1455 : vector<16xi32>
    %swap3A_1457 = arith.constant 13 : i32
    %swap3A_1458 = arith.index_cast %swap3A_1457 : i32 to index
    %swap3A_1459 = arith.constant 80 : index
    %swap3A_1460 = tpu.vector_load %arg7[%swap3A_1458, %swap3A_1459] {strides = array<i32>} : memref<16x128xi32, #tpu.memory_space<vmem>>, vector<1x16xi32>,
    %swap3A_1461 = vector.shape_cast %swap3A_1460 : vector<1x16xi32> to vector<16xi32>
    %swap3A_1462 = vector.shape_cast %add3A_1456 : vector<16xi32> to vector<1x16xi32>
    tpu.vector_store %arg7[%swap3A_1458, %swap3A_1459], %swap3A_1462 {strides = array<i32>} : memref<16x128xi32, #tpu.memory_space<vmem>>, vector<1x16xi32>,
    %get3A_1463 = arith.constant 13 : i32
    %get3A_1464 = arith.index_cast %get3A_1463 : i32 to index
    %get3A_1465 = arith.constant 96 : index
    %get3A_1466 = tpu.vector_load %arg7[%get3A_1464, %get3A_1465] {strides = array<i32>} : memref<16x128xi32, #tpu.memory_space<vmem>>, vector<1x16xi32>,
    %get3A_1467 = vector.shape_cast %get3A_1466 : vector<1x16xi32> to vector<16xi32>
    %add3A_1468 = vector.broadcast %mul3A_34 : i32 to vector<16xi32>
    %add3A_1469 = arith.addi %get3A_1467, %add3A_1468 : vector<16xi32>
    %swap3A_1470 = arith.constant 13 : i32
    %swap3A_1471 = arith.index_cast %swap3A_1470 : i32 to index
    %swap3A_1472 = arith.constant 96 : index
    %swap3A_1473 = tpu.vector_load %arg7[%swap3A_1471, %swap3A_1472] {strides = array<i32>} : memref<16x128xi32, #tpu.memory_space<vmem>>, vector<1x16xi32>,
    %swap3A_1474 = vector.shape_cast %swap3A_1473 : vector<1x16xi32> to vector<16xi32>
    %swap3A_1475 = vector.shape_cast %add3A_1469 : vector<16xi32> to vector<1x16xi32>
    tpu.vector_store %arg7[%swap3A_1471, %swap3A_1472], %swap3A_1475 {strides = array<i32>} : memref<16x128xi32, #tpu.memory_space<vmem>>, vector<1x16xi32>,
    %get3A_1476 = arith.constant 13 : i32
    %get3A_1477 = arith.index_cast %get3A_1476 : i32 to index
    %get3A_1478 = arith.constant 112 : index
    %get3A_1479 = tpu.vector_load %arg7[%get3A_1477, %get3A_1478] {strides = array<i32>} : memref<16x128xi32, #tpu.memory_space<vmem>>, vector<1x16xi32>,
    %get3A_1480 = vector.shape_cast %get3A_1479 : vector<1x16xi32> to vector<16xi32>
    %add3A_1481 = vector.broadcast %mul3A_34 : i32 to vector<16xi32>
    %add3A_1482 = arith.addi %get3A_1480, %add3A_1481 : vector<16xi32>
    %swap3A_1483 = arith.constant 13 : i32
    %swap3A_1484 = arith.index_cast %swap3A_1483 : i32 to index
    %swap3A_1485 = arith.constant 112 : index
    %swap3A_1486 = tpu.vector_load %arg7[%swap3A_1484, %swap3A_1485] {strides = array<i32>} : memref<16x128xi32, #tpu.memory_space<vmem>>, vector<1x16xi32>,
    %swap3A_1487 = vector.shape_cast %swap3A_1486 : vector<1x16xi32> to vector<16xi32>
    %swap3A_1488 = vector.shape_cast %add3A_1482 : vector<16xi32> to vector<1x16xi32>
    tpu.vector_store %arg7[%swap3A_1484, %swap3A_1485], %swap3A_1488 {strides = array<i32>} : memref<16x128xi32, #tpu.memory_space<vmem>>, vector<1x16xi32>,
    %get3A_1489 = arith.constant 14 : i32
    %get3A_1490 = arith.index_cast %get3A_1489 : i32 to index
    %get3A_1491 = arith.constant 0 : index
    %get3A_1492 = tpu.vector_load %arg7[%get3A_1490, %get3A_1491] {strides = array<i32>} : memref<16x128xi32, #tpu.memory_space<vmem>>, vector<1x16xi32>,
    %get3A_1493 = vector.shape_cast %get3A_1492 : vector<1x16xi32> to vector<16xi32>
    %add3A_1494 = vector.broadcast %mul3A_34 : i32 to vector<16xi32>
    %add3A_1495 = arith.addi %get3A_1493, %add3A_1494 : vector<16xi32>
    %swap3A_1496 = arith.constant 14 : i32
    %swap3A_1497 = arith.index_cast %swap3A_1496 : i32 to index
    %swap3A_1498 = arith.constant 0 : index
    %swap3A_1499 = tpu.vector_load %arg7[%swap3A_1497, %swap3A_1498] {strides = array<i32>} : memref<16x128xi32, #tpu.memory_space<vmem>>, vector<1x16xi32>,
    %swap3A_1500 = vector.shape_cast %swap3A_1499 : vector<1x16xi32> to vector<16xi32>
    %swap3A_1501 = vector.shape_cast %add3A_1495 : vector<16xi32> to vector<1x16xi32>
    tpu.vector_store %arg7[%swap3A_1497, %swap3A_1498], %swap3A_1501 {strides = array<i32>} : memref<16x128xi32, #tpu.memory_space<vmem>>, vector<1x16xi32>,
    %get3A_1502 = arith.constant 14 : i32
    %get3A_1503 = arith.index_cast %get3A_1502 : i32 to index
    %get3A_1504 = arith.constant 16 : index
    %get3A_1505 = tpu.vector_load %arg7[%get3A_1503, %get3A_1504] {strides = array<i32>} : memref<16x128xi32, #tpu.memory_space<vmem>>, vector<1x16xi32>,
    %get3A_1506 = vector.shape_cast %get3A_1505 : vector<1x16xi32> to vector<16xi32>
    %add3A_1507 = vector.broadcast %mul3A_34 : i32 to vector<16xi32>
    %add3A_1508 = arith.addi %get3A_1506, %add3A_1507 : vector<16xi32>
    %swap3A_1509 = arith.constant 14 : i32
    %swap3A_1510 = arith.index_cast %swap3A_1509 : i32 to index
    %swap3A_1511 = arith.constant 16 : index
    %swap3A_1512 = tpu.vector_load %arg7[%swap3A_1510, %swap3A_1511] {strides = array<i32>} : memref<16x128xi32, #tpu.memory_space<vmem>>, vector<1x16xi32>,
    %swap3A_1513 = vector.shape_cast %swap3A_1512 : vector<1x16xi32> to vector<16xi32>
    %swap3A_1514 = vector.shape_cast %add3A_1508 : vector<16xi32> to vector<1x16xi32>
    tpu.vector_store %arg7[%swap3A_1510, %swap3A_1511], %swap3A_1514 {strides = array<i32>} : memref<16x128xi32, #tpu.memory_space<vmem>>, vector<1x16xi32>,
    %get3A_1515 = arith.constant 14 : i32
    %get3A_1516 = arith.index_cast %get3A_1515 : i32 to index
    %get3A_1517 = arith.constant 32 : index
    %get3A_1518 = tpu.vector_load %arg7[%get3A_1516, %get3A_1517] {strides = array<i32>} : memref<16x128xi32, #tpu.memory_space<vmem>>, vector<1x16xi32>,
    %get3A_1519 = vector.shape_cast %get3A_1518 : vector<1x16xi32> to vector<16xi32>
    %add3A_1520 = vector.broadcast %mul3A_34 : i32 to vector<16xi32>
    %add3A_1521 = arith.addi %get3A_1519, %add3A_1520 : vector<16xi32>
    %swap3A_1522 = arith.constant 14 : i32
    %swap3A_1523 = arith.index_cast %swap3A_1522 : i32 to index
    %swap3A_1524 = arith.constant 32 : index
    %swap3A_1525 = tpu.vector_load %arg7[%swap3A_1523, %swap3A_1524] {strides = array<i32>} : memref<16x128xi32, #tpu.memory_space<vmem>>, vector<1x16xi32>,
    %swap3A_1526 = vector.shape_cast %swap3A_1525 : vector<1x16xi32> to vector<16xi32>
    %swap3A_1527 = vector.shape_cast %add3A_1521 : vector<16xi32> to vector<1x16xi32>
    tpu.vector_store %arg7[%swap3A_1523, %swap3A_1524], %swap3A_1527 {strides = array<i32>} : memref<16x128xi32, #tpu.memory_space<vmem>>, vector<1x16xi32>,
    %get3A_1528 = arith.constant 14 : i32
    %get3A_1529 = arith.index_cast %get3A_1528 : i32 to index
    %get3A_1530 = arith.constant 48 : index
    %get3A_1531 = tpu.vector_load %arg7[%get3A_1529, %get3A_1530] {strides = array<i32>} : memref<16x128xi32, #tpu.memory_space<vmem>>, vector<1x16xi32>,
    %get3A_1532 = vector.shape_cast %get3A_1531 : vector<1x16xi32> to vector<16xi32>
    %add3A_1533 = vector.broadcast %mul3A_34 : i32 to vector<16xi32>
    %add3A_1534 = arith.addi %get3A_1532, %add3A_1533 : vector<16xi32>
    %swap3A_1535 = arith.constant 14 : i32
    %swap3A_1536 = arith.index_cast %swap3A_1535 : i32 to index
    %swap3A_1537 = arith.constant 48 : index
    %swap3A_1538 = tpu.vector_load %arg7[%swap3A_1536, %swap3A_1537] {strides = array<i32>} : memref<16x128xi32, #tpu.memory_space<vmem>>, vector<1x16xi32>,
    %swap3A_1539 = vector.shape_cast %swap3A_1538 : vector<1x16xi32> to vector<16xi32>
    %swap3A_1540 = vector.shape_cast %add3A_1534 : vector<16xi32> to vector<1x16xi32>
    tpu.vector_store %arg7[%swap3A_1536, %swap3A_1537], %swap3A_1540 {strides = array<i32>} : memref<16x128xi32, #tpu.memory_space<vmem>>, vector<1x16xi32>,
    %get3A_1541 = arith.constant 14 : i32
    %get3A_1542 = arith.index_cast %get3A_1541 : i32 to index
    %get3A_1543 = arith.constant 64 : index
    %get3A_1544 = tpu.vector_load %arg7[%get3A_1542, %get3A_1543] {strides = array<i32>} : memref<16x128xi32, #tpu.memory_space<vmem>>, vector<1x16xi32>,
    %get3A_1545 = vector.shape_cast %get3A_1544 : vector<1x16xi32> to vector<16xi32>
    %add3A_1546 = vector.broadcast %mul3A_34 : i32 to vector<16xi32>
    %add3A_1547 = arith.addi %get3A_1545, %add3A_1546 : vector<16xi32>
    %swap3A_1548 = arith.constant 14 : i32
    %swap3A_1549 = arith.index_cast %swap3A_1548 : i32 to index
    %swap3A_1550 = arith.constant 64 : index
    %swap3A_1551 = tpu.vector_load %arg7[%swap3A_1549, %swap3A_1550] {strides = array<i32>} : memref<16x128xi32, #tpu.memory_space<vmem>>, vector<1x16xi32>,
    %swap3A_1552 = vector.shape_cast %swap3A_1551 : vector<1x16xi32> to vector<16xi32>
    %swap3A_1553 = vector.shape_cast %add3A_1547 : vector<16xi32> to vector<1x16xi32>
    tpu.vector_store %arg7[%swap3A_1549, %swap3A_1550], %swap3A_1553 {strides = array<i32>} : memref<16x128xi32, #tpu.memory_space<vmem>>, vector<1x16xi32>,
    %get3A_1554 = arith.constant 14 : i32
    %get3A_1555 = arith.index_cast %get3A_1554 : i32 to index
    %get3A_1556 = arith.constant 80 : index
    %get3A_1557 = tpu.vector_load %arg7[%get3A_1555, %get3A_1556] {strides = array<i32>} : memref<16x128xi32, #tpu.memory_space<vmem>>, vector<1x16xi32>,
    %get3A_1558 = vector.shape_cast %get3A_1557 : vector<1x16xi32> to vector<16xi32>
    %add3A_1559 = vector.broadcast %mul3A_34 : i32 to vector<16xi32>
    %add3A_1560 = arith.addi %get3A_1558, %add3A_1559 : vector<16xi32>
    %swap3A_1561 = arith.constant 14 : i32
    %swap3A_1562 = arith.index_cast %swap3A_1561 : i32 to index
    %swap3A_1563 = arith.constant 80 : index
    %swap3A_1564 = tpu.vector_load %arg7[%swap3A_1562, %swap3A_1563] {strides = array<i32>} : memref<16x128xi32, #tpu.memory_space<vmem>>, vector<1x16xi32>,
    %swap3A_1565 = vector.shape_cast %swap3A_1564 : vector<1x16xi32> to vector<16xi32>
    %swap3A_1566 = vector.shape_cast %add3A_1560 : vector<16xi32> to vector<1x16xi32>
    tpu.vector_store %arg7[%swap3A_1562, %swap3A_1563], %swap3A_1566 {strides = array<i32>} : memref<16x128xi32, #tpu.memory_space<vmem>>, vector<1x16xi32>,
    %get3A_1567 = arith.constant 14 : i32
    %get3A_1568 = arith.index_cast %get3A_1567 : i32 to index
    %get3A_1569 = arith.constant 96 : index
    %get3A_1570 = tpu.vector_load %arg7[%get3A_1568, %get3A_1569] {strides = array<i32>} : memref<16x128xi32, #tpu.memory_space<vmem>>, vector<1x16xi32>,
    %get3A_1571 = vector.shape_cast %get3A_1570 : vector<1x16xi32> to vector<16xi32>
    %add3A_1572 = vector.broadcast %mul3A_34 : i32 to vector<16xi32>
    %add3A_1573 = arith.addi %get3A_1571, %add3A_1572 : vector<16xi32>
    %swap3A_1574 = arith.constant 14 : i32
    %swap3A_1575 = arith.index_cast %swap3A_1574 : i32 to index
    %swap3A_1576 = arith.constant 96 : index
    %swap3A_1577 = tpu.vector_load %arg7[%swap3A_1575, %swap3A_1576] {strides = array<i32>} : memref<16x128xi32, #tpu.memory_space<vmem>>, vector<1x16xi32>,
    %swap3A_1578 = vector.shape_cast %swap3A_1577 : vector<1x16xi32> to vector<16xi32>
    %swap3A_1579 = vector.shape_cast %add3A_1573 : vector<16xi32> to vector<1x16xi32>
    tpu.vector_store %arg7[%swap3A_1575, %swap3A_1576], %swap3A_1579 {strides = array<i32>} : memref<16x128xi32, #tpu.memory_space<vmem>>, vector<1x16xi32>,
    %get3A_1580 = arith.constant 14 : i32
    %get3A_1581 = arith.index_cast %get3A_1580 : i32 to index
    %get3A_1582 = arith.constant 112 : index
    %get3A_1583 = tpu.vector_load %arg7[%get3A_1581, %get3A_1582] {strides = array<i32>} : memref<16x128xi32, #tpu.memory_space<vmem>>, vector<1x16xi32>,
    %get3A_1584 = vector.shape_cast %get3A_1583 : vector<1x16xi32> to vector<16xi32>
    %add3A_1585 = vector.broadcast %mul3A_34 : i32 to vector<16xi32>
    %add3A_1586 = arith.addi %get3A_1584, %add3A_1585 : vector<16xi32>
    %swap3A_1587 = arith.constant 14 : i32
    %swap3A_1588 = arith.index_cast %swap3A_1587 : i32 to index
    %swap3A_1589 = arith.constant 112 : index
    %swap3A_1590 = tpu.vector_load %arg7[%swap3A_1588, %swap3A_1589] {strides = array<i32>} : memref<16x128xi32, #tpu.memory_space<vmem>>, vector<1x16xi32>,
    %swap3A_1591 = vector.shape_cast %swap3A_1590 : vector<1x16xi32> to vector<16xi32>
    %swap3A_1592 = vector.shape_cast %add3A_1586 : vector<16xi32> to vector<1x16xi32>
    tpu.vector_store %arg7[%swap3A_1588, %swap3A_1589], %swap3A_1592 {strides = array<i32>} : memref<16x128xi32, #tpu.memory_space<vmem>>, vector<1x16xi32>,
    %get3A_1593 = arith.constant 15 : i32
    %get3A_1594 = arith.index_cast %get3A_1593 : i32 to index
    %get3A_1595 = arith.constant 0 : index
    %get3A_1596 = tpu.vector_load %arg7[%get3A_1594, %get3A_1595] {strides = array<i32>} : memref<16x128xi32, #tpu.memory_space<vmem>>, vector<1x16xi32>,
    %get3A_1597 = vector.shape_cast %get3A_1596 : vector<1x16xi32> to vector<16xi32>
    %add3A_1598 = vector.broadcast %mul3A_34 : i32 to vector<16xi32>
    %add3A_1599 = arith.addi %get3A_1597, %add3A_1598 : vector<16xi32>
    %swap3A_1600 = arith.constant 15 : i32
    %swap3A_1601 = arith.index_cast %swap3A_1600 : i32 to index
    %swap3A_1602 = arith.constant 0 : index
    %swap3A_1603 = tpu.vector_load %arg7[%swap3A_1601, %swap3A_1602] {strides = array<i32>} : memref<16x128xi32, #tpu.memory_space<vmem>>, vector<1x16xi32>,
    %swap3A_1604 = vector.shape_cast %swap3A_1603 : vector<1x16xi32> to vector<16xi32>
    %swap3A_1605 = vector.shape_cast %add3A_1599 : vector<16xi32> to vector<1x16xi32>
    tpu.vector_store %arg7[%swap3A_1601, %swap3A_1602], %swap3A_1605 {strides = array<i32>} : memref<16x128xi32, #tpu.memory_space<vmem>>, vector<1x16xi32>,
    %get3A_1606 = arith.constant 15 : i32
    %get3A_1607 = arith.index_cast %get3A_1606 : i32 to index
    %get3A_1608 = arith.constant 16 : index
    %get3A_1609 = tpu.vector_load %arg7[%get3A_1607, %get3A_1608] {strides = array<i32>} : memref<16x128xi32, #tpu.memory_space<vmem>>, vector<1x16xi32>,
    %get3A_1610 = vector.shape_cast %get3A_1609 : vector<1x16xi32> to vector<16xi32>
    %add3A_1611 = vector.broadcast %mul3A_34 : i32 to vector<16xi32>
    %add3A_1612 = arith.addi %get3A_1610, %add3A_1611 : vector<16xi32>
    %swap3A_1613 = arith.constant 15 : i32
    %swap3A_1614 = arith.index_cast %swap3A_1613 : i32 to index
    %swap3A_1615 = arith.constant 16 : index
    %swap3A_1616 = tpu.vector_load %arg7[%swap3A_1614, %swap3A_1615] {strides = array<i32>} : memref<16x128xi32, #tpu.memory_space<vmem>>, vector<1x16xi32>,
    %swap3A_1617 = vector.shape_cast %swap3A_1616 : vector<1x16xi32> to vector<16xi32>
    %swap3A_1618 = vector.shape_cast %add3A_1612 : vector<16xi32> to vector<1x16xi32>
    tpu.vector_store %arg7[%swap3A_1614, %swap3A_1615], %swap3A_1618 {strides = array<i32>} : memref<16x128xi32, #tpu.memory_space<vmem>>, vector<1x16xi32>,
    %get3A_1619 = arith.constant 15 : i32
    %get3A_1620 = arith.index_cast %get3A_1619 : i32 to index
    %get3A_1621 = arith.constant 32 : index
    %get3A_1622 = tpu.vector_load %arg7[%get3A_1620, %get3A_1621] {strides = array<i32>} : memref<16x128xi32, #tpu.memory_space<vmem>>, vector<1x16xi32>,
    %get3A_1623 = vector.shape_cast %get3A_1622 : vector<1x16xi32> to vector<16xi32>
    %add3A_1624 = vector.broadcast %mul3A_34 : i32 to vector<16xi32>
    %add3A_1625 = arith.addi %get3A_1623, %add3A_1624 : vector<16xi32>
    %swap3A_1626 = arith.constant 15 : i32
    %swap3A_1627 = arith.index_cast %swap3A_1626 : i32 to index
    %swap3A_1628 = arith.constant 32 : index
    %swap3A_1629 = tpu.vector_load %arg7[%swap3A_1627, %swap3A_1628] {strides = array<i32>} : memref<16x128xi32, #tpu.memory_space<vmem>>, vector<1x16xi32>,
    %swap3A_1630 = vector.shape_cast %swap3A_1629 : vector<1x16xi32> to vector<16xi32>
    %swap3A_1631 = vector.shape_cast %add3A_1625 : vector<16xi32> to vector<1x16xi32>
    tpu.vector_store %arg7[%swap3A_1627, %swap3A_1628], %swap3A_1631 {strides = array<i32>} : memref<16x128xi32, #tpu.memory_space<vmem>>, vector<1x16xi32>,
    %get3A_1632 = arith.constant 15 : i32
    %get3A_1633 = arith.index_cast %get3A_1632 : i32 to index
    %get3A_1634 = arith.constant 48 : index
    %get3A_1635 = tpu.vector_load %arg7[%get3A_1633, %get3A_1634] {strides = array<i32>} : memref<16x128xi32, #tpu.memory_space<vmem>>, vector<1x16xi32>,
    %get3A_1636 = vector.shape_cast %get3A_1635 : vector<1x16xi32> to vector<16xi32>
    %add3A_1637 = vector.broadcast %mul3A_34 : i32 to vector<16xi32>
    %add3A_1638 = arith.addi %get3A_1636, %add3A_1637 : vector<16xi32>
    %swap3A_1639 = arith.constant 15 : i32
    %swap3A_1640 = arith.index_cast %swap3A_1639 : i32 to index
    %swap3A_1641 = arith.constant 48 : index
    %swap3A_1642 = tpu.vector_load %arg7[%swap3A_1640, %swap3A_1641] {strides = array<i32>} : memref<16x128xi32, #tpu.memory_space<vmem>>, vector<1x16xi32>,
    %swap3A_1643 = vector.shape_cast %swap3A_1642 : vector<1x16xi32> to vector<16xi32>
    %swap3A_1644 = vector.shape_cast %add3A_1638 : vector<16xi32> to vector<1x16xi32>
    tpu.vector_store %arg7[%swap3A_1640, %swap3A_1641], %swap3A_1644 {strides = array<i32>} : memref<16x128xi32, #tpu.memory_space<vmem>>, vector<1x16xi32>,
    %get3A_1645 = arith.constant 15 : i32
    %get3A_1646 = arith.index_cast %get3A_1645 : i32 to index
    %get3A_1647 = arith.constant 64 : index
    %get3A_1648 = tpu.vector_load %arg7[%get3A_1646, %get3A_1647] {strides = array<i32>} : memref<16x128xi32, #tpu.memory_space<vmem>>, vector<1x16xi32>,
    %get3A_1649 = vector.shape_cast %get3A_1648 : vector<1x16xi32> to vector<16xi32>
    %add3A_1650 = vector.broadcast %mul3A_34 : i32 to vector<16xi32>
    %add3A_1651 = arith.addi %get3A_1649, %add3A_1650 : vector<16xi32>
    %swap3A_1652 = arith.constant 15 : i32
    %swap3A_1653 = arith.index_cast %swap3A_1652 : i32 to index
    %swap3A_1654 = arith.constant 64 : index
    %swap3A_1655 = tpu.vector_load %arg7[%swap3A_1653, %swap3A_1654] {strides = array<i32>} : memref<16x128xi32, #tpu.memory_space<vmem>>, vector<1x16xi32>,
    %swap3A_1656 = vector.shape_cast %swap3A_1655 : vector<1x16xi32> to vector<16xi32>
    %swap3A_1657 = vector.shape_cast %add3A_1651 : vector<16xi32> to vector<1x16xi32>
    tpu.vector_store %arg7[%swap3A_1653, %swap3A_1654], %swap3A_1657 {strides = array<i32>} : memref<16x128xi32, #tpu.memory_space<vmem>>, vector<1x16xi32>,
    %get3A_1658 = arith.constant 15 : i32
    %get3A_1659 = arith.index_cast %get3A_1658 : i32 to index
    %get3A_1660 = arith.constant 80 : index
    %get3A_1661 = tpu.vector_load %arg7[%get3A_1659, %get3A_1660] {strides = array<i32>} : memref<16x128xi32, #tpu.memory_space<vmem>>, vector<1x16xi32>,
    %get3A_1662 = vector.shape_cast %get3A_1661 : vector<1x16xi32> to vector<16xi32>
    %add3A_1663 = vector.broadcast %mul3A_34 : i32 to vector<16xi32>
    %add3A_1664 = arith.addi %get3A_1662, %add3A_1663 : vector<16xi32>
    %swap3A_1665 = arith.constant 15 : i32
    %swap3A_1666 = arith.index_cast %swap3A_1665 : i32 to index
    %swap3A_1667 = arith.constant 80 : index
    %swap3A_1668 = tpu.vector_load %arg7[%swap3A_1666, %swap3A_1667] {strides = array<i32>} : memref<16x128xi32, #tpu.memory_space<vmem>>, vector<1x16xi32>,
    %swap3A_1669 = vector.shape_cast %swap3A_1668 : vector<1x16xi32> to vector<16xi32>
    %swap3A_1670 = vector.shape_cast %add3A_1664 : vector<16xi32> to vector<1x16xi32>
    tpu.vector_store %arg7[%swap3A_1666, %swap3A_1667], %swap3A_1670 {strides = array<i32>} : memref<16x128xi32, #tpu.memory_space<vmem>>, vector<1x16xi32>,
    %get3A_1671 = arith.constant 15 : i32
    %get3A_1672 = arith.index_cast %get3A_1671 : i32 to index
    %get3A_1673 = arith.constant 96 : index
    %get3A_1674 = tpu.vector_load %arg7[%get3A_1672, %get3A_1673] {strides = array<i32>} : memref<16x128xi32, #tpu.memory_space<vmem>>, vector<1x16xi32>,
    %get3A_1675 = vector.shape_cast %get3A_1674 : vector<1x16xi32> to vector<16xi32>
    %add3A_1676 = vector.broadcast %mul3A_34 : i32 to vector<16xi32>
    %add3A_1677 = arith.addi %get3A_1675, %add3A_1676 : vector<16xi32>
    %swap3A_1678 = arith.constant 15 : i32
    %swap3A_1679 = arith.index_cast %swap3A_1678 : i32 to index
    %swap3A_1680 = arith.constant 96 : index
    %swap3A_1681 = tpu.vector_load %arg7[%swap3A_1679, %swap3A_1680] {strides = array<i32>} : memref<16x128xi32, #tpu.memory_space<vmem>>, vector<1x16xi32>,
    %swap3A_1682 = vector.shape_cast %swap3A_1681 : vector<1x16xi32> to vector<16xi32>
    %swap3A_1683 = vector.shape_cast %add3A_1677 : vector<16xi32> to vector<1x16xi32>
    tpu.vector_store %arg7[%swap3A_1679, %swap3A_1680], %swap3A_1683 {strides = array<i32>} : memref<16x128xi32, #tpu.memory_space<vmem>>, vector<1x16xi32>,
    %get3A_1684 = arith.constant 15 : i32
    %get3A_1685 = arith.index_cast %get3A_1684 : i32 to index
    %get3A_1686 = arith.constant 112 : index
    %get3A_1687 = tpu.vector_load %arg7[%get3A_1685, %get3A_1686] {strides = array<i32>} : memref<16x128xi32, #tpu.memory_space<vmem>>, vector<1x16xi32>,
    %get3A_1688 = vector.shape_cast %get3A_1687 : vector<1x16xi32> to vector<16xi32>
    %add3A_1689 = vector.broadcast %mul3A_34 : i32 to vector<16xi32>
    %add3A_1690 = arith.addi %get3A_1688, %add3A_1689 : vector<16xi32>
    %swap3A_1691 = arith.constant 15 : i32
    %swap3A_1692 = arith.index_cast %swap3A_1691 : i32 to index
    %swap3A_1693 = arith.constant 112 : index
    %swap3A_1694 = tpu.vector_load %arg7[%swap3A_1692, %swap3A_1693] {strides = array<i32>} : memref<16x128xi32, #tpu.memory_space<vmem>>, vector<1x16xi32>,
    %swap3A_1695 = vector.shape_cast %swap3A_1694 : vector<1x16xi32> to vector<16xi32>
    %swap3A_1696 = vector.shape_cast %add3A_1690 : vector<16xi32> to vector<1x16xi32>
    tpu.vector_store %arg7[%swap3A_1692, %swap3A_1693], %swap3A_1696 {strides = array<i32>} : memref<16x128xi32, #tpu.memory_space<vmem>>, vector<1x16xi32>,
    %dma_start3A = arith.constant 0 : i32
    %dma_start3A_1697 = arith.constant 0 : i32
    %dma_start3A_1698 = arith.constant 0 : i32
    %dma_start3A_1699 = tpu.memref_slice %arg8[%dma_start3A_1697, %dma_start3A_1698] : memref<2048x24xf32, #tpu.memory_space<vmem>> -> memref<128x24xf32, #tpu.memory_space<vmem>>
    %dma_start3A_1700 = arith.constant 0 : i32
    %dma_start3A_1701 = tpu.memref_slice %arg7[%dma_start3A, %dma_start3A_1700] : memref<16x128xi32, #tpu.memory_space<vmem>> -> memref<1x128xi32, #tpu.memory_space<vmem>>
    %dma_start3A_1702 = tpu.memref_squeeze %dma_start3A_1701 : memref<1x128xi32, #tpu.memory_space<vmem>> -> memref<128xi32, #tpu.memory_space<vmem>>
    %dma_start3A_1703 = arith.constant 0 : i32
    %dma_start3A_1704 = arith.constant 0 : i32
    %dma_start3A_1705 = tpu.memref_slice %arg2[%dma_start3A_1703, %dma_start3A_1704] : memref<1048576x24xf32, #tpu.memory_space<hbm>> -> memref<1048576x24xf32, #tpu.memory_space<hbm>>
    tpu.enqueue_indirect_dma source(%dma_start3A_1705 : memref<1048576x24xf32, #tpu.memory_space<hbm>>) target(%dma_start3A_1699 : memref<128x24xf32, #tpu.memory_space<vmem>>) offsets(%dma_start3A_1702 : memref<128xi32, #tpu.memory_space<vmem>>) semaphore(%arg11 : memref<!tpu.dma_semaphore, #tpu.memory_space<semaphore_mem>>)
    %dma_start3A_1706 = arith.constant 1 : i32
    %dma_start3A_1707 = arith.constant 128 : i32
    %dma_start3A_1708 = arith.constant 0 : i32
    %dma_start3A_1709 = tpu.memref_slice %arg8[%dma_start3A_1707, %dma_start3A_1708] : memref<2048x24xf32, #tpu.memory_space<vmem>> -> memref<128x24xf32, #tpu.memory_space<vmem>>
    %dma_start3A_1710 = arith.constant 0 : i32
    %dma_start3A_1711 = tpu.memref_slice %arg7[%dma_start3A_1706, %dma_start3A_1710] : memref<16x128xi32, #tpu.memory_space<vmem>> -> memref<1x128xi32, #tpu.memory_space<vmem>>
    %dma_start3A_1712 = tpu.memref_squeeze %dma_start3A_1711 : memref<1x128xi32, #tpu.memory_space<vmem>> -> memref<128xi32, #tpu.memory_space<vmem>>
    %dma_start3A_1713 = arith.constant 0 : i32
    %dma_start3A_1714 = arith.constant 0 : i32
    %dma_start3A_1715 = tpu.memref_slice %arg2[%dma_start3A_1713, %dma_start3A_1714] : memref<1048576x24xf32, #tpu.memory_space<hbm>> -> memref<1048576x24xf32, #tpu.memory_space<hbm>>
    tpu.enqueue_indirect_dma source(%dma_start3A_1715 : memref<1048576x24xf32, #tpu.memory_space<hbm>>) target(%dma_start3A_1709 : memref<128x24xf32, #tpu.memory_space<vmem>>) offsets(%dma_start3A_1712 : memref<128xi32, #tpu.memory_space<vmem>>) semaphore(%arg11 : memref<!tpu.dma_semaphore, #tpu.memory_space<semaphore_mem>>)
    %dma_start3A_1716 = arith.constant 2 : i32
    %dma_start3A_1717 = arith.constant 256 : i32
    %dma_start3A_1718 = arith.constant 0 : i32
    %dma_start3A_1719 = tpu.memref_slice %arg8[%dma_start3A_1717, %dma_start3A_1718] : memref<2048x24xf32, #tpu.memory_space<vmem>> -> memref<128x24xf32, #tpu.memory_space<vmem>>
    %dma_start3A_1720 = arith.constant 0 : i32
    %dma_start3A_1721 = tpu.memref_slice %arg7[%dma_start3A_1716, %dma_start3A_1720] : memref<16x128xi32, #tpu.memory_space<vmem>> -> memref<1x128xi32, #tpu.memory_space<vmem>>
    %dma_start3A_1722 = tpu.memref_squeeze %dma_start3A_1721 : memref<1x128xi32, #tpu.memory_space<vmem>> -> memref<128xi32, #tpu.memory_space<vmem>>
    %dma_start3A_1723 = arith.constant 0 : i32
    %dma_start3A_1724 = arith.constant 0 : i32
    %dma_start3A_1725 = tpu.memref_slice %arg2[%dma_start3A_1723, %dma_start3A_1724] : memref<1048576x24xf32, #tpu.memory_space<hbm>> -> memref<1048576x24xf32, #tpu.memory_space<hbm>>
    tpu.enqueue_indirect_dma source(%dma_start3A_1725 : memref<1048576x24xf32, #tpu.memory_space<hbm>>) target(%dma_start3A_1719 : memref<128x24xf32, #tpu.memory_space<vmem>>) offsets(%dma_start3A_1722 : memref<128xi32, #tpu.memory_space<vmem>>) semaphore(%arg11 : memref<!tpu.dma_semaphore, #tpu.memory_space<semaphore_mem>>)
    %dma_start3A_1726 = arith.constant 3 : i32
    %dma_start3A_1727 = arith.constant 384 : i32
    %dma_start3A_1728 = arith.constant 0 : i32
    %dma_start3A_1729 = tpu.memref_slice %arg8[%dma_start3A_1727, %dma_start3A_1728] : memref<2048x24xf32, #tpu.memory_space<vmem>> -> memref<128x24xf32, #tpu.memory_space<vmem>>
    %dma_start3A_1730 = arith.constant 0 : i32
    %dma_start3A_1731 = tpu.memref_slice %arg7[%dma_start3A_1726, %dma_start3A_1730] : memref<16x128xi32, #tpu.memory_space<vmem>> -> memref<1x128xi32, #tpu.memory_space<vmem>>
    %dma_start3A_1732 = tpu.memref_squeeze %dma_start3A_1731 : memref<1x128xi32, #tpu.memory_space<vmem>> -> memref<128xi32, #tpu.memory_space<vmem>>
    %dma_start3A_1733 = arith.constant 0 : i32
    %dma_start3A_1734 = arith.constant 0 : i32
    %dma_start3A_1735 = tpu.memref_slice %arg2[%dma_start3A_1733, %dma_start3A_1734] : memref<1048576x24xf32, #tpu.memory_space<hbm>> -> memref<1048576x24xf32, #tpu.memory_space<hbm>>
    tpu.enqueue_indirect_dma source(%dma_start3A_1735 : memref<1048576x24xf32, #tpu.memory_space<hbm>>) target(%dma_start3A_1729 : memref<128x24xf32, #tpu.memory_space<vmem>>) offsets(%dma_start3A_1732 : memref<128xi32, #tpu.memory_space<vmem>>) semaphore(%arg11 : memref<!tpu.dma_semaphore, #tpu.memory_space<semaphore_mem>>)
    %dma_start3A_1736 = arith.constant 4 : i32
    %dma_start3A_1737 = arith.constant 512 : i32
    %dma_start3A_1738 = arith.constant 0 : i32
    %dma_start3A_1739 = tpu.memref_slice %arg8[%dma_start3A_1737, %dma_start3A_1738] : memref<2048x24xf32, #tpu.memory_space<vmem>> -> memref<128x24xf32, #tpu.memory_space<vmem>>
    %dma_start3A_1740 = arith.constant 0 : i32
    %dma_start3A_1741 = tpu.memref_slice %arg7[%dma_start3A_1736, %dma_start3A_1740] : memref<16x128xi32, #tpu.memory_space<vmem>> -> memref<1x128xi32, #tpu.memory_space<vmem>>
    %dma_start3A_1742 = tpu.memref_squeeze %dma_start3A_1741 : memref<1x128xi32, #tpu.memory_space<vmem>> -> memref<128xi32, #tpu.memory_space<vmem>>
    %dma_start3A_1743 = arith.constant 0 : i32
    %dma_start3A_1744 = arith.constant 0 : i32
    %dma_start3A_1745 = tpu.memref_slice %arg2[%dma_start3A_1743, %dma_start3A_1744] : memref<1048576x24xf32, #tpu.memory_space<hbm>> -> memref<1048576x24xf32, #tpu.memory_space<hbm>>
    tpu.enqueue_indirect_dma source(%dma_start3A_1745 : memref<1048576x24xf32, #tpu.memory_space<hbm>>) target(%dma_start3A_1739 : memref<128x24xf32, #tpu.memory_space<vmem>>) offsets(%dma_start3A_1742 : memref<128xi32, #tpu.memory_space<vmem>>) semaphore(%arg11 : memref<!tpu.dma_semaphore, #tpu.memory_space<semaphore_mem>>)
    %dma_start3A_1746 = arith.constant 5 : i32
    %dma_start3A_1747 = arith.constant 640 : i32
    %dma_start3A_1748 = arith.constant 0 : i32
    %dma_start3A_1749 = tpu.memref_slice %arg8[%dma_start3A_1747, %dma_start3A_1748] : memref<2048x24xf32, #tpu.memory_space<vmem>> -> memref<128x24xf32, #tpu.memory_space<vmem>>
    %dma_start3A_1750 = arith.constant 0 : i32
    %dma_start3A_1751 = tpu.memref_slice %arg7[%dma_start3A_1746, %dma_start3A_1750] : memref<16x128xi32, #tpu.memory_space<vmem>> -> memref<1x128xi32, #tpu.memory_space<vmem>>
    %dma_start3A_1752 = tpu.memref_squeeze %dma_start3A_1751 : memref<1x128xi32, #tpu.memory_space<vmem>> -> memref<128xi32, #tpu.memory_space<vmem>>
    %dma_start3A_1753 = arith.constant 0 : i32
    %dma_start3A_1754 = arith.constant 0 : i32
    %dma_start3A_1755 = tpu.memref_slice %arg2[%dma_start3A_1753, %dma_start3A_1754] : memref<1048576x24xf32, #tpu.memory_space<hbm>> -> memref<1048576x24xf32, #tpu.memory_space<hbm>>
    tpu.enqueue_indirect_dma source(%dma_start3A_1755 : memref<1048576x24xf32, #tpu.memory_space<hbm>>) target(%dma_start3A_1749 : memref<128x24xf32, #tpu.memory_space<vmem>>) offsets(%dma_start3A_1752 : memref<128xi32, #tpu.memory_space<vmem>>) semaphore(%arg11 : memref<!tpu.dma_semaphore, #tpu.memory_space<semaphore_mem>>)
    %dma_start3A_1756 = arith.constant 6 : i32
    %dma_start3A_1757 = arith.constant 768 : i32
    %dma_start3A_1758 = arith.constant 0 : i32
    %dma_start3A_1759 = tpu.memref_slice %arg8[%dma_start3A_1757, %dma_start3A_1758] : memref<2048x24xf32, #tpu.memory_space<vmem>> -> memref<128x24xf32, #tpu.memory_space<vmem>>
    %dma_start3A_1760 = arith.constant 0 : i32
    %dma_start3A_1761 = tpu.memref_slice %arg7[%dma_start3A_1756, %dma_start3A_1760] : memref<16x128xi32, #tpu.memory_space<vmem>> -> memref<1x128xi32, #tpu.memory_space<vmem>>
    %dma_start3A_1762 = tpu.memref_squeeze %dma_start3A_1761 : memref<1x128xi32, #tpu.memory_space<vmem>> -> memref<128xi32, #tpu.memory_space<vmem>>
    %dma_start3A_1763 = arith.constant 0 : i32
    %dma_start3A_1764 = arith.constant 0 : i32
    %dma_start3A_1765 = tpu.memref_slice %arg2[%dma_start3A_1763, %dma_start3A_1764] : memref<1048576x24xf32, #tpu.memory_space<hbm>> -> memref<1048576x24xf32, #tpu.memory_space<hbm>>
    tpu.enqueue_indirect_dma source(%dma_start3A_1765 : memref<1048576x24xf32, #tpu.memory_space<hbm>>) target(%dma_start3A_1759 : memref<128x24xf32, #tpu.memory_space<vmem>>) offsets(%dma_start3A_1762 : memref<128xi32, #tpu.memory_space<vmem>>) semaphore(%arg11 : memref<!tpu.dma_semaphore, #tpu.memory_space<semaphore_mem>>)
    %dma_start3A_1766 = arith.constant 7 : i32
    %dma_start3A_1767 = arith.constant 896 : i32
    %dma_start3A_1768 = arith.constant 0 : i32
    %dma_start3A_1769 = tpu.memref_slice %arg8[%dma_start3A_1767, %dma_start3A_1768] : memref<2048x24xf32, #tpu.memory_space<vmem>> -> memref<128x24xf32, #tpu.memory_space<vmem>>
    %dma_start3A_1770 = arith.constant 0 : i32
    %dma_start3A_1771 = tpu.memref_slice %arg7[%dma_start3A_1766, %dma_start3A_1770] : memref<16x128xi32, #tpu.memory_space<vmem>> -> memref<1x128xi32, #tpu.memory_space<vmem>>
    %dma_start3A_1772 = tpu.memref_squeeze %dma_start3A_1771 : memref<1x128xi32, #tpu.memory_space<vmem>> -> memref<128xi32, #tpu.memory_space<vmem>>
    %dma_start3A_1773 = arith.constant 0 : i32
    %dma_start3A_1774 = arith.constant 0 : i32
    %dma_start3A_1775 = tpu.memref_slice %arg2[%dma_start3A_1773, %dma_start3A_1774] : memref<1048576x24xf32, #tpu.memory_space<hbm>> -> memref<1048576x24xf32, #tpu.memory_space<hbm>>
    tpu.enqueue_indirect_dma source(%dma_start3A_1775 : memref<1048576x24xf32, #tpu.memory_space<hbm>>) target(%dma_start3A_1769 : memref<128x24xf32, #tpu.memory_space<vmem>>) offsets(%dma_start3A_1772 : memref<128xi32, #tpu.memory_space<vmem>>) semaphore(%arg11 : memref<!tpu.dma_semaphore, #tpu.memory_space<semaphore_mem>>)
    %dma_start3A_1776 = arith.constant 8 : i32
    %dma_start3A_1777 = arith.constant 1024 : i32
    %dma_start3A_1778 = arith.constant 0 : i32
    %dma_start3A_1779 = tpu.memref_slice %arg8[%dma_start3A_1777, %dma_start3A_1778] : memref<2048x24xf32, #tpu.memory_space<vmem>> -> memref<128x24xf32, #tpu.memory_space<vmem>>
    %dma_start3A_1780 = arith.constant 0 : i32
    %dma_start3A_1781 = tpu.memref_slice %arg7[%dma_start3A_1776, %dma_start3A_1780] : memref<16x128xi32, #tpu.memory_space<vmem>> -> memref<1x128xi32, #tpu.memory_space<vmem>>
    %dma_start3A_1782 = tpu.memref_squeeze %dma_start3A_1781 : memref<1x128xi32, #tpu.memory_space<vmem>> -> memref<128xi32, #tpu.memory_space<vmem>>
    %dma_start3A_1783 = arith.constant 0 : i32
    %dma_start3A_1784 = arith.constant 0 : i32
    %dma_start3A_1785 = tpu.memref_slice %arg2[%dma_start3A_1783, %dma_start3A_1784] : memref<1048576x24xf32, #tpu.memory_space<hbm>> -> memref<1048576x24xf32, #tpu.memory_space<hbm>>
    tpu.enqueue_indirect_dma source(%dma_start3A_1785 : memref<1048576x24xf32, #tpu.memory_space<hbm>>) target(%dma_start3A_1779 : memref<128x24xf32, #tpu.memory_space<vmem>>) offsets(%dma_start3A_1782 : memref<128xi32, #tpu.memory_space<vmem>>) semaphore(%arg11 : memref<!tpu.dma_semaphore, #tpu.memory_space<semaphore_mem>>)
    %dma_start3A_1786 = arith.constant 9 : i32
    %dma_start3A_1787 = arith.constant 1152 : i32
    %dma_start3A_1788 = arith.constant 0 : i32
    %dma_start3A_1789 = tpu.memref_slice %arg8[%dma_start3A_1787, %dma_start3A_1788] : memref<2048x24xf32, #tpu.memory_space<vmem>> -> memref<128x24xf32, #tpu.memory_space<vmem>>
    %dma_start3A_1790 = arith.constant 0 : i32
    %dma_start3A_1791 = tpu.memref_slice %arg7[%dma_start3A_1786, %dma_start3A_1790] : memref<16x128xi32, #tpu.memory_space<vmem>> -> memref<1x128xi32, #tpu.memory_space<vmem>>
    %dma_start3A_1792 = tpu.memref_squeeze %dma_start3A_1791 : memref<1x128xi32, #tpu.memory_space<vmem>> -> memref<128xi32, #tpu.memory_space<vmem>>
    %dma_start3A_1793 = arith.constant 0 : i32
    %dma_start3A_1794 = arith.constant 0 : i32
    %dma_start3A_1795 = tpu.memref_slice %arg2[%dma_start3A_1793, %dma_start3A_1794] : memref<1048576x24xf32, #tpu.memory_space<hbm>> -> memref<1048576x24xf32, #tpu.memory_space<hbm>>
    tpu.enqueue_indirect_dma source(%dma_start3A_1795 : memref<1048576x24xf32, #tpu.memory_space<hbm>>) target(%dma_start3A_1789 : memref<128x24xf32, #tpu.memory_space<vmem>>) offsets(%dma_start3A_1792 : memref<128xi32, #tpu.memory_space<vmem>>) semaphore(%arg11 : memref<!tpu.dma_semaphore, #tpu.memory_space<semaphore_mem>>)
    %dma_start3A_1796 = arith.constant 10 : i32
    %dma_start3A_1797 = arith.constant 1280 : i32
    %dma_start3A_1798 = arith.constant 0 : i32
    %dma_start3A_1799 = tpu.memref_slice %arg8[%dma_start3A_1797, %dma_start3A_1798] : memref<2048x24xf32, #tpu.memory_space<vmem>> -> memref<128x24xf32, #tpu.memory_space<vmem>>
    %dma_start3A_1800 = arith.constant 0 : i32
    %dma_start3A_1801 = tpu.memref_slice %arg7[%dma_start3A_1796, %dma_start3A_1800] : memref<16x128xi32, #tpu.memory_space<vmem>> -> memref<1x128xi32, #tpu.memory_space<vmem>>
    %dma_start3A_1802 = tpu.memref_squeeze %dma_start3A_1801 : memref<1x128xi32, #tpu.memory_space<vmem>> -> memref<128xi32, #tpu.memory_space<vmem>>
    %dma_start3A_1803 = arith.constant 0 : i32
    %dma_start3A_1804 = arith.constant 0 : i32
    %dma_start3A_1805 = tpu.memref_slice %arg2[%dma_start3A_1803, %dma_start3A_1804] : memref<1048576x24xf32, #tpu.memory_space<hbm>> -> memref<1048576x24xf32, #tpu.memory_space<hbm>>
    tpu.enqueue_indirect_dma source(%dma_start3A_1805 : memref<1048576x24xf32, #tpu.memory_space<hbm>>) target(%dma_start3A_1799 : memref<128x24xf32, #tpu.memory_space<vmem>>) offsets(%dma_start3A_1802 : memref<128xi32, #tpu.memory_space<vmem>>) semaphore(%arg11 : memref<!tpu.dma_semaphore, #tpu.memory_space<semaphore_mem>>)
    %dma_start3A_1806 = arith.constant 11 : i32
    %dma_start3A_1807 = arith.constant 1408 : i32
    %dma_start3A_1808 = arith.constant 0 : i32
    %dma_start3A_1809 = tpu.memref_slice %arg8[%dma_start3A_1807, %dma_start3A_1808] : memref<2048x24xf32, #tpu.memory_space<vmem>> -> memref<128x24xf32, #tpu.memory_space<vmem>>
    %dma_start3A_1810 = arith.constant 0 : i32
    %dma_start3A_1811 = tpu.memref_slice %arg7[%dma_start3A_1806, %dma_start3A_1810] : memref<16x128xi32, #tpu.memory_space<vmem>> -> memref<1x128xi32, #tpu.memory_space<vmem>>
    %dma_start3A_1812 = tpu.memref_squeeze %dma_start3A_1811 : memref<1x128xi32, #tpu.memory_space<vmem>> -> memref<128xi32, #tpu.memory_space<vmem>>
    %dma_start3A_1813 = arith.constant 0 : i32
    %dma_start3A_1814 = arith.constant 0 : i32
    %dma_start3A_1815 = tpu.memref_slice %arg2[%dma_start3A_1813, %dma_start3A_1814] : memref<1048576x24xf32, #tpu.memory_space<hbm>> -> memref<1048576x24xf32, #tpu.memory_space<hbm>>
    tpu.enqueue_indirect_dma source(%dma_start3A_1815 : memref<1048576x24xf32, #tpu.memory_space<hbm>>) target(%dma_start3A_1809 : memref<128x24xf32, #tpu.memory_space<vmem>>) offsets(%dma_start3A_1812 : memref<128xi32, #tpu.memory_space<vmem>>) semaphore(%arg11 : memref<!tpu.dma_semaphore, #tpu.memory_space<semaphore_mem>>)
    %dma_start3A_1816 = arith.constant 12 : i32
    %dma_start3A_1817 = arith.constant 1536 : i32
    %dma_start3A_1818 = arith.constant 0 : i32
    %dma_start3A_1819 = tpu.memref_slice %arg8[%dma_start3A_1817, %dma_start3A_1818] : memref<2048x24xf32, #tpu.memory_space<vmem>> -> memref<128x24xf32, #tpu.memory_space<vmem>>
    %dma_start3A_1820 = arith.constant 0 : i32
    %dma_start3A_1821 = tpu.memref_slice %arg7[%dma_start3A_1816, %dma_start3A_1820] : memref<16x128xi32, #tpu.memory_space<vmem>> -> memref<1x128xi32, #tpu.memory_space<vmem>>
    %dma_start3A_1822 = tpu.memref_squeeze %dma_start3A_1821 : memref<1x128xi32, #tpu.memory_space<vmem>> -> memref<128xi32, #tpu.memory_space<vmem>>
    %dma_start3A_1823 = arith.constant 0 : i32
    %dma_start3A_1824 = arith.constant 0 : i32
    %dma_start3A_1825 = tpu.memref_slice %arg2[%dma_start3A_1823, %dma_start3A_1824] : memref<1048576x24xf32, #tpu.memory_space<hbm>> -> memref<1048576x24xf32, #tpu.memory_space<hbm>>
    tpu.enqueue_indirect_dma source(%dma_start3A_1825 : memref<1048576x24xf32, #tpu.memory_space<hbm>>) target(%dma_start3A_1819 : memref<128x24xf32, #tpu.memory_space<vmem>>) offsets(%dma_start3A_1822 : memref<128xi32, #tpu.memory_space<vmem>>) semaphore(%arg11 : memref<!tpu.dma_semaphore, #tpu.memory_space<semaphore_mem>>)
    %dma_start3A_1826 = arith.constant 13 : i32
    %dma_start3A_1827 = arith.constant 1664 : i32
    %dma_start3A_1828 = arith.constant 0 : i32
    %dma_start3A_1829 = tpu.memref_slice %arg8[%dma_start3A_1827, %dma_start3A_1828] : memref<2048x24xf32, #tpu.memory_space<vmem>> -> memref<128x24xf32, #tpu.memory_space<vmem>>
    %dma_start3A_1830 = arith.constant 0 : i32
    %dma_start3A_1831 = tpu.memref_slice %arg7[%dma_start3A_1826, %dma_start3A_1830] : memref<16x128xi32, #tpu.memory_space<vmem>> -> memref<1x128xi32, #tpu.memory_space<vmem>>
    %dma_start3A_1832 = tpu.memref_squeeze %dma_start3A_1831 : memref<1x128xi32, #tpu.memory_space<vmem>> -> memref<128xi32, #tpu.memory_space<vmem>>
    %dma_start3A_1833 = arith.constant 0 : i32
    %dma_start3A_1834 = arith.constant 0 : i32
    %dma_start3A_1835 = tpu.memref_slice %arg2[%dma_start3A_1833, %dma_start3A_1834] : memref<1048576x24xf32, #tpu.memory_space<hbm>> -> memref<1048576x24xf32, #tpu.memory_space<hbm>>
    tpu.enqueue_indirect_dma source(%dma_start3A_1835 : memref<1048576x24xf32, #tpu.memory_space<hbm>>) target(%dma_start3A_1829 : memref<128x24xf32, #tpu.memory_space<vmem>>) offsets(%dma_start3A_1832 : memref<128xi32, #tpu.memory_space<vmem>>) semaphore(%arg11 : memref<!tpu.dma_semaphore, #tpu.memory_space<semaphore_mem>>)
    %dma_start3A_1836 = arith.constant 14 : i32
    %dma_start3A_1837 = arith.constant 1792 : i32
    %dma_start3A_1838 = arith.constant 0 : i32
    %dma_start3A_1839 = tpu.memref_slice %arg8[%dma_start3A_1837, %dma_start3A_1838] : memref<2048x24xf32, #tpu.memory_space<vmem>> -> memref<128x24xf32, #tpu.memory_space<vmem>>
    %dma_start3A_1840 = arith.constant 0 : i32
    %dma_start3A_1841 = tpu.memref_slice %arg7[%dma_start3A_1836, %dma_start3A_1840] : memref<16x128xi32, #tpu.memory_space<vmem>> -> memref<1x128xi32, #tpu.memory_space<vmem>>
    %dma_start3A_1842 = tpu.memref_squeeze %dma_start3A_1841 : memref<1x128xi32, #tpu.memory_space<vmem>> -> memref<128xi32, #tpu.memory_space<vmem>>
    %dma_start3A_1843 = arith.constant 0 : i32
    %dma_start3A_1844 = arith.constant 0 : i32
    %dma_start3A_1845 = tpu.memref_slice %arg2[%dma_start3A_1843, %dma_start3A_1844] : memref<1048576x24xf32, #tpu.memory_space<hbm>> -> memref<1048576x24xf32, #tpu.memory_space<hbm>>
    tpu.enqueue_indirect_dma source(%dma_start3A_1845 : memref<1048576x24xf32, #tpu.memory_space<hbm>>) target(%dma_start3A_1839 : memref<128x24xf32, #tpu.memory_space<vmem>>) offsets(%dma_start3A_1842 : memref<128xi32, #tpu.memory_space<vmem>>) semaphore(%arg11 : memref<!tpu.dma_semaphore, #tpu.memory_space<semaphore_mem>>)
    %dma_start3A_1846 = arith.constant 15 : i32
    %dma_start3A_1847 = arith.constant 1920 : i32
    %dma_start3A_1848 = arith.constant 0 : i32
    %dma_start3A_1849 = tpu.memref_slice %arg8[%dma_start3A_1847, %dma_start3A_1848] : memref<2048x24xf32, #tpu.memory_space<vmem>> -> memref<128x24xf32, #tpu.memory_space<vmem>>
    %dma_start3A_1850 = arith.constant 0 : i32
    %dma_start3A_1851 = tpu.memref_slice %arg7[%dma_start3A_1846, %dma_start3A_1850] : memref<16x128xi32, #tpu.memory_space<vmem>> -> memref<1x128xi32, #tpu.memory_space<vmem>>
    %dma_start3A_1852 = tpu.memref_squeeze %dma_start3A_1851 : memref<1x128xi32, #tpu.memory_space<vmem>> -> memref<128xi32, #tpu.memory_space<vmem>>
    %dma_start3A_1853 = arith.constant 0 : i32
    %dma_start3A_1854 = arith.constant 0 : i32
    %dma_start3A_1855 = tpu.memref_slice %arg2[%dma_start3A_1853, %dma_start3A_1854] : memref<1048576x24xf32, #tpu.memory_space<hbm>> -> memref<1048576x24xf32, #tpu.memory_space<hbm>>
    tpu.enqueue_indirect_dma source(%dma_start3A_1855 : memref<1048576x24xf32, #tpu.memory_space<hbm>>) target(%dma_start3A_1849 : memref<128x24xf32, #tpu.memory_space<vmem>>) offsets(%dma_start3A_1852 : memref<128xi32, #tpu.memory_space<vmem>>) semaphore(%arg11 : memref<!tpu.dma_semaphore, #tpu.memory_space<semaphore_mem>>)
    %dma_wait3A = arith.constant 0 : i32
    %dma_wait3A_1856 = arith.constant 0 : i32
    %dma_wait3A_1857 = arith.constant 0 : i32
    %dma_wait3A_1858 = tpu.memref_slice %arg8[%dma_wait3A_1856, %dma_wait3A_1857] : memref<2048x24xf32, #tpu.memory_space<vmem>> -> memref<128x24xf32, #tpu.memory_space<vmem>>
    %dma_wait3A_1859 = arith.constant 0 : i32
    %dma_wait3A_1860 = tpu.memref_slice %arg7[%dma_wait3A, %dma_wait3A_1859] : memref<16x128xi32, #tpu.memory_space<vmem>> -> memref<1x128xi32, #tpu.memory_space<vmem>>
    %dma_wait3A_1861 = tpu.memref_squeeze %dma_wait3A_1860 : memref<1x128xi32, #tpu.memory_space<vmem>> -> memref<128xi32, #tpu.memory_space<vmem>>
    %dma_wait3A_1862 = arith.constant 0 : i32
    %dma_wait3A_1863 = arith.constant 0 : i32
    %dma_wait3A_1864 = tpu.memref_slice %arg2[%dma_wait3A_1862, %dma_wait3A_1863] : memref<1048576x24xf32, #tpu.memory_space<hbm>> -> memref<1048576x24xf32, #tpu.memory_space<hbm>>
    tpu.wait_indirect_dma semaphore(%arg11 : memref<!tpu.dma_semaphore, #tpu.memory_space<semaphore_mem>>) src(%dma_wait3A_1864 : memref<1048576x24xf32, #tpu.memory_space<hbm>>) dst(%dma_wait3A_1858 : memref<128x24xf32, #tpu.memory_space<vmem>>)
    %dma_wait3A_1865 = arith.constant 1 : i32
    %dma_wait3A_1866 = arith.constant 128 : i32
    %dma_wait3A_1867 = arith.constant 0 : i32
    %dma_wait3A_1868 = tpu.memref_slice %arg8[%dma_wait3A_1866, %dma_wait3A_1867] : memref<2048x24xf32, #tpu.memory_space<vmem>> -> memref<128x24xf32, #tpu.memory_space<vmem>>
    %dma_wait3A_1869 = arith.constant 0 : i32
    %dma_wait3A_1870 = tpu.memref_slice %arg7[%dma_wait3A_1865, %dma_wait3A_1869] : memref<16x128xi32, #tpu.memory_space<vmem>> -> memref<1x128xi32, #tpu.memory_space<vmem>>
    %dma_wait3A_1871 = tpu.memref_squeeze %dma_wait3A_1870 : memref<1x128xi32, #tpu.memory_space<vmem>> -> memref<128xi32, #tpu.memory_space<vmem>>
    %dma_wait3A_1872 = arith.constant 0 : i32
    %dma_wait3A_1873 = arith.constant 0 : i32
    %dma_wait3A_1874 = tpu.memref_slice %arg2[%dma_wait3A_1872, %dma_wait3A_1873] : memref<1048576x24xf32, #tpu.memory_space<hbm>> -> memref<1048576x24xf32, #tpu.memory_space<hbm>>
    tpu.wait_indirect_dma semaphore(%arg11 : memref<!tpu.dma_semaphore, #tpu.memory_space<semaphore_mem>>) src(%dma_wait3A_1874 : memref<1048576x24xf32, #tpu.memory_space<hbm>>) dst(%dma_wait3A_1868 : memref<128x24xf32, #tpu.memory_space<vmem>>)
    %dma_wait3A_1875 = arith.constant 2 : i32
    %dma_wait3A_1876 = arith.constant 256 : i32
    %dma_wait3A_1877 = arith.constant 0 : i32
    %dma_wait3A_1878 = tpu.memref_slice %arg8[%dma_wait3A_1876, %dma_wait3A_1877] : memref<2048x24xf32, #tpu.memory_space<vmem>> -> memref<128x24xf32, #tpu.memory_space<vmem>>
    %dma_wait3A_1879 = arith.constant 0 : i32
    %dma_wait3A_1880 = tpu.memref_slice %arg7[%dma_wait3A_1875, %dma_wait3A_1879] : memref<16x128xi32, #tpu.memory_space<vmem>> -> memref<1x128xi32, #tpu.memory_space<vmem>>
    %dma_wait3A_1881 = tpu.memref_squeeze %dma_wait3A_1880 : memref<1x128xi32, #tpu.memory_space<vmem>> -> memref<128xi32, #tpu.memory_space<vmem>>
    %dma_wait3A_1882 = arith.constant 0 : i32
    %dma_wait3A_1883 = arith.constant 0 : i32
    %dma_wait3A_1884 = tpu.memref_slice %arg2[%dma_wait3A_1882, %dma_wait3A_1883] : memref<1048576x24xf32, #tpu.memory_space<hbm>> -> memref<1048576x24xf32, #tpu.memory_space<hbm>>
    tpu.wait_indirect_dma semaphore(%arg11 : memref<!tpu.dma_semaphore, #tpu.memory_space<semaphore_mem>>) src(%dma_wait3A_1884 : memref<1048576x24xf32, #tpu.memory_space<hbm>>) dst(%dma_wait3A_1878 : memref<128x24xf32, #tpu.memory_space<vmem>>)
    %dma_wait3A_1885 = arith.constant 3 : i32
    %dma_wait3A_1886 = arith.constant 384 : i32
    %dma_wait3A_1887 = arith.constant 0 : i32
    %dma_wait3A_1888 = tpu.memref_slice %arg8[%dma_wait3A_1886, %dma_wait3A_1887] : memref<2048x24xf32, #tpu.memory_space<vmem>> -> memref<128x24xf32, #tpu.memory_space<vmem>>
    %dma_wait3A_1889 = arith.constant 0 : i32
    %dma_wait3A_1890 = tpu.memref_slice %arg7[%dma_wait3A_1885, %dma_wait3A_1889] : memref<16x128xi32, #tpu.memory_space<vmem>> -> memref<1x128xi32, #tpu.memory_space<vmem>>
    %dma_wait3A_1891 = tpu.memref_squeeze %dma_wait3A_1890 : memref<1x128xi32, #tpu.memory_space<vmem>> -> memref<128xi32, #tpu.memory_space<vmem>>
    %dma_wait3A_1892 = arith.constant 0 : i32
    %dma_wait3A_1893 = arith.constant 0 : i32
    %dma_wait3A_1894 = tpu.memref_slice %arg2[%dma_wait3A_1892, %dma_wait3A_1893] : memref<1048576x24xf32, #tpu.memory_space<hbm>> -> memref<1048576x24xf32, #tpu.memory_space<hbm>>
    tpu.wait_indirect_dma semaphore(%arg11 : memref<!tpu.dma_semaphore, #tpu.memory_space<semaphore_mem>>) src(%dma_wait3A_1894 : memref<1048576x24xf32, #tpu.memory_space<hbm>>) dst(%dma_wait3A_1888 : memref<128x24xf32, #tpu.memory_space<vmem>>)
    %dma_wait3A_1895 = arith.constant 4 : i32
    %dma_wait3A_1896 = arith.constant 512 : i32
    %dma_wait3A_1897 = arith.constant 0 : i32
    %dma_wait3A_1898 = tpu.memref_slice %arg8[%dma_wait3A_1896, %dma_wait3A_1897] : memref<2048x24xf32, #tpu.memory_space<vmem>> -> memref<128x24xf32, #tpu.memory_space<vmem>>
    %dma_wait3A_1899 = arith.constant 0 : i32
    %dma_wait3A_1900 = tpu.memref_slice %arg7[%dma_wait3A_1895, %dma_wait3A_1899] : memref<16x128xi32, #tpu.memory_space<vmem>> -> memref<1x128xi32, #tpu.memory_space<vmem>>
    %dma_wait3A_1901 = tpu.memref_squeeze %dma_wait3A_1900 : memref<1x128xi32, #tpu.memory_space<vmem>> -> memref<128xi32, #tpu.memory_space<vmem>>
    %dma_wait3A_1902 = arith.constant 0 : i32
    %dma_wait3A_1903 = arith.constant 0 : i32
    %dma_wait3A_1904 = tpu.memref_slice %arg2[%dma_wait3A_1902, %dma_wait3A_1903] : memref<1048576x24xf32, #tpu.memory_space<hbm>> -> memref<1048576x24xf32, #tpu.memory_space<hbm>>
    tpu.wait_indirect_dma semaphore(%arg11 : memref<!tpu.dma_semaphore, #tpu.memory_space<semaphore_mem>>) src(%dma_wait3A_1904 : memref<1048576x24xf32, #tpu.memory_space<hbm>>) dst(%dma_wait3A_1898 : memref<128x24xf32, #tpu.memory_space<vmem>>)
    %dma_wait3A_1905 = arith.constant 5 : i32
    %dma_wait3A_1906 = arith.constant 640 : i32
    %dma_wait3A_1907 = arith.constant 0 : i32
    %dma_wait3A_1908 = tpu.memref_slice %arg8[%dma_wait3A_1906, %dma_wait3A_1907] : memref<2048x24xf32, #tpu.memory_space<vmem>> -> memref<128x24xf32, #tpu.memory_space<vmem>>
    %dma_wait3A_1909 = arith.constant 0 : i32
    %dma_wait3A_1910 = tpu.memref_slice %arg7[%dma_wait3A_1905, %dma_wait3A_1909] : memref<16x128xi32, #tpu.memory_space<vmem>> -> memref<1x128xi32, #tpu.memory_space<vmem>>
    %dma_wait3A_1911 = tpu.memref_squeeze %dma_wait3A_1910 : memref<1x128xi32, #tpu.memory_space<vmem>> -> memref<128xi32, #tpu.memory_space<vmem>>
    %dma_wait3A_1912 = arith.constant 0 : i32
    %dma_wait3A_1913 = arith.constant 0 : i32
    %dma_wait3A_1914 = tpu.memref_slice %arg2[%dma_wait3A_1912, %dma_wait3A_1913] : memref<1048576x24xf32, #tpu.memory_space<hbm>> -> memref<1048576x24xf32, #tpu.memory_space<hbm>>
    tpu.wait_indirect_dma semaphore(%arg11 : memref<!tpu.dma_semaphore, #tpu.memory_space<semaphore_mem>>) src(%dma_wait3A_1914 : memref<1048576x24xf32, #tpu.memory_space<hbm>>) dst(%dma_wait3A_1908 : memref<128x24xf32, #tpu.memory_space<vmem>>)
    %dma_wait3A_1915 = arith.constant 6 : i32
    %dma_wait3A_1916 = arith.constant 768 : i32
    %dma_wait3A_1917 = arith.constant 0 : i32
    %dma_wait3A_1918 = tpu.memref_slice %arg8[%dma_wait3A_1916, %dma_wait3A_1917] : memref<2048x24xf32, #tpu.memory_space<vmem>> -> memref<128x24xf32, #tpu.memory_space<vmem>>
    %dma_wait3A_1919 = arith.constant 0 : i32
    %dma_wait3A_1920 = tpu.memref_slice %arg7[%dma_wait3A_1915, %dma_wait3A_1919] : memref<16x128xi32, #tpu.memory_space<vmem>> -> memref<1x128xi32, #tpu.memory_space<vmem>>
    %dma_wait3A_1921 = tpu.memref_squeeze %dma_wait3A_1920 : memref<1x128xi32, #tpu.memory_space<vmem>> -> memref<128xi32, #tpu.memory_space<vmem>>
    %dma_wait3A_1922 = arith.constant 0 : i32
    %dma_wait3A_1923 = arith.constant 0 : i32
    %dma_wait3A_1924 = tpu.memref_slice %arg2[%dma_wait3A_1922, %dma_wait3A_1923] : memref<1048576x24xf32, #tpu.memory_space<hbm>> -> memref<1048576x24xf32, #tpu.memory_space<hbm>>
    tpu.wait_indirect_dma semaphore(%arg11 : memref<!tpu.dma_semaphore, #tpu.memory_space<semaphore_mem>>) src(%dma_wait3A_1924 : memref<1048576x24xf32, #tpu.memory_space<hbm>>) dst(%dma_wait3A_1918 : memref<128x24xf32, #tpu.memory_space<vmem>>)
    %dma_wait3A_1925 = arith.constant 7 : i32
    %dma_wait3A_1926 = arith.constant 896 : i32
    %dma_wait3A_1927 = arith.constant 0 : i32
    %dma_wait3A_1928 = tpu.memref_slice %arg8[%dma_wait3A_1926, %dma_wait3A_1927] : memref<2048x24xf32, #tpu.memory_space<vmem>> -> memref<128x24xf32, #tpu.memory_space<vmem>>
    %dma_wait3A_1929 = arith.constant 0 : i32
    %dma_wait3A_1930 = tpu.memref_slice %arg7[%dma_wait3A_1925, %dma_wait3A_1929] : memref<16x128xi32, #tpu.memory_space<vmem>> -> memref<1x128xi32, #tpu.memory_space<vmem>>
    %dma_wait3A_1931 = tpu.memref_squeeze %dma_wait3A_1930 : memref<1x128xi32, #tpu.memory_space<vmem>> -> memref<128xi32, #tpu.memory_space<vmem>>
    %dma_wait3A_1932 = arith.constant 0 : i32
    %dma_wait3A_1933 = arith.constant 0 : i32
    %dma_wait3A_1934 = tpu.memref_slice %arg2[%dma_wait3A_1932, %dma_wait3A_1933] : memref<1048576x24xf32, #tpu.memory_space<hbm>> -> memref<1048576x24xf32, #tpu.memory_space<hbm>>
    tpu.wait_indirect_dma semaphore(%arg11 : memref<!tpu.dma_semaphore, #tpu.memory_space<semaphore_mem>>) src(%dma_wait3A_1934 : memref<1048576x24xf32, #tpu.memory_space<hbm>>) dst(%dma_wait3A_1928 : memref<128x24xf32, #tpu.memory_space<vmem>>)
    %dma_wait3A_1935 = arith.constant 8 : i32
    %dma_wait3A_1936 = arith.constant 1024 : i32
    %dma_wait3A_1937 = arith.constant 0 : i32
    %dma_wait3A_1938 = tpu.memref_slice %arg8[%dma_wait3A_1936, %dma_wait3A_1937] : memref<2048x24xf32, #tpu.memory_space<vmem>> -> memref<128x24xf32, #tpu.memory_space<vmem>>
    %dma_wait3A_1939 = arith.constant 0 : i32
    %dma_wait3A_1940 = tpu.memref_slice %arg7[%dma_wait3A_1935, %dma_wait3A_1939] : memref<16x128xi32, #tpu.memory_space<vmem>> -> memref<1x128xi32, #tpu.memory_space<vmem>>
    %dma_wait3A_1941 = tpu.memref_squeeze %dma_wait3A_1940 : memref<1x128xi32, #tpu.memory_space<vmem>> -> memref<128xi32, #tpu.memory_space<vmem>>
    %dma_wait3A_1942 = arith.constant 0 : i32
    %dma_wait3A_1943 = arith.constant 0 : i32
    %dma_wait3A_1944 = tpu.memref_slice %arg2[%dma_wait3A_1942, %dma_wait3A_1943] : memref<1048576x24xf32, #tpu.memory_space<hbm>> -> memref<1048576x24xf32, #tpu.memory_space<hbm>>
    tpu.wait_indirect_dma semaphore(%arg11 : memref<!tpu.dma_semaphore, #tpu.memory_space<semaphore_mem>>) src(%dma_wait3A_1944 : memref<1048576x24xf32, #tpu.memory_space<hbm>>) dst(%dma_wait3A_1938 : memref<128x24xf32, #tpu.memory_space<vmem>>)
    %dma_wait3A_1945 = arith.constant 9 : i32
    %dma_wait3A_1946 = arith.constant 1152 : i32
    %dma_wait3A_1947 = arith.constant 0 : i32
    %dma_wait3A_1948 = tpu.memref_slice %arg8[%dma_wait3A_1946, %dma_wait3A_1947] : memref<2048x24xf32, #tpu.memory_space<vmem>> -> memref<128x24xf32, #tpu.memory_space<vmem>>
    %dma_wait3A_1949 = arith.constant 0 : i32
    %dma_wait3A_1950 = tpu.memref_slice %arg7[%dma_wait3A_1945, %dma_wait3A_1949] : memref<16x128xi32, #tpu.memory_space<vmem>> -> memref<1x128xi32, #tpu.memory_space<vmem>>
    %dma_wait3A_1951 = tpu.memref_squeeze %dma_wait3A_1950 : memref<1x128xi32, #tpu.memory_space<vmem>> -> memref<128xi32, #tpu.memory_space<vmem>>
    %dma_wait3A_1952 = arith.constant 0 : i32
    %dma_wait3A_1953 = arith.constant 0 : i32
    %dma_wait3A_1954 = tpu.memref_slice %arg2[%dma_wait3A_1952, %dma_wait3A_1953] : memref<1048576x24xf32, #tpu.memory_space<hbm>> -> memref<1048576x24xf32, #tpu.memory_space<hbm>>
    tpu.wait_indirect_dma semaphore(%arg11 : memref<!tpu.dma_semaphore, #tpu.memory_space<semaphore_mem>>) src(%dma_wait3A_1954 : memref<1048576x24xf32, #tpu.memory_space<hbm>>) dst(%dma_wait3A_1948 : memref<128x24xf32, #tpu.memory_space<vmem>>)
    %dma_wait3A_1955 = arith.constant 10 : i32
    %dma_wait3A_1956 = arith.constant 1280 : i32
    %dma_wait3A_1957 = arith.constant 0 : i32
    %dma_wait3A_1958 = tpu.memref_slice %arg8[%dma_wait3A_1956, %dma_wait3A_1957] : memref<2048x24xf32, #tpu.memory_space<vmem>> -> memref<128x24xf32, #tpu.memory_space<vmem>>
    %dma_wait3A_1959 = arith.constant 0 : i32
    %dma_wait3A_1960 = tpu.memref_slice %arg7[%dma_wait3A_1955, %dma_wait3A_1959] : memref<16x128xi32, #tpu.memory_space<vmem>> -> memref<1x128xi32, #tpu.memory_space<vmem>>
    %dma_wait3A_1961 = tpu.memref_squeeze %dma_wait3A_1960 : memref<1x128xi32, #tpu.memory_space<vmem>> -> memref<128xi32, #tpu.memory_space<vmem>>
    %dma_wait3A_1962 = arith.constant 0 : i32
    %dma_wait3A_1963 = arith.constant 0 : i32
    %dma_wait3A_1964 = tpu.memref_slice %arg2[%dma_wait3A_1962, %dma_wait3A_1963] : memref<1048576x24xf32, #tpu.memory_space<hbm>> -> memref<1048576x24xf32, #tpu.memory_space<hbm>>
    tpu.wait_indirect_dma semaphore(%arg11 : memref<!tpu.dma_semaphore, #tpu.memory_space<semaphore_mem>>) src(%dma_wait3A_1964 : memref<1048576x24xf32, #tpu.memory_space<hbm>>) dst(%dma_wait3A_1958 : memref<128x24xf32, #tpu.memory_space<vmem>>)
    %dma_wait3A_1965 = arith.constant 11 : i32
    %dma_wait3A_1966 = arith.constant 1408 : i32
    %dma_wait3A_1967 = arith.constant 0 : i32
    %dma_wait3A_1968 = tpu.memref_slice %arg8[%dma_wait3A_1966, %dma_wait3A_1967] : memref<2048x24xf32, #tpu.memory_space<vmem>> -> memref<128x24xf32, #tpu.memory_space<vmem>>
    %dma_wait3A_1969 = arith.constant 0 : i32
    %dma_wait3A_1970 = tpu.memref_slice %arg7[%dma_wait3A_1965, %dma_wait3A_1969] : memref<16x128xi32, #tpu.memory_space<vmem>> -> memref<1x128xi32, #tpu.memory_space<vmem>>
    %dma_wait3A_1971 = tpu.memref_squeeze %dma_wait3A_1970 : memref<1x128xi32, #tpu.memory_space<vmem>> -> memref<128xi32, #tpu.memory_space<vmem>>
    %dma_wait3A_1972 = arith.constant 0 : i32
    %dma_wait3A_1973 = arith.constant 0 : i32
    %dma_wait3A_1974 = tpu.memref_slice %arg2[%dma_wait3A_1972, %dma_wait3A_1973] : memref<1048576x24xf32, #tpu.memory_space<hbm>> -> memref<1048576x24xf32, #tpu.memory_space<hbm>>
    tpu.wait_indirect_dma semaphore(%arg11 : memref<!tpu.dma_semaphore, #tpu.memory_space<semaphore_mem>>) src(%dma_wait3A_1974 : memref<1048576x24xf32, #tpu.memory_space<hbm>>) dst(%dma_wait3A_1968 : memref<128x24xf32, #tpu.memory_space<vmem>>)
    %dma_wait3A_1975 = arith.constant 12 : i32
    %dma_wait3A_1976 = arith.constant 1536 : i32
    %dma_wait3A_1977 = arith.constant 0 : i32
    %dma_wait3A_1978 = tpu.memref_slice %arg8[%dma_wait3A_1976, %dma_wait3A_1977] : memref<2048x24xf32, #tpu.memory_space<vmem>> -> memref<128x24xf32, #tpu.memory_space<vmem>>
    %dma_wait3A_1979 = arith.constant 0 : i32
    %dma_wait3A_1980 = tpu.memref_slice %arg7[%dma_wait3A_1975, %dma_wait3A_1979] : memref<16x128xi32, #tpu.memory_space<vmem>> -> memref<1x128xi32, #tpu.memory_space<vmem>>
    %dma_wait3A_1981 = tpu.memref_squeeze %dma_wait3A_1980 : memref<1x128xi32, #tpu.memory_space<vmem>> -> memref<128xi32, #tpu.memory_space<vmem>>
    %dma_wait3A_1982 = arith.constant 0 : i32
    %dma_wait3A_1983 = arith.constant 0 : i32
    %dma_wait3A_1984 = tpu.memref_slice %arg2[%dma_wait3A_1982, %dma_wait3A_1983] : memref<1048576x24xf32, #tpu.memory_space<hbm>> -> memref<1048576x24xf32, #tpu.memory_space<hbm>>
    tpu.wait_indirect_dma semaphore(%arg11 : memref<!tpu.dma_semaphore, #tpu.memory_space<semaphore_mem>>) src(%dma_wait3A_1984 : memref<1048576x24xf32, #tpu.memory_space<hbm>>) dst(%dma_wait3A_1978 : memref<128x24xf32, #tpu.memory_space<vmem>>)
    %dma_wait3A_1985 = arith.constant 13 : i32
    %dma_wait3A_1986 = arith.constant 1664 : i32
    %dma_wait3A_1987 = arith.constant 0 : i32
    %dma_wait3A_1988 = tpu.memref_slice %arg8[%dma_wait3A_1986, %dma_wait3A_1987] : memref<2048x24xf32, #tpu.memory_space<vmem>> -> memref<128x24xf32, #tpu.memory_space<vmem>>
    %dma_wait3A_1989 = arith.constant 0 : i32
    %dma_wait3A_1990 = tpu.memref_slice %arg7[%dma_wait3A_1985, %dma_wait3A_1989] : memref<16x128xi32, #tpu.memory_space<vmem>> -> memref<1x128xi32, #tpu.memory_space<vmem>>
    %dma_wait3A_1991 = tpu.memref_squeeze %dma_wait3A_1990 : memref<1x128xi32, #tpu.memory_space<vmem>> -> memref<128xi32, #tpu.memory_space<vmem>>
    %dma_wait3A_1992 = arith.constant 0 : i32
    %dma_wait3A_1993 = arith.constant 0 : i32
    %dma_wait3A_1994 = tpu.memref_slice %arg2[%dma_wait3A_1992, %dma_wait3A_1993] : memref<1048576x24xf32, #tpu.memory_space<hbm>> -> memref<1048576x24xf32, #tpu.memory_space<hbm>>
    tpu.wait_indirect_dma semaphore(%arg11 : memref<!tpu.dma_semaphore, #tpu.memory_space<semaphore_mem>>) src(%dma_wait3A_1994 : memref<1048576x24xf32, #tpu.memory_space<hbm>>) dst(%dma_wait3A_1988 : memref<128x24xf32, #tpu.memory_space<vmem>>)
    %dma_wait3A_1995 = arith.constant 14 : i32
    %dma_wait3A_1996 = arith.constant 1792 : i32
    %dma_wait3A_1997 = arith.constant 0 : i32
    %dma_wait3A_1998 = tpu.memref_slice %arg8[%dma_wait3A_1996, %dma_wait3A_1997] : memref<2048x24xf32, #tpu.memory_space<vmem>> -> memref<128x24xf32, #tpu.memory_space<vmem>>
    %dma_wait3A_1999 = arith.constant 0 : i32
    %dma_wait3A_2000 = tpu.memref_slice %arg7[%dma_wait3A_1995, %dma_wait3A_1999] : memref<16x128xi32, #tpu.memory_space<vmem>> -> memref<1x128xi32, #tpu.memory_space<vmem>>
    %dma_wait3A_2001 = tpu.memref_squeeze %dma_wait3A_2000 : memref<1x128xi32, #tpu.memory_space<vmem>> -> memref<128xi32, #tpu.memory_space<vmem>>
    %dma_wait3A_2002 = arith.constant 0 : i32
    %dma_wait3A_2003 = arith.constant 0 : i32
    %dma_wait3A_2004 = tpu.memref_slice %arg2[%dma_wait3A_2002, %dma_wait3A_2003] : memref<1048576x24xf32, #tpu.memory_space<hbm>> -> memref<1048576x24xf32, #tpu.memory_space<hbm>>
    tpu.wait_indirect_dma semaphore(%arg11 : memref<!tpu.dma_semaphore, #tpu.memory_space<semaphore_mem>>) src(%dma_wait3A_2004 : memref<1048576x24xf32, #tpu.memory_space<hbm>>) dst(%dma_wait3A_1998 : memref<128x24xf32, #tpu.memory_space<vmem>>)
    %dma_wait3A_2005 = arith.constant 15 : i32
    %dma_wait3A_2006 = arith.constant 1920 : i32
    %dma_wait3A_2007 = arith.constant 0 : i32
    %dma_wait3A_2008 = tpu.memref_slice %arg8[%dma_wait3A_2006, %dma_wait3A_2007] : memref<2048x24xf32, #tpu.memory_space<vmem>> -> memref<128x24xf32, #tpu.memory_space<vmem>>
    %dma_wait3A_2009 = arith.constant 0 : i32
    %dma_wait3A_2010 = tpu.memref_slice %arg7[%dma_wait3A_2005, %dma_wait3A_2009] : memref<16x128xi32, #tpu.memory_space<vmem>> -> memref<1x128xi32, #tpu.memory_space<vmem>>
    %dma_wait3A_2011 = tpu.memref_squeeze %dma_wait3A_2010 : memref<1x128xi32, #tpu.memory_space<vmem>> -> memref<128xi32, #tpu.memory_space<vmem>>
    %dma_wait3A_2012 = arith.constant 0 : i32
    %dma_wait3A_2013 = arith.constant 0 : i32
    %dma_wait3A_2014 = tpu.memref_slice %arg2[%dma_wait3A_2012, %dma_wait3A_2013] : memref<1048576x24xf32, #tpu.memory_space<hbm>> -> memref<1048576x24xf32, #tpu.memory_space<hbm>>
    tpu.wait_indirect_dma semaphore(%arg11 : memref<!tpu.dma_semaphore, #tpu.memory_space<semaphore_mem>>) src(%dma_wait3A_2014 : memref<1048576x24xf32, #tpu.memory_space<hbm>>) dst(%dma_wait3A_2008 : memref<128x24xf32, #tpu.memory_space<vmem>>)
    %mul3A_2015 = arith.constant 2048 : i32
    %mul3A_2016 = arith.muli %add3A, %mul3A_2015 : i32
    "tpu.region"() ({
      %run_scoped3A = tpu.sem_alloc : memref<!tpu.dma_semaphore, #tpu.memory_space<semaphore_mem>>
      %dma_start3A_2033 = arith.constant 0 : i32
      %dma_start3A_2034 = tpu.memref_slice %arg5[%mul3A_2016, %dma_start3A_2033] : memref<65536x24xf32, #tpu.memory_space<hbm>> -> memref<2048x24xf32, #tpu.memory_space<hbm>>
      %dma_start3A_2035 = arith.constant 0 : i32
      %dma_start3A_2036 = tpu.memref_slice %arg5[%mul3A_2016, %dma_start3A_2035] : memref<65536x24xf32, #tpu.memory_space<hbm>> -> memref<2048x24xf32, #tpu.memory_space<hbm>>
      tpu.enqueue_dma source(%arg8 : memref<2048x24xf32, #tpu.memory_space<vmem>>) target(%dma_start3A_2036 : memref<2048x24xf32, #tpu.memory_space<hbm>>) target_semaphore(%run_scoped3A : memref<!tpu.dma_semaphore, #tpu.memory_space<semaphore_mem>>)
      %dma_wait3A_2037 = arith.constant 0 : i32
      %dma_wait3A_2038 = tpu.memref_slice %arg5[%mul3A_2016, %dma_wait3A_2037] : memref<65536x24xf32, #tpu.memory_space<hbm>> -> memref<2048x24xf32, #tpu.memory_space<hbm>>
      %dma_wait3A_2039 = arith.constant 0 : i32
      %dma_wait3A_2040 = tpu.memref_slice %arg5[%mul3A_2016, %dma_wait3A_2039] : memref<65536x24xf32, #tpu.memory_space<hbm>> -> memref<2048x24xf32, #tpu.memory_space<hbm>>
      tpu.wait_dma2 semaphore(%run_scoped3A : memref<!tpu.dma_semaphore, #tpu.memory_space<semaphore_mem>>) src(%arg8 : memref<2048x24xf32, #tpu.memory_space<vmem>>) dst(%dma_wait3A_2040 : memref<2048x24xf32, #tpu.memory_space<hbm>>)
      tpu.yield
    }) : () -> ()
    "tpu.region"() ({
      %run_scoped3A = tpu.sem_alloc : memref<!tpu.dma_semaphore, #tpu.memory_space<semaphore_mem>>
      %dma_start3A_2033 = arith.constant 0 : i32
      %dma_start3A_2034 = tpu.memref_slice %arg3[%add3A, %dma_start3A_2033] : memref<32x128xi32, #tpu.memory_space<hbm>> -> memref<1x128xi32, #tpu.memory_space<hbm>>
      %dma_start3A_2035 = arith.constant 0 : i32
      %dma_start3A_2036 = tpu.memref_slice %arg3[%add3A, %dma_start3A_2035] : memref<32x128xi32, #tpu.memory_space<hbm>> -> memref<1x128xi32, #tpu.memory_space<hbm>>
      tpu.enqueue_dma source(%dma_start3A_2036 : memref<1x128xi32, #tpu.memory_space<hbm>>) target(%arg9 : memref<1x128xi32, #tpu.memory_space<vmem>>) target_semaphore(%run_scoped3A : memref<!tpu.dma_semaphore, #tpu.memory_space<semaphore_mem>>)
      %dma_wait3A_2037 = arith.constant 0 : i32
      %dma_wait3A_2038 = tpu.memref_slice %arg3[%add3A, %dma_wait3A_2037] : memref<32x128xi32, #tpu.memory_space<hbm>> -> memref<1x128xi32, #tpu.memory_space<hbm>>
      %dma_wait3A_2039 = arith.constant 0 : i32
      %dma_wait3A_2040 = tpu.memref_slice %arg3[%add3A, %dma_wait3A_2039] : memref<32x128xi32, #tpu.memory_space<hbm>> -> memref<1x128xi32, #tpu.memory_space<hbm>>
      tpu.wait_dma2 semaphore(%run_scoped3A : memref<!tpu.dma_semaphore, #tpu.memory_space<semaphore_mem>>) src(%dma_wait3A_2040 : memref<1x128xi32, #tpu.memory_space<hbm>>) dst(%arg9 : memref<1x128xi32, #tpu.memory_space<vmem>>)
      tpu.yield
    }) : () -> ()
    %dma_start3A_2017 = arith.constant 0 : i32
    %dma_start3A_2018 = arith.constant 0 : i32
    %dma_start3A_2019 = tpu.memref_slice %arg9[%dma_start3A_2017, %dma_start3A_2018] : memref<1x128xi32, #tpu.memory_space<vmem>> -> memref<1x128xi32, #tpu.memory_space<vmem>>
    %dma_start3A_2020 = tpu.memref_squeeze %dma_start3A_2019 : memref<1x128xi32, #tpu.memory_space<vmem>> -> memref<128xi32, #tpu.memory_space<vmem>>
    %dma_start3A_2021 = arith.constant 0 : i32
    %dma_start3A_2022 = arith.constant 0 : i32
    %dma_start3A_2023 = tpu.memref_slice %arg4[%dma_start3A_2021, %dma_start3A_2022] : memref<65536x16xf32, #tpu.memory_space<hbm>> -> memref<65536x16xf32, #tpu.memory_space<hbm>>
    tpu.enqueue_indirect_dma source(%dma_start3A_2023 : memref<65536x16xf32, #tpu.memory_space<hbm>>) target(%arg10 : memref<128x16xf32, #tpu.memory_space<vmem>>) offsets(%dma_start3A_2020 : memref<128xi32, #tpu.memory_space<vmem>>) semaphore(%arg11 : memref<!tpu.dma_semaphore, #tpu.memory_space<semaphore_mem>>)
    %dma_wait3A_2024 = arith.constant 0 : i32
    %dma_wait3A_2025 = arith.constant 0 : i32
    %dma_wait3A_2026 = tpu.memref_slice %arg9[%dma_wait3A_2024, %dma_wait3A_2025] : memref<1x128xi32, #tpu.memory_space<vmem>> -> memref<1x128xi32, #tpu.memory_space<vmem>>
    %dma_wait3A_2027 = tpu.memref_squeeze %dma_wait3A_2026 : memref<1x128xi32, #tpu.memory_space<vmem>> -> memref<128xi32, #tpu.memory_space<vmem>>
    %dma_wait3A_2028 = arith.constant 0 : i32
    %dma_wait3A_2029 = arith.constant 0 : i32
    %dma_wait3A_2030 = tpu.memref_slice %arg4[%dma_wait3A_2028, %dma_wait3A_2029] : memref<65536x16xf32, #tpu.memory_space<hbm>> -> memref<65536x16xf32, #tpu.memory_space<hbm>>
    tpu.wait_indirect_dma semaphore(%arg11 : memref<!tpu.dma_semaphore, #tpu.memory_space<semaphore_mem>>) src(%dma_wait3A_2030 : memref<65536x16xf32, #tpu.memory_space<hbm>>) dst(%arg10 : memref<128x16xf32, #tpu.memory_space<vmem>>)
    %mul3A_2031 = arith.constant 128 : i32
    %mul3A_2032 = arith.muli %add3A, %mul3A_2031 : i32
    "tpu.region"() ({
      %run_scoped3A = tpu.sem_alloc : memref<!tpu.dma_semaphore, #tpu.memory_space<semaphore_mem>>
      %dma_start3A_2033 = arith.constant 0 : i32
      %dma_start3A_2034 = tpu.memref_slice %arg6[%mul3A_2032, %dma_start3A_2033] : memref<4096x16xf32, #tpu.memory_space<hbm>> -> memref<128x16xf32, #tpu.memory_space<hbm>>
      %dma_start3A_2035 = arith.constant 0 : i32
      %dma_start3A_2036 = tpu.memref_slice %arg6[%mul3A_2032, %dma_start3A_2035] : memref<4096x16xf32, #tpu.memory_space<hbm>> -> memref<128x16xf32, #tpu.memory_space<hbm>>
      tpu.enqueue_dma source(%arg10 : memref<128x16xf32, #tpu.memory_space<vmem>>) target(%dma_start3A_2036 : memref<128x16xf32, #tpu.memory_space<hbm>>) target_semaphore(%run_scoped3A : memref<!tpu.dma_semaphore, #tpu.memory_space<semaphore_mem>>)
      %dma_wait3A_2037 = arith.constant 0 : i32
      %dma_wait3A_2038 = tpu.memref_slice %arg6[%mul3A_2032, %dma_wait3A_2037] : memref<4096x16xf32, #tpu.memory_space<hbm>> -> memref<128x16xf32, #tpu.memory_space<hbm>>
      %dma_wait3A_2039 = arith.constant 0 : i32
      %dma_wait3A_2040 = tpu.memref_slice %arg6[%mul3A_2032, %dma_wait3A_2039] : memref<4096x16xf32, #tpu.memory_space<hbm>> -> memref<128x16xf32, #tpu.memory_space<hbm>>
      tpu.wait_dma2 semaphore(%run_scoped3A : memref<!tpu.dma_semaphore, #tpu.memory_space<semaphore_mem>>) src(%arg10 : memref<128x16xf32, #tpu.memory_space<vmem>>) dst(%dma_wait3A_2040 : memref<128x16xf32, #tpu.memory_space<hbm>>)
      tpu.yield
    }) : () -> ()
    return
  }
}

module attributes {stable_mosaic.version = 14 : i64} {
  func.func @_topk_body(%arg0: memref<512x2xf32, #tpu.memory_space<vmem>>, %arg1: memref<2x65536xf32, #tpu.memory_space<vmem>>, %arg2: memref<512x8xi32, #tpu.memory_space<vmem>>, %arg3: memref<512x2176xf32, #tpu.memory_space<vmem>>, %arg4: memref<512x2176xf32, #tpu.memory_space<vmem>>) attributes {dimension_semantics = [], scalar_prefetch = 0 : i64, scratch_operands = 2 : i64, tpu.core_type = #tpu.core_type<tc>} {
    %get3A = arith.constant 0 : index
    %get3A_0 = arith.constant 0 : index
    %get3A_1 = vector.load %arg0[%get3A, %get3A_0] : memref<512x2xf32, #tpu.memory_space<vmem>>, vector<512x1xf32>
    %get3A_2 = arith.constant 0 : index
    %get3A_3 = arith.constant 1 : index
    %get3A_4 = vector.load %arg0[%get3A_2, %get3A_3] : memref<512x2xf32, #tpu.memory_space<vmem>>, vector<512x1xf32>
    %broadcast_in_dim3A = arith.constant 0x7F800000 : f32
    %broadcast_in_dim3A_5 = vector.broadcast %broadcast_in_dim3A : f32 to vector<512x128xf32>
    %swap3A = arith.constant 0 : index
    %swap3A_6 = arith.constant 0 : index
    %swap3A_7 = vector.load %arg3[%swap3A, %swap3A_6] : memref<512x2176xf32, #tpu.memory_space<vmem>>, vector<512x128xf32>
    tpu.vector_store %arg3[%swap3A, %swap3A_6], %broadcast_in_dim3A_5 {strides = array<i32>} : memref<512x2176xf32, #tpu.memory_space<vmem>>, vector<512x128xf32>,
    %broadcast_in_dim3A_8 = arith.constant 0x4B800000 : f32
    %broadcast_in_dim3A_9 = vector.broadcast %broadcast_in_dim3A_8 : f32 to vector<512x128xf32>
    %swap3A_10 = arith.constant 0 : index
    %swap3A_11 = arith.constant 0 : index
    %swap3A_12 = vector.load %arg4[%swap3A_10, %swap3A_11] : memref<512x2176xf32, #tpu.memory_space<vmem>>, vector<512x128xf32>
    tpu.vector_store %arg4[%swap3A_10, %swap3A_11], %broadcast_in_dim3A_9 {strides = array<i32>} : memref<512x2176xf32, #tpu.memory_space<vmem>>, vector<512x128xf32>,
    %scan3A = arith.constant 0 : i32
    %scan3A_13 = arith.constant 32 : i32
    %scan3A_14 = arith.addi %scan3A, %scan3A_13 : i32
    %scan3A_15 = arith.constant 1 : i32
    scf.for %scan3A_23 = %scan3A to %scan3A_14 step %scan3A_15  : i32 {
      %mul3A = arith.constant 2048 : i32
      %mul3A_24 = arith.muli %scan3A_23, %mul3A : i32
      %get3A_25 = arith.constant 0 : index
      %get3A_26 = arith.index_cast %mul3A_24 : i32 to index
      %get3A_27 = vector.load %arg1[%get3A_25, %get3A_26] : memref<2x65536xf32, #tpu.memory_space<vmem>>, vector<1x2048xf32>
      %mul3A_28 = arith.constant 2048 : i32
      %mul3A_29 = arith.muli %scan3A_23, %mul3A_28 : i32
      %get3A_30 = arith.constant 1 : index
      %get3A_31 = arith.index_cast %mul3A_29 : i32 to index
      %get3A_32 = vector.load %arg1[%get3A_30, %get3A_31] : memref<2x65536xf32, #tpu.memory_space<vmem>>, vector<1x2048xf32>
      %sub3A = vector.broadcast %get3A_1 : vector<512x1xf32> to vector<512x2048xf32>
      %sub3A_33 = vector.broadcast %get3A_27 : vector<1x2048xf32> to vector<512x2048xf32>
      %sub3A_34 = arith.subf %sub3A, %sub3A_33 : vector<512x2048xf32>
      %sub3A_35 = vector.broadcast %get3A_4 : vector<512x1xf32> to vector<512x2048xf32>
      %sub3A_36 = vector.broadcast %get3A_32 : vector<1x2048xf32> to vector<512x2048xf32>
      %sub3A_37 = arith.subf %sub3A_35, %sub3A_36 : vector<512x2048xf32>
      %mul3A_38 = arith.mulf %sub3A_34, %sub3A_34 : vector<512x2048xf32>
      %mul3A_39 = arith.mulf %sub3A_37, %sub3A_37 : vector<512x2048xf32>
      %add3A = arith.addf %mul3A_38, %mul3A_39 : vector<512x2048xf32>
      %swap3A_40 = arith.constant 0 : index
      %swap3A_41 = arith.constant 128 : index
      %swap3A_42 = vector.load %arg3[%swap3A_40, %swap3A_41] : memref<512x2176xf32, #tpu.memory_space<vmem>>, vector<512x2048xf32>
      tpu.vector_store %arg3[%swap3A_40, %swap3A_41], %add3A {strides = array<i32>} : memref<512x2176xf32, #tpu.memory_space<vmem>>, vector<512x2048xf32>,
      %iota3A = tpu.iota {dimensions = array<i32: 1>} : vector<512x2048xi32>
      %convert_element_type3A_43 = arith.sitofp %iota3A : vector<512x2048xi32> to vector<512x2048xf32>
      %mul3A_44 = arith.constant 2048 : i32
      %mul3A_45 = arith.muli %scan3A_23, %mul3A_44 : i32
      %convert_element_type3A_46 = arith.sitofp %mul3A_45 : i32 to f32
      %add3A_47 = vector.broadcast %convert_element_type3A_46 : f32 to vector<512x2048xf32>
      %add3A_48 = arith.addf %convert_element_type3A_43, %add3A_47 : vector<512x2048xf32>
      %swap3A_49 = arith.constant 0 : index
      %swap3A_50 = arith.constant 128 : index
      %swap3A_51 = vector.load %arg4[%swap3A_49, %swap3A_50] : memref<512x2176xf32, #tpu.memory_space<vmem>>, vector<512x2048xf32>
      tpu.vector_store %arg4[%swap3A_49, %swap3A_50], %add3A_48 {strides = array<i32>} : memref<512x2176xf32, #tpu.memory_space<vmem>>, vector<512x2048xf32>,
      %get3A_52 = arith.constant 0 : index
      %get3A_53 = arith.constant 0 : index
      %get3A_54 = vector.load %arg3[%get3A_52, %get3A_53] : memref<512x2176xf32, #tpu.memory_space<vmem>>, vector<512x2176xf32>
      %get3A_55 = arith.constant 0 : index
      %get3A_56 = arith.constant 0 : index
      %get3A_57 = vector.load %arg4[%get3A_55, %get3A_56] : memref<512x2176xf32, #tpu.memory_space<vmem>>, vector<512x2176xf32>
      %reduce_min3A = arith.constant dense<0x7F800000> : vector<512xf32>
      %reduce_min3A_58 = vector.multi_reduction <minimumf>, %get3A_54, %reduce_min3A [1] : vector<512x2176xf32> to vector<512xf32>
      %broadcast_in_dim3A_59 = vector.shape_cast %reduce_min3A_58 : vector<512xf32> to vector<512x1xf32>
      %eq3A = vector.broadcast %broadcast_in_dim3A_59 : vector<512x1xf32> to vector<512x2176xf32>
      %eq3A_60 = arith.cmpf oeq, %get3A_54, %eq3A : vector<512x2176xf32>
      %jit3A = arith.constant 0x4B800000 : f32
      %broadcast_in_dim3A_61 = vector.broadcast %jit3A : f32 to vector<512x2176xf32>
      %select_n3A = arith.select %eq3A_60, %get3A_57, %broadcast_in_dim3A_61 : vector<512x2176xi1>, vector<512x2176xf32>
      %reduce_min3A_62 = arith.constant dense<0x7F800000> : vector<512xf32>
      %reduce_min3A_63 = vector.multi_reduction <minimumf>, %select_n3A, %reduce_min3A_62 [1] : vector<512x2176xf32> to vector<512xf32>
      %broadcast_in_dim3A_64 = vector.shape_cast %reduce_min3A_63 : vector<512xf32> to vector<512x1xf32>
      %eq3A_65 = vector.broadcast %broadcast_in_dim3A_64 : vector<512x1xf32> to vector<512x2176xf32>
      %eq3A_66 = arith.cmpf oeq, %get3A_57, %eq3A_65 : vector<512x2176xf32>
      %jit3A_67 = arith.constant 0x7F800000 : f32
      %broadcast_in_dim3A_68 = vector.broadcast %jit3A_67 : f32 to vector<512x2176xf32>
      %select_n3A_69 = arith.select %eq3A_66, %broadcast_in_dim3A_68, %get3A_54 : vector<512x2176xi1>, vector<512x2176xf32>
      %swap3A_70 = arith.constant 0 : index
      %swap3A_71 = arith.constant 0 : index
      %swap3A_72 = vector.load %arg3[%swap3A_70, %swap3A_71] : memref<512x2176xf32, #tpu.memory_space<vmem>>, vector<512x2176xf32>
      tpu.vector_store %arg3[%swap3A_70, %swap3A_71], %select_n3A_69 {strides = array<i32>} : memref<512x2176xf32, #tpu.memory_space<vmem>>, vector<512x2176xf32>,
      %get3A_73 = arith.constant 0 : index
      %get3A_74 = arith.constant 0 : index
      %get3A_75 = vector.load %arg3[%get3A_73, %get3A_74] : memref<512x2176xf32, #tpu.memory_space<vmem>>, vector<512x2176xf32>
      %get3A_76 = arith.constant 0 : index
      %get3A_77 = arith.constant 0 : index
      %get3A_78 = vector.load %arg4[%get3A_76, %get3A_77] : memref<512x2176xf32, #tpu.memory_space<vmem>>, vector<512x2176xf32>
      %reduce_min3A_79 = arith.constant dense<0x7F800000> : vector<512xf32>
      %reduce_min3A_80 = vector.multi_reduction <minimumf>, %get3A_75, %reduce_min3A_79 [1] : vector<512x2176xf32> to vector<512xf32>
      %broadcast_in_dim3A_81 = vector.shape_cast %reduce_min3A_80 : vector<512xf32> to vector<512x1xf32>
      %eq3A_82 = vector.broadcast %broadcast_in_dim3A_81 : vector<512x1xf32> to vector<512x2176xf32>
      %eq3A_83 = arith.cmpf oeq, %get3A_75, %eq3A_82 : vector<512x2176xf32>
      %jit3A_84 = arith.constant 0x4B800000 : f32
      %broadcast_in_dim3A_85 = vector.broadcast %jit3A_84 : f32 to vector<512x2176xf32>
      %select_n3A_86 = arith.select %eq3A_83, %get3A_78, %broadcast_in_dim3A_85 : vector<512x2176xi1>, vector<512x2176xf32>
      %reduce_min3A_87 = arith.constant dense<0x7F800000> : vector<512xf32>
      %reduce_min3A_88 = vector.multi_reduction <minimumf>, %select_n3A_86, %reduce_min3A_87 [1] : vector<512x2176xf32> to vector<512xf32>
      %broadcast_in_dim3A_89 = vector.shape_cast %reduce_min3A_88 : vector<512xf32> to vector<512x1xf32>
      %eq3A_90 = vector.broadcast %broadcast_in_dim3A_89 : vector<512x1xf32> to vector<512x2176xf32>
      %eq3A_91 = arith.cmpf oeq, %get3A_78, %eq3A_90 : vector<512x2176xf32>
      %jit3A_92 = arith.constant 0x7F800000 : f32
      %broadcast_in_dim3A_93 = vector.broadcast %jit3A_92 : f32 to vector<512x2176xf32>
      %select_n3A_94 = arith.select %eq3A_91, %broadcast_in_dim3A_93, %get3A_75 : vector<512x2176xi1>, vector<512x2176xf32>
      %swap3A_95 = arith.constant 0 : index
      %swap3A_96 = arith.constant 0 : index
      %swap3A_97 = vector.load %arg3[%swap3A_95, %swap3A_96] : memref<512x2176xf32, #tpu.memory_space<vmem>>, vector<512x2176xf32>
      tpu.vector_store %arg3[%swap3A_95, %swap3A_96], %select_n3A_94 {strides = array<i32>} : memref<512x2176xf32, #tpu.memory_space<vmem>>, vector<512x2176xf32>,
      %get3A_98 = arith.constant 0 : index
      %get3A_99 = arith.constant 0 : index
      %get3A_100 = vector.load %arg3[%get3A_98, %get3A_99] : memref<512x2176xf32, #tpu.memory_space<vmem>>, vector<512x2176xf32>
      %get3A_101 = arith.constant 0 : index
      %get3A_102 = arith.constant 0 : index
      %get3A_103 = vector.load %arg4[%get3A_101, %get3A_102] : memref<512x2176xf32, #tpu.memory_space<vmem>>, vector<512x2176xf32>
      %reduce_min3A_104 = arith.constant dense<0x7F800000> : vector<512xf32>
      %reduce_min3A_105 = vector.multi_reduction <minimumf>, %get3A_100, %reduce_min3A_104 [1] : vector<512x2176xf32> to vector<512xf32>
      %broadcast_in_dim3A_106 = vector.shape_cast %reduce_min3A_105 : vector<512xf32> to vector<512x1xf32>
      %eq3A_107 = vector.broadcast %broadcast_in_dim3A_106 : vector<512x1xf32> to vector<512x2176xf32>
      %eq3A_108 = arith.cmpf oeq, %get3A_100, %eq3A_107 : vector<512x2176xf32>
      %jit3A_109 = arith.constant 0x4B800000 : f32
      %broadcast_in_dim3A_110 = vector.broadcast %jit3A_109 : f32 to vector<512x2176xf32>
      %select_n3A_111 = arith.select %eq3A_108, %get3A_103, %broadcast_in_dim3A_110 : vector<512x2176xi1>, vector<512x2176xf32>
      %reduce_min3A_112 = arith.constant dense<0x7F800000> : vector<512xf32>
      %reduce_min3A_113 = vector.multi_reduction <minimumf>, %select_n3A_111, %reduce_min3A_112 [1] : vector<512x2176xf32> to vector<512xf32>
      %broadcast_in_dim3A_114 = vector.shape_cast %reduce_min3A_113 : vector<512xf32> to vector<512x1xf32>
      %eq3A_115 = vector.broadcast %broadcast_in_dim3A_114 : vector<512x1xf32> to vector<512x2176xf32>
      %eq3A_116 = arith.cmpf oeq, %get3A_103, %eq3A_115 : vector<512x2176xf32>
      %jit3A_117 = arith.constant 0x7F800000 : f32
      %broadcast_in_dim3A_118 = vector.broadcast %jit3A_117 : f32 to vector<512x2176xf32>
      %select_n3A_119 = arith.select %eq3A_116, %broadcast_in_dim3A_118, %get3A_100 : vector<512x2176xi1>, vector<512x2176xf32>
      %swap3A_120 = arith.constant 0 : index
      %swap3A_121 = arith.constant 0 : index
      %swap3A_122 = vector.load %arg3[%swap3A_120, %swap3A_121] : memref<512x2176xf32, #tpu.memory_space<vmem>>, vector<512x2176xf32>
      tpu.vector_store %arg3[%swap3A_120, %swap3A_121], %select_n3A_119 {strides = array<i32>} : memref<512x2176xf32, #tpu.memory_space<vmem>>, vector<512x2176xf32>,
      %get3A_123 = arith.constant 0 : index
      %get3A_124 = arith.constant 0 : index
      %get3A_125 = vector.load %arg3[%get3A_123, %get3A_124] : memref<512x2176xf32, #tpu.memory_space<vmem>>, vector<512x2176xf32>
      %get3A_126 = arith.constant 0 : index
      %get3A_127 = arith.constant 0 : index
      %get3A_128 = vector.load %arg4[%get3A_126, %get3A_127] : memref<512x2176xf32, #tpu.memory_space<vmem>>, vector<512x2176xf32>
      %reduce_min3A_129 = arith.constant dense<0x7F800000> : vector<512xf32>
      %reduce_min3A_130 = vector.multi_reduction <minimumf>, %get3A_125, %reduce_min3A_129 [1] : vector<512x2176xf32> to vector<512xf32>
      %broadcast_in_dim3A_131 = vector.shape_cast %reduce_min3A_130 : vector<512xf32> to vector<512x1xf32>
      %eq3A_132 = vector.broadcast %broadcast_in_dim3A_131 : vector<512x1xf32> to vector<512x2176xf32>
      %eq3A_133 = arith.cmpf oeq, %get3A_125, %eq3A_132 : vector<512x2176xf32>
      %jit3A_134 = arith.constant 0x4B800000 : f32
      %broadcast_in_dim3A_135 = vector.broadcast %jit3A_134 : f32 to vector<512x2176xf32>
      %select_n3A_136 = arith.select %eq3A_133, %get3A_128, %broadcast_in_dim3A_135 : vector<512x2176xi1>, vector<512x2176xf32>
      %reduce_min3A_137 = arith.constant dense<0x7F800000> : vector<512xf32>
      %reduce_min3A_138 = vector.multi_reduction <minimumf>, %select_n3A_136, %reduce_min3A_137 [1] : vector<512x2176xf32> to vector<512xf32>
      %broadcast_in_dim3A_139 = vector.shape_cast %reduce_min3A_138 : vector<512xf32> to vector<512x1xf32>
      %eq3A_140 = vector.broadcast %broadcast_in_dim3A_139 : vector<512x1xf32> to vector<512x2176xf32>
      %eq3A_141 = arith.cmpf oeq, %get3A_128, %eq3A_140 : vector<512x2176xf32>
      %jit3A_142 = arith.constant 0x7F800000 : f32
      %broadcast_in_dim3A_143 = vector.broadcast %jit3A_142 : f32 to vector<512x2176xf32>
      %select_n3A_144 = arith.select %eq3A_141, %broadcast_in_dim3A_143, %get3A_125 : vector<512x2176xi1>, vector<512x2176xf32>
      %swap3A_145 = arith.constant 0 : index
      %swap3A_146 = arith.constant 0 : index
      %swap3A_147 = vector.load %arg3[%swap3A_145, %swap3A_146] : memref<512x2176xf32, #tpu.memory_space<vmem>>, vector<512x2176xf32>
      tpu.vector_store %arg3[%swap3A_145, %swap3A_146], %select_n3A_144 {strides = array<i32>} : memref<512x2176xf32, #tpu.memory_space<vmem>>, vector<512x2176xf32>,
      %get3A_148 = arith.constant 0 : index
      %get3A_149 = arith.constant 0 : index
      %get3A_150 = vector.load %arg3[%get3A_148, %get3A_149] : memref<512x2176xf32, #tpu.memory_space<vmem>>, vector<512x2176xf32>
      %get3A_151 = arith.constant 0 : index
      %get3A_152 = arith.constant 0 : index
      %get3A_153 = vector.load %arg4[%get3A_151, %get3A_152] : memref<512x2176xf32, #tpu.memory_space<vmem>>, vector<512x2176xf32>
      %reduce_min3A_154 = arith.constant dense<0x7F800000> : vector<512xf32>
      %reduce_min3A_155 = vector.multi_reduction <minimumf>, %get3A_150, %reduce_min3A_154 [1] : vector<512x2176xf32> to vector<512xf32>
      %broadcast_in_dim3A_156 = vector.shape_cast %reduce_min3A_155 : vector<512xf32> to vector<512x1xf32>
      %eq3A_157 = vector.broadcast %broadcast_in_dim3A_156 : vector<512x1xf32> to vector<512x2176xf32>
      %eq3A_158 = arith.cmpf oeq, %get3A_150, %eq3A_157 : vector<512x2176xf32>
      %jit3A_159 = arith.constant 0x4B800000 : f32
      %broadcast_in_dim3A_160 = vector.broadcast %jit3A_159 : f32 to vector<512x2176xf32>
      %select_n3A_161 = arith.select %eq3A_158, %get3A_153, %broadcast_in_dim3A_160 : vector<512x2176xi1>, vector<512x2176xf32>
      %reduce_min3A_162 = arith.constant dense<0x7F800000> : vector<512xf32>
      %reduce_min3A_163 = vector.multi_reduction <minimumf>, %select_n3A_161, %reduce_min3A_162 [1] : vector<512x2176xf32> to vector<512xf32>
      %broadcast_in_dim3A_164 = vector.shape_cast %reduce_min3A_163 : vector<512xf32> to vector<512x1xf32>
      %eq3A_165 = vector.broadcast %broadcast_in_dim3A_164 : vector<512x1xf32> to vector<512x2176xf32>
      %eq3A_166 = arith.cmpf oeq, %get3A_153, %eq3A_165 : vector<512x2176xf32>
      %jit3A_167 = arith.constant 0x7F800000 : f32
      %broadcast_in_dim3A_168 = vector.broadcast %jit3A_167 : f32 to vector<512x2176xf32>
      %select_n3A_169 = arith.select %eq3A_166, %broadcast_in_dim3A_168, %get3A_150 : vector<512x2176xi1>, vector<512x2176xf32>
      %swap3A_170 = arith.constant 0 : index
      %swap3A_171 = arith.constant 0 : index
      %swap3A_172 = vector.load %arg3[%swap3A_170, %swap3A_171] : memref<512x2176xf32, #tpu.memory_space<vmem>>, vector<512x2176xf32>
      tpu.vector_store %arg3[%swap3A_170, %swap3A_171], %select_n3A_169 {strides = array<i32>} : memref<512x2176xf32, #tpu.memory_space<vmem>>, vector<512x2176xf32>,
      %get3A_173 = arith.constant 0 : index
      %get3A_174 = arith.constant 0 : index
      %get3A_175 = vector.load %arg3[%get3A_173, %get3A_174] : memref<512x2176xf32, #tpu.memory_space<vmem>>, vector<512x2176xf32>
      %get3A_176 = arith.constant 0 : index
      %get3A_177 = arith.constant 0 : index
      %get3A_178 = vector.load %arg4[%get3A_176, %get3A_177] : memref<512x2176xf32, #tpu.memory_space<vmem>>, vector<512x2176xf32>
      %reduce_min3A_179 = arith.constant dense<0x7F800000> : vector<512xf32>
      %reduce_min3A_180 = vector.multi_reduction <minimumf>, %get3A_175, %reduce_min3A_179 [1] : vector<512x2176xf32> to vector<512xf32>
      %broadcast_in_dim3A_181 = vector.shape_cast %reduce_min3A_180 : vector<512xf32> to vector<512x1xf32>
      %eq3A_182 = vector.broadcast %broadcast_in_dim3A_181 : vector<512x1xf32> to vector<512x2176xf32>
      %eq3A_183 = arith.cmpf oeq, %get3A_175, %eq3A_182 : vector<512x2176xf32>
      %jit3A_184 = arith.constant 0x4B800000 : f32
      %broadcast_in_dim3A_185 = vector.broadcast %jit3A_184 : f32 to vector<512x2176xf32>
      %select_n3A_186 = arith.select %eq3A_183, %get3A_178, %broadcast_in_dim3A_185 : vector<512x2176xi1>, vector<512x2176xf32>
      %reduce_min3A_187 = arith.constant dense<0x7F800000> : vector<512xf32>
      %reduce_min3A_188 = vector.multi_reduction <minimumf>, %select_n3A_186, %reduce_min3A_187 [1] : vector<512x2176xf32> to vector<512xf32>
      %broadcast_in_dim3A_189 = vector.shape_cast %reduce_min3A_188 : vector<512xf32> to vector<512x1xf32>
      %eq3A_190 = vector.broadcast %broadcast_in_dim3A_189 : vector<512x1xf32> to vector<512x2176xf32>
      %eq3A_191 = arith.cmpf oeq, %get3A_178, %eq3A_190 : vector<512x2176xf32>
      %jit3A_192 = arith.constant 0x7F800000 : f32
      %broadcast_in_dim3A_193 = vector.broadcast %jit3A_192 : f32 to vector<512x2176xf32>
      %select_n3A_194 = arith.select %eq3A_191, %broadcast_in_dim3A_193, %get3A_175 : vector<512x2176xi1>, vector<512x2176xf32>
      %swap3A_195 = arith.constant 0 : index
      %swap3A_196 = arith.constant 0 : index
      %swap3A_197 = vector.load %arg3[%swap3A_195, %swap3A_196] : memref<512x2176xf32, #tpu.memory_space<vmem>>, vector<512x2176xf32>
      tpu.vector_store %arg3[%swap3A_195, %swap3A_196], %select_n3A_194 {strides = array<i32>} : memref<512x2176xf32, #tpu.memory_space<vmem>>, vector<512x2176xf32>,
      %get3A_198 = arith.constant 0 : index
      %get3A_199 = arith.constant 0 : index
      %get3A_200 = vector.load %arg3[%get3A_198, %get3A_199] : memref<512x2176xf32, #tpu.memory_space<vmem>>, vector<512x2176xf32>
      %get3A_201 = arith.constant 0 : index
      %get3A_202 = arith.constant 0 : index
      %get3A_203 = vector.load %arg4[%get3A_201, %get3A_202] : memref<512x2176xf32, #tpu.memory_space<vmem>>, vector<512x2176xf32>
      %reduce_min3A_204 = arith.constant dense<0x7F800000> : vector<512xf32>
      %reduce_min3A_205 = vector.multi_reduction <minimumf>, %get3A_200, %reduce_min3A_204 [1] : vector<512x2176xf32> to vector<512xf32>
      %broadcast_in_dim3A_206 = vector.shape_cast %reduce_min3A_205 : vector<512xf32> to vector<512x1xf32>
      %eq3A_207 = vector.broadcast %broadcast_in_dim3A_206 : vector<512x1xf32> to vector<512x2176xf32>
      %eq3A_208 = arith.cmpf oeq, %get3A_200, %eq3A_207 : vector<512x2176xf32>
      %jit3A_209 = arith.constant 0x4B800000 : f32
      %broadcast_in_dim3A_210 = vector.broadcast %jit3A_209 : f32 to vector<512x2176xf32>
      %select_n3A_211 = arith.select %eq3A_208, %get3A_203, %broadcast_in_dim3A_210 : vector<512x2176xi1>, vector<512x2176xf32>
      %reduce_min3A_212 = arith.constant dense<0x7F800000> : vector<512xf32>
      %reduce_min3A_213 = vector.multi_reduction <minimumf>, %select_n3A_211, %reduce_min3A_212 [1] : vector<512x2176xf32> to vector<512xf32>
      %broadcast_in_dim3A_214 = vector.shape_cast %reduce_min3A_213 : vector<512xf32> to vector<512x1xf32>
      %eq3A_215 = vector.broadcast %broadcast_in_dim3A_214 : vector<512x1xf32> to vector<512x2176xf32>
      %eq3A_216 = arith.cmpf oeq, %get3A_203, %eq3A_215 : vector<512x2176xf32>
      %jit3A_217 = arith.constant 0x7F800000 : f32
      %broadcast_in_dim3A_218 = vector.broadcast %jit3A_217 : f32 to vector<512x2176xf32>
      %select_n3A_219 = arith.select %eq3A_216, %broadcast_in_dim3A_218, %get3A_200 : vector<512x2176xi1>, vector<512x2176xf32>
      %swap3A_220 = arith.constant 0 : index
      %swap3A_221 = arith.constant 0 : index
      %swap3A_222 = vector.load %arg3[%swap3A_220, %swap3A_221] : memref<512x2176xf32, #tpu.memory_space<vmem>>, vector<512x2176xf32>
      tpu.vector_store %arg3[%swap3A_220, %swap3A_221], %select_n3A_219 {strides = array<i32>} : memref<512x2176xf32, #tpu.memory_space<vmem>>, vector<512x2176xf32>,
      %get3A_223 = arith.constant 0 : index
      %get3A_224 = arith.constant 0 : index
      %get3A_225 = vector.load %arg3[%get3A_223, %get3A_224] : memref<512x2176xf32, #tpu.memory_space<vmem>>, vector<512x2176xf32>
      %get3A_226 = arith.constant 0 : index
      %get3A_227 = arith.constant 0 : index
      %get3A_228 = vector.load %arg4[%get3A_226, %get3A_227] : memref<512x2176xf32, #tpu.memory_space<vmem>>, vector<512x2176xf32>
      %reduce_min3A_229 = arith.constant dense<0x7F800000> : vector<512xf32>
      %reduce_min3A_230 = vector.multi_reduction <minimumf>, %get3A_225, %reduce_min3A_229 [1] : vector<512x2176xf32> to vector<512xf32>
      %broadcast_in_dim3A_231 = vector.shape_cast %reduce_min3A_230 : vector<512xf32> to vector<512x1xf32>
      %eq3A_232 = vector.broadcast %broadcast_in_dim3A_231 : vector<512x1xf32> to vector<512x2176xf32>
      %eq3A_233 = arith.cmpf oeq, %get3A_225, %eq3A_232 : vector<512x2176xf32>
      %jit3A_234 = arith.constant 0x4B800000 : f32
      %broadcast_in_dim3A_235 = vector.broadcast %jit3A_234 : f32 to vector<512x2176xf32>
      %select_n3A_236 = arith.select %eq3A_233, %get3A_228, %broadcast_in_dim3A_235 : vector<512x2176xi1>, vector<512x2176xf32>
      %reduce_min3A_237 = arith.constant dense<0x7F800000> : vector<512xf32>
      %reduce_min3A_238 = vector.multi_reduction <minimumf>, %select_n3A_236, %reduce_min3A_237 [1] : vector<512x2176xf32> to vector<512xf32>
      %broadcast_in_dim3A_239 = vector.shape_cast %reduce_min3A_238 : vector<512xf32> to vector<512x1xf32>
      %eq3A_240 = vector.broadcast %broadcast_in_dim3A_239 : vector<512x1xf32> to vector<512x2176xf32>
      %eq3A_241 = arith.cmpf oeq, %get3A_228, %eq3A_240 : vector<512x2176xf32>
      %jit3A_242 = arith.constant 0x7F800000 : f32
      %broadcast_in_dim3A_243 = vector.broadcast %jit3A_242 : f32 to vector<512x2176xf32>
      %select_n3A_244 = arith.select %eq3A_241, %broadcast_in_dim3A_243, %get3A_225 : vector<512x2176xi1>, vector<512x2176xf32>
      %swap3A_245 = arith.constant 0 : index
      %swap3A_246 = arith.constant 0 : index
      %swap3A_247 = vector.load %arg3[%swap3A_245, %swap3A_246] : memref<512x2176xf32, #tpu.memory_space<vmem>>, vector<512x2176xf32>
      tpu.vector_store %arg3[%swap3A_245, %swap3A_246], %select_n3A_244 {strides = array<i32>} : memref<512x2176xf32, #tpu.memory_space<vmem>>, vector<512x2176xf32>,
      %concatenate3A = tpu.concatenate %broadcast_in_dim3A_59, %broadcast_in_dim3A_81, %broadcast_in_dim3A_106, %broadcast_in_dim3A_131, %broadcast_in_dim3A_156, %broadcast_in_dim3A_181, %broadcast_in_dim3A_206, %broadcast_in_dim3A_231 in 1 : vector<512x1xf32>, vector<512x1xf32>, vector<512x1xf32>, vector<512x1xf32>, vector<512x1xf32>, vector<512x1xf32>, vector<512x1xf32>, vector<512x1xf32> -> vector<512x8xf32>
      %swap3A_248 = arith.constant 0 : index
      %swap3A_249 = arith.constant 0 : index
      %swap3A_250 = vector.load %arg3[%swap3A_248, %swap3A_249] : memref<512x2176xf32, #tpu.memory_space<vmem>>, vector<512x8xf32>
      tpu.vector_store %arg3[%swap3A_248, %swap3A_249], %concatenate3A {strides = array<i32>} : memref<512x2176xf32, #tpu.memory_space<vmem>>, vector<512x8xf32>,
      %concatenate3A_251 = tpu.concatenate %broadcast_in_dim3A_64, %broadcast_in_dim3A_89, %broadcast_in_dim3A_114, %broadcast_in_dim3A_139, %broadcast_in_dim3A_164, %broadcast_in_dim3A_189, %broadcast_in_dim3A_214, %broadcast_in_dim3A_239 in 1 : vector<512x1xf32>, vector<512x1xf32>, vector<512x1xf32>, vector<512x1xf32>, vector<512x1xf32>, vector<512x1xf32>, vector<512x1xf32>, vector<512x1xf32> -> vector<512x8xf32>
      %swap3A_252 = arith.constant 0 : index
      %swap3A_253 = arith.constant 0 : index
      %swap3A_254 = vector.load %arg4[%swap3A_252, %swap3A_253] : memref<512x2176xf32, #tpu.memory_space<vmem>>, vector<512x8xf32>
      tpu.vector_store %arg4[%swap3A_252, %swap3A_253], %concatenate3A_251 {strides = array<i32>} : memref<512x2176xf32, #tpu.memory_space<vmem>>, vector<512x8xf32>,
    }
    %scan3A_16 = arith.constant 32 : i32
    %get3A_17 = arith.constant 0 : index
    %get3A_18 = arith.constant 0 : index
    %get3A_19 = vector.load %arg4[%get3A_17, %get3A_18] : memref<512x2176xf32, #tpu.memory_space<vmem>>, vector<512x8xf32>
    %convert_element_type3A = arith.fptosi %get3A_19 : vector<512x8xf32> to vector<512x8xi32>
    %swap3A_20 = arith.constant 0 : index
    %swap3A_21 = arith.constant 0 : index
    %swap3A_22 = vector.load %arg2[%swap3A_20, %swap3A_21] : memref<512x8xi32, #tpu.memory_space<vmem>>, vector<512x8xi32>
    tpu.vector_store %arg2[%swap3A_20, %swap3A_21], %convert_element_type3A {strides = array<i32>} : memref<512x8xi32, #tpu.memory_space<vmem>>, vector<512x8xi32>,
    return
  }
}

</mosaic_0001>

<sc_bundles>
// kernel: kernel.4.cloned.1.call-start
scs
__scs_entry_jumppad:
0x0: {  	(pc) =	sbr.rel $0x88, $3  }
0x1: {  	(tag) =	ssettag $0x0;
	lr =	simm.s32 $0x1  }
0x2: {  	[smem:$0x3F9E] =	sst lr;
	_ =	strace $0xD0000000  }
0x3: {  	_ = 	snop  }
0x4: {  	_ = 	snop  }
0x5: {  	_ = 	snop  }
0x6: {  	_ = 	snop  }
0x7: {  	_ = 	snop  }
__scs_overlays_trampoline_lowered:
0x8: {  	[smem:$0x3FAD] =	sst s0  }
0x9: {  	[smem:$0x3FAE] =	sst s1  }
0xa: {  	[smem:$0x3FAF] =	sst s2  }
0xb: {  	[smem:$0x3FB0] =	sst s3  }
0xc: {  	[smem:$0x3FB1] =	sst s4  }
0xd: {  	[smem:$0x3FB2] =	sst s5  }
0xe: {  	[smem:$0x3FB3] =	sst s6  }
0xf: {  	[smem:$0x3FB4] =	sst s7  }
0x10: {  	[smem:$0x3FB5] =	sst s8  }
0x11: {  	[smem:$0x3FB6] =	sst s9;
	s0 =	simm.s32 @!p0 $0x0  }
0x12: {  	s1 =	sld [smem:$0x3F9C];
	s0 =	simm.s32 @p0 $0x1  }
0x13: {  	[smem:$0x3FB7] =	sst s0;
	s0 =	simm.s32 @!p1 $0x0  }
0x14: {  	s2 =	sld [smem:$0x3F9B];
	s0 =	simm.s32 @p1 $0x1  }
0x15: {  	[smem:$0x3FB8] =	sst s0;
	s0 =	simm.s32 @!p2 $0x0  }
0x16: {  	s3 =	sld [smem:$0x3FDB];
	s0 =	simm.s32 @p2 $0x1  }
0x17: {  	s4 =	simm.s32 $0x1BF5;
	[smem:$0x3FBA] =	sst s0  }
0x18: {  	s0 =	sld [smem:$0x3F9D];
	_ =	swait.ge [sflag:s4], $0x0  }
0x19: {  	s7 =	sld [smem:$0x3F9E]  }
0x1a: {  	s8 =	sadd.s32 $0xFFFFE003, lr  }
0x1b: {  	s9 =	sadd.s32 $0xFFFFFEF7, lr;
	s5 =	simm.s32 $0xFFFFFFFF;
	p2 =	slt.u32 s8, $0xFFFFF086  }
0x1c: {  	p1 =	slt.u32 s9, $0xF7A;
	s5 =	simm.s32 @!p2 $0x0  }
0x1d: {  	s5 =	simm.s32 @p1 $0x1;
	p0 =	seq.s32 s7, s2  }
0x1e: {  	s7 =	smul.u32 @!p0 $0xF7A, s2;
	p2 =	seq.s32 @!p0 s5, $0x0  }
0x1f: {  	s9 =	smul.u32 $0xF7A, s1;
	s8 =	simm.s32 @!p0 $0x1BF5;
	p2 =	por !p2, p0  }
0x20: {  	[sflag:s8] =	ssyncset.s32 @!p0 $0xFFFFF086;
	s6 =	sadd.s32 @!p0 s3, s7;
	s7 =	simm.s32 @!p0 $0x108  }
0x21: {  	s3 =	sadd.s32 s3, s9;
	s6 =	sadd.s32 @!p0 $0x88, s6;
	s7 =	simm.s32 @p2 $0x1082  }
0x22: {  	[simem:s7], [sflag:s8] =	dma.local @!p0 [hbm:s6], $0xF7A  }
0x23: {  	s9 =	sor.u32 $0xD0000000, s2;
	s6 =	simm.s32 $0x108;
	_ =	swait.ge @!p0 [sflag:s8], $0x0  }
0x24: {  	s3 =	sadd.s32 $0x88, s3;
	s6 =	simm.s32 @!p1 $0x1082;
	[sflag:s4] =	ssyncset.s32 $0xFFFFF086  }
0x25: {  	[simem:s6], [sflag:s4] =	dma.local [hbm:s3], $0xF7A  }
0x26: {  	[smem:$0x3F9E] =	sst s1;
	(tag) =	ssettag s2;
	_ =	strace s9  }
0x27: {  	s1 =	sld [smem:$0x3FAE]  }
0x28: {  	s2 =	sld [smem:$0x3FAF]  }
0x29: {  	s4 =	sld [smem:$0x3FB1]  }
0x2a: {  	p0 =	seq.s32 s5, $0x0;
	s5 =	sld [smem:$0x3FB2]  }
0x2b: {  	s6 =	sld [smem:$0x3FB3]  }
0x2c: {  	s7 =	sld [smem:$0x3FB4]  }
0x2d: {  	s3 =	simm.s32 $0x108;
	s8 =	sld [smem:$0x3FB5]  }
0x2e: {  	s3 =	simm.s32 @!p0 $0x1082;
	s9 =	sld [smem:$0x3FB6]  }
0x2f: {  	lr =	sadd.s32 s0, s3;
	s0 =	sld [smem:$0x3FAD]  }
0x30: {  	s3 =	sld [smem:$0x3FB0]  }
0x31: {  	[smem:$0x3FB9] =	sst s10  }
0x32: {  	s10 =	sld [smem:$0x3FB7];
	_ =	sdelay $0x3  }
0x33: {  	p0 =	seq.s32 s10, $0x1;
	s10 =	sld [smem:$0x3FB9];
	_ =	sdelay $0x3  }
0x34: {  	[smem:$0x3FB9] =	sst s10  }
0x35: {  	s10 =	sld [smem:$0x3FB8];
	_ =	sdelay $0x3  }
0x36: {  	p1 =	seq.s32 s10, $0x1;
	s10 =	sld [smem:$0x3FB9];
	_ =	sdelay $0x3  }
0x37: {  	[smem:$0x3FB9] =	sst s10  }
0x38: {  	s10 =	sld [smem:$0x3FBA]  }
0x39: {  	_ = 	snop;
	(pc) =	sbr.ind lr, $3  }
0x3a: {  	_ = 	snop  }
0x3b: {  	_ = 	snop  }
0x3c: {  	p2 =	seq.s32 s10, $0x1;
	s10 =	sld [smem:$0x3FB9]  }
0x3d: {  	_ =	shalt  }
0x3e: {  	_ =	shalt  }
0x3f: {  	_ =	shalt  }
0x40: {  	_ =	shalt  }
0x41: {  	_ =	shalt  }
0x42: {  	_ =	shalt  }
0x43: {  	_ =	shalt  }
0x44: {  	_ =	shalt  }
0x45: {  	_ =	shalt  }
0x46: {  	_ =	shalt  }
0x47: {  	_ =	shalt  }
0x48: {  	_ =	shalt  }
0x49: {  	_ =	shalt  }
0x4a: {  	_ =	shalt  }
0x4b: {  	_ =	shalt  }
0x4c: {  	_ =	shalt  }
0x4d: {  	_ =	shalt  }
0x4e: {  	_ =	shalt  }
0x4f: {  	_ =	shalt  }
0x50: {  	_ =	shalt  }
0x51: {  	_ =	shalt  }
0x52: {  	_ =	shalt  }
0x53: {  	_ =	shalt  }
0x54: {  	_ =	shalt  }
0x55: {  	_ =	shalt  }
0x56: {  	_ =	shalt  }
0x57: {  	_ =	shalt  }
0x58: {  	_ =	shalt  }
0x59: {  	_ =	shalt  }
0x5a: {  	_ =	shalt  }
0x5b: {  	_ =	shalt  }
0x5c: {  	_ =	shalt  }
0x5d: {  	_ =	shalt  }
0x5e: {  	_ =	shalt  }
0x5f: {  	_ =	shalt  }
0x60: {  	_ =	shalt  }
0x61: {  	_ =	shalt  }
0x62: {  	_ =	shalt  }
0x63: {  	_ =	shalt  }
0x64: {  	_ =	shalt  }
0x65: {  	_ =	shalt  }
0x66: {  	_ =	shalt  }
0x67: {  	_ =	shalt  }
0x68: {  	_ =	shalt  }
0x69: {  	_ =	shalt  }
0x6a: {  	_ =	shalt  }
0x6b: {  	_ =	shalt  }
0x6c: {  	_ =	shalt  }
0x6d: {  	_ =	shalt  }
0x6e: {  	_ =	shalt  }
0x6f: {  	_ =	shalt  }
0x70: {  	_ =	shalt  }
0x71: {  	_ =	shalt  }
0x72: {  	_ =	shalt  }
0x73: {  	_ =	shalt  }
0x74: {  	_ =	shalt  }
0x75: {  	_ =	shalt  }
0x76: {  	_ =	shalt  }
0x77: {  	_ =	shalt  }
0x78: {  	_ =	shalt  }
0x79: {  	_ =	shalt  }
0x7a: {  	_ =	shalt  }
0x7b: {  	_ =	shalt  }
0x7c: {  	_ =	shalt  }
0x7d: {  	_ =	shalt  }
0x7e: {  	_ =	shalt  }
0x7f: {  	_ =	shalt  }
0x80: {  	_ =	shalt  }
0x81: {  	_ =	shalt  }
0x82: {  	_ =	shalt  }
0x83: {  	_ =	shalt  }
0x84: {  	_ =	shalt  }
0x85: {  	_ =	shalt  }
0x86: {  	_ =	shalt  }
0x87: {  	_ =	shalt  }
.Lfunc_end0:
.L_simem_size_0:
called_computation_lowered:
.L_overlay_start_0:
0x88: {  	s2 =	sld [smem:$0x3FD9]  }
0x89: {  	s3 =	sld [smem:$0x3FFE];
	_ =	sdelay $0x1  }
0x8a: {  	s1 =	srdreg.scid  }
0x8b: {  	s0 =	sand.u32 $0x1, s1  }
0x8c: {  	s14 =	sshll.u32 s0, $0xA;
	s2 =	sadd.s32 s3, s2  }
0x8d: {  	s2 =	sadd.s32 s2, s14  }
0x8e: {  	[smem:$0x3FC5] =	sst s2  }
0x8f: {  	_ = 	snop  }
0x90: {  	s2 =	sld [smem:$0x3FD0];
	_ =	sdelay $0x2  }
0x91: {  	s15 =	simm.s32 $0xA;
	s4 =	simm.s32 $0x10  }
0x92: {  	[smem:s4], [sflag:s15] =	dma.local [hbm:s2], $0x1  }
0x93: {  	_ =	swait.eq [sflag:s15], $0x1  }
0x94: {  	[sflag:s15] =	ssyncset.done $0x0  }
0x95: {  	s16 =	sld [smem:$0x10];
	[sflag:s15] =	ssyncadd.s32 $0xFFFFFFFF  }
0x96: {  	s17 =	sld [smem:$0x11];
	(tm) =	ssettm $0x1  }
0x97: {  	s18 =	sld [smem:$0x3FFB];
	_ =	sdelay $0x3  }
0x98: {  	_ =	strace s18  }
0x99: {  	s4 =	sld [smem:$0x3FFC];
	_ =	sdelay $0x3  }
0x9a: {  	_ =	strace s4  }
0x9b: {  	s4 =	sld [smem:$0x3FFD];
	_ =	sdelay $0x3  }
0x9c: {  	_ =	strace s4  }
0x9d: {  	_ =	strace $0x8FFFFFFF  }
0x9e: {  	s19 =	sld [smem:$0x3FDB];
	_ =	sdelay $0x1  }
0x9f: {  	s5 =	simm.s32 $_scs_section_size  }
0xa0: {  	s6 =	simm.s32 $_size__tile_overlayer_lowered;
	s7 =	simm.s32 $_tile_overlayer_lowered  }
0xa1: {  	s22 =	simm.s32 $0x1BFF;
	s21 =	sshll.u32 s7, $0x1;
	s4 =	sadd.s32 s5, s19  }
0xa2: {  	s8 =	simm.s32 $0x0;
	s20 =	sshll.u32 s6, $0x1;
	s6 =	sadd.s32 s21, s4  }
0xa3: {  	[timem:s8], [sflag:s22] =	dma.local [hbm:s6], s20  }
0xa4: {  	_ =	swait.ge [sflag:s22], s20  }
0xa5: {  	s5 =	ssub.s32 $0x0, s20;
	[sflag:s22] =	ssyncset.done $0x0  }
0xa6: {  	[sflag:s22] =	ssyncadd.s32 s5;
	_ =	sdelay $0x1  }
0xa7: {  	s23 =	simm.s32 $0x1B8B  }
0xa8: {  	_ =	swait.ge [sflag:s23], $0x1  }
0xa9: {  	[sflag:s23] =	ssyncset.done $0x0  }
0xaa: {  	s25 =	simm.s32 $0x1B8E;
	s24 =	sld [smem:$0x3FFE];
	[sflag:s23] =	ssyncadd.s32 $0xFFFFFFFF  }
0xab: {  	s26 =	simm.s32 $execute0_lowered;
	[smem:$0x3FD2] =	sst s25  }
0xac: {  	s6 =	sshll.u32 s26, $0x1;
	_ =	strace $0x80000046;
	[dreg:$0x1] =	wrdreg $0xFFFFFFFF  }
0xad: {  	s28 =	simm.s32 $_size_execute0_lowered;
	s4 =	sadd.s32 s4, s6;
	[dreg:$0x0] =	wrdreg $0x0  }
0xae: {  	s6 =	sshll.u32 s28, $0x1;
	[dreg:$0x2] =	wrdreg s4  }
0xaf: {  	[dreg:$0x3] =	wrdreg s6  }
0xb0: {  	[dreg:$0x4] =	wrdreg $0xC0  }
0xb1: {  	_ =	task [dreg:s8], $0x5FFFF  }
0xb2: {  	[dreg:$0x1] =	wrdreg $0xFFFFFFFF  }
0xb3: {  	[dreg:$0x0] =	wrdreg $0x60  }
0xb4: {  	[dreg:$0x2] =	wrdreg s24  }
0xb5: {  	[dreg:$0x3] =	wrdreg s17  }
0xb6: {  	[dreg:$0x4] =	wrdreg s16  }
0xb7: {  	[dreg:$0x5] =	wrdreg $0x9  }
0xb8: {  	_ =	task.clear_ibuf [dreg:s8], $0x6FFFF;
	_ =	strace $0x90000046  }
0xb9: {  	s29 =	simm.s32 $0x9;
	_ =	strace $0x80000048  }
0xba: {  	_ =	swait.ge [sflag:s29], $0x1  }
0xbb: {  	[sflag:s29] =	ssyncadd.s32 $0xFFFFFFFF  }
0xbc: {  	_ =	strace $0x90000048  }
0xbd: {  	_ =	sfence  }
0xbe: {  	s30 =	sld [smem:$0x0];
	_ =	sdelay $0x2  }
0xbf: {  	s31 =	sshll.u32 s1, $0xD;
	s1 =	sshrl.u32 s1, $0x2  }
0xc0: {  	s3 =	sand.u32 $0x4000, s31;
	s1 =	sadd.s32 s1, s30  }
0xc1: {  	s0 =	sor.u32 s3, s0;
	s1 =	sshll.u32 s1, $0x11  }
0xc2: {  	s0 =	sor.u32 s1, s0  }
0xc3: {  	s0 =	sadd.s32 $0x8F2B, s0  }
0xc4: {  	[sflag:s0] =	ssyncadd.remote.s32 $0x1  }
0xc5: {  	_ =	sfence.sel $0xFFFF  }
0xc6: {  	[dreg:$0x0] =	wrdreg $0xFFFFFFFF;
	(pc) =	sbr.abs _section_cstart, $3  }
0xc7: {  	[dreg:$0x1] =	wrdreg $0xFFFFFFFF  }
0xc8: {  	_ =	task.clear_ibuf [dreg:s8], $0x2FFFF;
	_ =	strace $0x9FFFFFFF  }
0xc9: {  	(tm) =	ssettm $0x7FFFFFFF  }
tec
execute0_lowered:
.L_overlay_start_1:
0x0: {  	(tag) =	ssettag $0x1  }
0x1: {  	s0 =	rddreg [dreg:$0x0]  }
0x2: {  	s4 =	rddreg [dreg:$0x1]  }
0x3: {  	s5 =	rddreg [dreg:$0x2];
	s2 =	simm.s32 $0x0  }
0x4: {  	s3 =	srdreg.scid;
	s1 =	stileid.u32;
	s19 =	simm.s32 $0x1400  }
0x5: {  	s20 =	simm.s32 $0x100;
	s21 =	simm.s32 $0x2000;
	s22 =	simm.s32 $0x180  }
0x6: {  	s23 =	simm.s32 $0x2C00;
	[smem:$0x7FF] =	sst s2;
	s8 =	sadd.s32 $0xE00, s0  }
0x7: {  	s24 =	simm.s32 $0x200;
	_ =	strace $0x80000047;
	[dreg:$0x4] =	wrdreg s8  }
0x8: {  	s25 =	simm.s32 $0x3800;
	s26 =	simm.s32 $0x280;
	[dreg:$0x9] =	wrdreg s19  }
0x9: {  	s12 =	simm.s32 $0x380;
	s13 =	simm.s32 $0x5C00;
	[dreg:$0xa] =	wrdreg s20  }
0xa: {  	s14 =	simm.s32 $0x400;
	s28 =	simm.s32 $0xB000;
	[dreg:$0xb] =	wrdreg s21  }
0xb: {  	s29 =	simm.s32 $0x780;
	s31 =	simm.s32 $0xC800;
	[dreg:$0xc] =	wrdreg s22  }
0xc: {  	s6 =	sand.u32 $0x1, s3;
	s7 =	sshll.u32 s1, $0x1;
	[dreg:$0xd] =	wrdreg s23  }
0xd: {  	s3 =	sadd.s32 $0x1000E00, s0;
	s7 =	sor.u32 s6, s7;
	[dreg:$0xe] =	wrdreg s24  }
0xe: {  	s9 =	ssub.s32 $0x2, s6;
	p1 =	seq.s32 s6, $0x1;
	[dreg:$0xf] =	wrdreg s25  }
0xf: {  	s6 =	sshll.u32 s6, $0x8;
	[dreg:$0x10] =	wrdreg s26;
	s19 =	simm.s32 $0x8000  }
0x10: {  	s20 =	simm.s32 $0x580;
	s21 =	simm.s32 $0x8C00;
	s22 =	simm.s32 $0x600  }
0x11: {  	s23 =	simm.s32 $0x9800;
	s24 =	simm.s32 $0x680;
	s25 =	simm.s32 $0xA400  }
0x12: {  	s26 =	simm.s32 $0x700;
	s15 =	sshll.u32 s7, $0x8;
	s16 =	sshrl.u32 s9, $0x1  }
0x13: {  	p0 =	seq.s32 s7, $0x0;
	s10 =	smul.u32 $0x1800, s7;
	s6 =	sadd.s32 s4, s6  }
0x14: {  	s17 =	sshll.u32 s7, $0x4;
	s7 =	simm.s32 $0x80;
	s0 =	sadd.s32 s15, s0  }
0x15: {  	s8 =	ssub.s32 s9, s16;
	p0 =	por !p0, !p1;
	[dreg:$0x5] =	wrdreg s6  }
0x16: {  	s18 =	sadd.s32 s4, s17;
	s4 =	simm.s32 $0x1;
	s6 =	simm.s32 $0x2  }
0x17: {  	s15 =	simm.s32 $0x6800;
	s16 =	simm.s32 $0x480;
	s5 =	sadd.s32 s5, s10  }
0x18: {  	p0 =	por !p0, !p0;
	[dreg:$0x6] =	wrdreg s5;
	s5 =	simm.s32 $0x1  }
0x19: {  	s17 =	simm.s32 $0x7400;
	[dreg:$0x7] =	wrdreg s18;
	s5 =	simm.s32 @!p0 $0x0  }
0x1a: {  	s0 =	sadd.s32 $0x20E00, s0;
	s18 =	simm.s32 $0x500;
	s5 =	ssub.s32 s1, s5  }
0x1b: {  	[dreg:$0x8] =	wrdreg s0;
	s0 =	simm.s32 $0xC880;
	s30 =	sshll.u32 s5, $0x10  }
0x1c: {  	s5 =	smax.u32 s8, $0x1;
	s8 =	simm.s32 $0x800;
	v0 =	vmov s30;
	s30 =	simm.s32 $0xBC00  }
.LBB2_1:
0x1d: {  	s1 =	rddreg [dreg:$0x5]  }
0x1e: {  	[tilespmem:s2], [sflag:$0x2] =	stream.linear.gather [hbm4b:s1+s2], $0x800, $0x38;
	[tilespmem:$0xD080] =	vst v63  }
0x1f: {  	_ =	swait.ge [sflag:s6], $0x800  }
0x20: {  	[sflag:s6] =	ssyncset.done $0x0  }
0x21: {  	[sflag:s6] =	ssyncadd.s32 $0xFFFFF800  }
0x22: {  	v1 =	vld [tilespmem:$0x0]  }
0x23: {  	v2 =	vld [tilespmem:$0x10]  }
0x24: {  	v3 =	vld [tilespmem:$0x20]  }
0x25: {  	v4 =	vld [tilespmem:$0x30]  }
0x26: {  	v5 =	vld [tilespmem:$0x40]  }
0x27: {  	v6 =	vld [tilespmem:$0x50];
	v1 =	vadd.s32 v0, v1  }
0x28: {  	[tilespmem:$0x0] =	vst v1;
	v1 =	vadd.s32 v0, v2;
	v2 =	vld [tilespmem:$0x60]  }
0x29: {  	[tilespmem:$0x10] =	vst v1;
	v1 =	vadd.s32 v0, v3;
	v3 =	vld [tilespmem:$0x70]  }
0x2a: {  	v47 =	vld [tilespmem:$0x80];
	[tilespmem:$0x20] =	vst v1;
	v1 =	vadd.s32 v0, v4  }
0x2b: {  	v48 =	vld [tilespmem:$0x90];
	[tilespmem:$0x30] =	vst v1;
	v1 =	vadd.s32 v0, v5  }
0x2c: {  	v49 =	vld [tilespmem:$0xA0];
	[tilespmem:$0x40] =	vst v1;
	v1 =	vadd.s32 v0, v6  }
0x2d: {  	[tilespmem:$0x50] =	vst v1;
	v1 =	vadd.s32 v0, v2;
	v2 =	vld [tilespmem:$0xB0]  }
0x2e: {  	[tilespmem:$0x60] =	vst v1;
	v1 =	vadd.s32 v0, v3;
	v3 =	vld [tilespmem:$0xC0]  }
0x2f: {  	v50 =	vld [tilespmem:$0xD0];
	[tilespmem:$0x70] =	vst v1;
	v1 =	vadd.s32 v0, v47  }
0x30: {  	v51 =	vld [tilespmem:$0xE0];
	[tilespmem:$0x80] =	vst v1;
	v1 =	vadd.s32 v0, v48  }
0x31: {  	v52 =	vld [tilespmem:$0xF0];
	[tilespmem:$0x90] =	vst v1;
	v1 =	vadd.s32 v0, v49  }
0x32: {  	[tilespmem:$0xA0] =	vst v1;
	v1 =	vadd.s32 v0, v2;
	v2 =	vld [tilespmem:$0x100]  }
0x33: {  	[tilespmem:$0xB0] =	vst v1;
	v1 =	vadd.s32 v0, v3;
	v3 =	vld [tilespmem:$0x110]  }
0x34: {  	v53 =	vld [tilespmem:$0x120];
	[tilespmem:$0xC0] =	vst v1;
	v1 =	vadd.s32 v0, v50  }
0x35: {  	v54 =	vld [tilespmem:$0x130];
	[tilespmem:$0xD0] =	vst v1;
	v1 =	vadd.s32 v0, v51  }
0x36: {  	v55 =	vld [tilespmem:$0x140];
	[tilespmem:$0xE0] =	vst v1;
	v1 =	vadd.s32 v0, v52  }
0x37: {  	[tilespmem:$0xF0] =	vst v1;
	v1 =	vadd.s32 v0, v2;
	v2 =	vld [tilespmem:$0x150]  }
0x38: {  	[tilespmem:$0x100] =	vst v1;
	v1 =	vadd.s32 v0, v3;
	v3 =	vld [tilespmem:$0x160]  }
0x39: {  	v56 =	vld [tilespmem:$0x170];
	[tilespmem:$0x110] =	vst v1;
	v1 =	vadd.s32 v0, v53  }
0x3a: {  	v57 =	vld [tilespmem:$0x180];
	[tilespmem:$0x120] =	vst v1;
	v1 =	vadd.s32 v0, v54  }
0x3b: {  	v58 =	vld [tilespmem:$0x190];
	[tilespmem:$0x130] =	vst v1;
	v1 =	vadd.s32 v0, v55  }
0x3c: {  	[tilespmem:$0x140] =	vst v1;
	v1 =	vadd.s32 v0, v2;
	v2 =	vld [tilespmem:$0x1A0]  }
0x3d: {  	[tilespmem:$0x150] =	vst v1;
	v1 =	vadd.s32 v0, v3;
	v3 =	vld [tilespmem:$0x1B0]  }
0x3e: {  	v59 =	vld [tilespmem:$0x1C0];
	[tilespmem:$0x160] =	vst v1;
	v1 =	vadd.s32 v0, v56  }
0x3f: {  	v60 =	vld [tilespmem:$0x1D0];
	[tilespmem:$0x170] =	vst v1;
	v1 =	vadd.s32 v0, v57  }
0x40: {  	v61 =	vld [tilespmem:$0x1E0];
	[tilespmem:$0x180] =	vst v1;
	v1 =	vadd.s32 v0, v58  }
0x41: {  	[tilespmem:$0x190] =	vst v1;
	v1 =	vadd.s32 v0, v2;
	v2 =	vld [tilespmem:$0x1F0]  }
0x42: {  	[tilespmem:$0x1A0] =	vst v1;
	v1 =	vadd.s32 v0, v3;
	v3 =	vld [tilespmem:$0x200]  }
0x43: {  	v62 =	vld [tilespmem:$0x210];
	[tilespmem:$0x1B0] =	vst v1;
	v1 =	vadd.s32 v0, v59  }
0x44: {  	v63 =	vld [tilespmem:$0x220];
	[tilespmem:$0x1C0] =	vst v1;
	v1 =	vadd.s32 v0, v60  }
0x45: {  	v9 =	vld [tilespmem:$0x230];
	[tilespmem:$0x1D0] =	vst v1;
	v1 =	vadd.s32 v0, v61  }
0x46: {  	[tilespmem:$0x1E0] =	vst v1;
	v1 =	vadd.s32 v0, v2;
	v2 =	vld [tilespmem:$0x240]  }
0x47: {  	[tilespmem:$0x1F0] =	vst v1;
	v1 =	vadd.s32 v0, v3;
	v3 =	vld [tilespmem:$0x250]  }
0x48: {  	v10 =	vld [tilespmem:$0x260];
	[tilespmem:$0x200] =	vst v1;
	v1 =	vadd.s32 v0, v62  }
0x49: {  	v11 =	vld [tilespmem:$0x270];
	[tilespmem:$0x210] =	vst v1;
	v1 =	vadd.s32 v0, v63  }
0x4a: {  	v12 =	vld [tilespmem:$0x280];
	[tilespmem:$0x220] =	vst v1;
	v1 =	vadd.s32 v0, v9  }
0x4b: {  	[tilespmem:$0x230] =	vst v1;
	v1 =	vadd.s32 v0, v2;
	v2 =	vld [tilespmem:$0x290]  }
0x4c: {  	[tilespmem:$0x240] =	vst v1;
	v1 =	vadd.s32 v0, v3;
	v3 =	vld [tilespmem:$0x2A0]  }
0x4d: {  	v13 =	vld [tilespmem:$0x2B0];
	[tilespmem:$0x250] =	vst v1;
	v1 =	vadd.s32 v0, v10  }
0x4e: {  	v14 =	vld [tilespmem:$0x2C0];
	[tilespmem:$0x260] =	vst v1;
	v1 =	vadd.s32 v0, v11  }
0x4f: {  	v15 =	vld [tilespmem:$0x2D0];
	[tilespmem:$0x270] =	vst v1;
	v1 =	vadd.s32 v0, v12  }
0x50: {  	[tilespmem:$0x280] =	vst v1;
	v1 =	vadd.s32 v0, v2;
	v2 =	vld [tilespmem:$0x2E0]  }
0x51: {  	[tilespmem:$0x290] =	vst v1;
	v1 =	vadd.s32 v0, v3;
	v3 =	vld [tilespmem:$0x2F0]  }
0x52: {  	v16 =	vld [tilespmem:$0x300];
	[tilespmem:$0x2A0] =	vst v1;
	v1 =	vadd.s32 v0, v13  }
0x53: {  	v17 =	vld [tilespmem:$0x310];
	[tilespmem:$0x2B0] =	vst v1;
	v1 =	vadd.s32 v0, v14  }
0x54: {  	v18 =	vld [tilespmem:$0x320];
	[tilespmem:$0x2C0] =	vst v1;
	v1 =	vadd.s32 v0, v15  }
0x55: {  	[tilespmem:$0x2D0] =	vst v1;
	v1 =	vadd.s32 v0, v2;
	v2 =	vld [tilespmem:$0x330]  }
0x56: {  	[tilespmem:$0x2E0] =	vst v1;
	v1 =	vadd.s32 v0, v3;
	v3 =	vld [tilespmem:$0x340]  }
0x57: {  	v19 =	vld [tilespmem:$0x350];
	[tilespmem:$0x2F0] =	vst v1;
	v1 =	vadd.s32 v0, v16  }
0x58: {  	v20 =	vld [tilespmem:$0x360];
	[tilespmem:$0x300] =	vst v1;
	v1 =	vadd.s32 v0, v17  }
0x59: {  	v21 =	vld [tilespmem:$0x370];
	[tilespmem:$0x310] =	vst v1;
	v1 =	vadd.s32 v0, v18  }
0x5a: {  	[tilespmem:$0x320] =	vst v1;
	v1 =	vadd.s32 v0, v2;
	v2 =	vld [tilespmem:$0x380]  }
0x5b: {  	[tilespmem:$0x330] =	vst v1;
	v1 =	vadd.s32 v0, v3;
	v3 =	vld [tilespmem:$0x390]  }
0x5c: {  	v22 =	vld [tilespmem:$0x3A0];
	[tilespmem:$0x340] =	vst v1;
	v1 =	vadd.s32 v0, v19  }
0x5d: {  	v23 =	vld [tilespmem:$0x3B0];
	[tilespmem:$0x350] =	vst v1;
	v1 =	vadd.s32 v0, v20  }
0x5e: {  	v24 =	vld [tilespmem:$0x3C0];
	[tilespmem:$0x360] =	vst v1;
	v1 =	vadd.s32 v0, v21  }
0x5f: {  	[tilespmem:$0x370] =	vst v1;
	v1 =	vadd.s32 v0, v2;
	v2 =	vld [tilespmem:$0x3D0]  }
0x60: {  	[tilespmem:$0x380] =	vst v1;
	v1 =	vadd.s32 v0, v3;
	v3 =	vld [tilespmem:$0x3E0]  }
0x61: {  	v25 =	vld [tilespmem:$0x3F0];
	[tilespmem:$0x390] =	vst v1;
	v1 =	vadd.s32 v0, v22  }
0x62: {  	v26 =	vld [tilespmem:$0x400];
	[tilespmem:$0x3A0] =	vst v1;
	v1 =	vadd.s32 v0, v23  }
0x63: {  	v27 =	vld [tilespmem:$0x410];
	[tilespmem:$0x3B0] =	vst v1;
	v1 =	vadd.s32 v0, v24  }
0x64: {  	[tilespmem:$0x3C0] =	vst v1;
	v1 =	vadd.s32 v0, v2;
	v2 =	vld [tilespmem:$0x420]  }
0x65: {  	[tilespmem:$0x3D0] =	vst v1;
	v1 =	vadd.s32 v0, v3;
	v3 =	vld [tilespmem:$0x430]  }
0x66: {  	v28 =	vld [tilespmem:$0x440];
	[tilespmem:$0x3E0] =	vst v1;
	v1 =	vadd.s32 v0, v25  }
0x67: {  	v29 =	vld [tilespmem:$0x450];
	[tilespmem:$0x3F0] =	vst v1;
	v1 =	vadd.s32 v0, v26  }
0x68: {  	v30 =	vld [tilespmem:$0x460];
	[tilespmem:$0x400] =	vst v1;
	v1 =	vadd.s32 v0, v27  }
0x69: {  	[tilespmem:$0x410] =	vst v1;
	v1 =	vadd.s32 v0, v2;
	v2 =	vld [tilespmem:$0x470]  }
0x6a: {  	[tilespmem:$0x420] =	vst v1;
	v1 =	vadd.s32 v0, v3;
	v3 =	vld [tilespmem:$0x480]  }
0x6b: {  	v31 =	vld [tilespmem:$0x490];
	[tilespmem:$0x430] =	vst v1;
	v1 =	vadd.s32 v0, v28  }
0x6c: {  	v32 =	vld [tilespmem:$0x4A0];
	[tilespmem:$0x440] =	vst v1;
	v1 =	vadd.s32 v0, v29  }
0x6d: {  	v33 =	vld [tilespmem:$0x4B0];
	[tilespmem:$0x450] =	vst v1;
	v1 =	vadd.s32 v0, v30  }
0x6e: {  	[tilespmem:$0x460] =	vst v1;
	v1 =	vadd.s32 v0, v2;
	v2 =	vld [tilespmem:$0x4C0]  }
0x6f: {  	[tilespmem:$0x470] =	vst v1;
	v1 =	vadd.s32 v0, v3;
	v3 =	vld [tilespmem:$0x4D0]  }
0x70: {  	v34 =	vld [tilespmem:$0x4E0];
	[tilespmem:$0x480] =	vst v1;
	v1 =	vadd.s32 v0, v31  }
0x71: {  	v35 =	vld [tilespmem:$0x4F0];
	[tilespmem:$0x490] =	vst v1;
	v1 =	vadd.s32 v0, v32  }
0x72: {  	v36 =	vld [tilespmem:$0x500];
	[tilespmem:$0x4A0] =	vst v1;
	v1 =	vadd.s32 v0, v33  }
0x73: {  	[tilespmem:$0x4B0] =	vst v1;
	v1 =	vadd.s32 v0, v2;
	v2 =	vld [tilespmem:$0x510]  }
0x74: {  	[tilespmem:$0x4C0] =	vst v1;
	v1 =	vadd.s32 v0, v3;
	v3 =	vld [tilespmem:$0x520]  }
0x75: {  	v37 =	vld [tilespmem:$0x530];
	[tilespmem:$0x4D0] =	vst v1;
	v1 =	vadd.s32 v0, v34  }
0x76: {  	v38 =	vld [tilespmem:$0x540];
	[tilespmem:$0x4E0] =	vst v1;
	v1 =	vadd.s32 v0, v35  }
0x77: {  	v39 =	vld [tilespmem:$0x550];
	[tilespmem:$0x4F0] =	vst v1;
	v1 =	vadd.s32 v0, v36  }
0x78: {  	[tilespmem:$0x500] =	vst v1;
	v1 =	vadd.s32 v0, v2;
	v2 =	vld [tilespmem:$0x560]  }
0x79: {  	[tilespmem:$0x510] =	vst v1;
	v1 =	vadd.s32 v0, v3;
	v3 =	vld [tilespmem:$0x570]  }
0x7a: {  	v40 =	vld [tilespmem:$0x580];
	[tilespmem:$0x520] =	vst v1;
	v1 =	vadd.s32 v0, v37  }
0x7b: {  	v41 =	vld [tilespmem:$0x590];
	[tilespmem:$0x530] =	vst v1;
	v1 =	vadd.s32 v0, v38  }
0x7c: {  	v42 =	vld [tilespmem:$0x5A0];
	[tilespmem:$0x540] =	vst v1;
	v1 =	vadd.s32 v0, v39  }
0x7d: {  	[tilespmem:$0x550] =	vst v1;
	v1 =	vadd.s32 v0, v2;
	v2 =	vld [tilespmem:$0x5B0]  }
0x7e: {  	[tilespmem:$0x560] =	vst v1;
	v1 =	vadd.s32 v0, v3;
	v3 =	vld [tilespmem:$0x5C0]  }
0x7f: {  	v43 =	vld [tilespmem:$0x5D0];
	[tilespmem:$0x570] =	vst v1;
	v1 =	vadd.s32 v0, v40  }
0x80: {  	v44 =	vld [tilespmem:$0x5E0];
	[tilespmem:$0x580] =	vst v1;
	v1 =	vadd.s32 v0, v41  }
0x81: {  	v45 =	vld [tilespmem:$0x5F0];
	[tilespmem:$0x590] =	vst v1;
	v1 =	vadd.s32 v0, v42  }
0x82: {  	[tilespmem:$0x5A0] =	vst v1;
	v1 =	vadd.s32 v0, v2;
	v2 =	vld [tilespmem:$0x600]  }
0x83: {  	[tilespmem:$0x5B0] =	vst v1;
	v1 =	vadd.s32 v0, v3;
	v3 =	vld [tilespmem:$0x610]  }
0x84: {  	v46 =	vld [tilespmem:$0x620];
	[tilespmem:$0x5C0] =	vst v1;
	v1 =	vadd.s32 v0, v43  }
0x85: {  	v47 =	vld [tilespmem:$0x630];
	[tilespmem:$0x5D0] =	vst v1;
	v1 =	vadd.s32 v0, v44  }
0x86: {  	v48 =	vld [tilespmem:$0x640];
	[tilespmem:$0x5E0] =	vst v1;
	v1 =	vadd.s32 v0, v45  }
0x87: {  	[tilespmem:$0x5F0] =	vst v1;
	v1 =	vadd.s32 v0, v2;
	v2 =	vld [tilespmem:$0x650]  }
0x88: {  	[tilespmem:$0x600] =	vst v1;
	v1 =	vadd.s32 v0, v3;
	v3 =	vld [tilespmem:$0x660]  }
0x89: {  	v49 =	vld [tilespmem:$0x670];
	[tilespmem:$0x610] =	vst v1;
	v1 =	vadd.s32 v0, v46  }
0x8a: {  	v50 =	vld [tilespmem:$0x680];
	[tilespmem:$0x620] =	vst v1;
	v1 =	vadd.s32 v0, v47  }
0x8b: {  	v51 =	vld [tilespmem:$0x690];
	[tilespmem:$0x630] =	vst v1;
	v1 =	vadd.s32 v0, v48  }
0x8c: {  	[tilespmem:$0x640] =	vst v1;
	v1 =	vadd.s32 v0, v2;
	v2 =	vld [tilespmem:$0x6A0]  }
0x8d: {  	[tilespmem:$0x650] =	vst v1;
	v1 =	vadd.s32 v0, v3;
	v3 =	vld [tilespmem:$0x6B0]  }
0x8e: {  	v52 =	vld [tilespmem:$0x6C0];
	[tilespmem:$0x660] =	vst v1;
	v1 =	vadd.s32 v0, v49  }
0x8f: {  	v53 =	vld [tilespmem:$0x6D0];
	[tilespmem:$0x670] =	vst v1;
	v1 =	vadd.s32 v0, v50  }
0x90: {  	v54 =	vld [tilespmem:$0x6E0];
	[tilespmem:$0x680] =	vst v1;
	v1 =	vadd.s32 v0, v51  }
0x91: {  	[tilespmem:$0x690] =	vst v1;
	v1 =	vadd.s32 v0, v2;
	v2 =	vld [tilespmem:$0x6F0]  }
0x92: {  	[tilespmem:$0x6A0] =	vst v1;
	v1 =	vadd.s32 v0, v3;
	v3 =	vld [tilespmem:$0x700]  }
0x93: {  	v55 =	vld [tilespmem:$0x710];
	[tilespmem:$0x6B0] =	vst v1;
	v1 =	vadd.s32 v0, v52  }
0x94: {  	v56 =	vld [tilespmem:$0x720];
	[tilespmem:$0x6C0] =	vst v1;
	v1 =	vadd.s32 v0, v53  }
0x95: {  	v57 =	vld [tilespmem:$0x730];
	[tilespmem:$0x6D0] =	vst v1;
	v1 =	vadd.s32 v0, v54  }
0x96: {  	[tilespmem:$0x6E0] =	vst v1;
	v1 =	vadd.s32 v0, v2;
	v2 =	vld [tilespmem:$0x740]  }
0x97: {  	[tilespmem:$0x6F0] =	vst v1;
	v1 =	vadd.s32 v0, v3;
	v3 =	vld [tilespmem:$0x750]  }
0x98: {  	v58 =	vld [tilespmem:$0x760];
	[tilespmem:$0x700] =	vst v1;
	v1 =	vadd.s32 v0, v55  }
0x99: {  	v59 =	vld [tilespmem:$0x770];
	[tilespmem:$0x710] =	vst v1;
	v1 =	vadd.s32 v0, v56  }
0x9a: {  	v60 =	vld [tilespmem:$0x780];
	[tilespmem:$0x720] =	vst v1;
	v1 =	vadd.s32 v0, v57  }
0x9b: {  	[tilespmem:$0x730] =	vst v1;
	v1 =	vadd.s32 v0, v2;
	v2 =	vld [tilespmem:$0x790]  }
0x9c: {  	[tilespmem:$0x740] =	vst v1;
	v1 =	vadd.s32 v0, v3;
	v3 =	vld [tilespmem:$0x7A0]  }
0x9d: {  	v61 =	vld [tilespmem:$0x7B0];
	[tilespmem:$0x750] =	vst v1;
	v1 =	vadd.s32 v0, v58  }
0x9e: {  	v62 =	vld [tilespmem:$0x7C0];
	[tilespmem:$0x760] =	vst v1;
	v1 =	vadd.s32 v0, v59  }
0x9f: {  	v63 =	vld [tilespmem:$0x7D0];
	[tilespmem:$0x770] =	vst v1;
	v1 =	vadd.s32 v0, v60  }
0xa0: {  	[tilespmem:$0x780] =	vst v1;
	v1 =	vadd.s32 v0, v2;
	v2 =	vld [tilespmem:$0x7E0]  }
0xa1: {  	[tilespmem:$0x790] =	vst v1;
	v1 =	vadd.s32 v0, v3;
	v3 =	vld [tilespmem:$0x7F0]  }
0xa2: {  	[tilespmem:$0x7A0] =	vst v1;
	v1 =	vadd.s32 v0, v61  }
0xa3: {  	[tilespmem:$0x7B0] =	vst v1;
	v1 =	vadd.s32 v0, v62  }
0xa4: {  	[tilespmem:$0x7C0] =	vst v1;
	v1 =	vadd.s32 v0, v63  }
0xa5: {  	s11 =	rddreg [dreg:$0x9];
	[tilespmem:$0x7D0] =	vst v1;
	v1 =	vadd.s32 v0, v2  }
0xa6: {  	s9 =	rddreg [dreg:$0xa];
	[tilespmem:$0x7E0] =	vst v1;
	v1 =	vadd.s32 v0, v3  }
0xa7: {  	s10 =	rddreg [dreg:$0xb];
	[tilespmem:$0x7F0] =	vst v1  }
0xa8: {  	[tilespmem:s8], [sflag:$0x1] =	stream.indirect.gather [hbm4b:s3+s7], $0x18, s2, s7, $0xb8;
	[tilespmem:$0xD080] =	vst v63  }
0xa9: {  	s1 =	rddreg [dreg:$0xc]  }
0xaa: {  	[tilespmem:s11], [sflag:$0x1] =	stream.indirect.gather [hbm4b:s3+s7], $0x18, s7, s7, $0xb8;
	[tilespmem:$0xD080] =	vst v63  }
0xab: {  	s11 =	rddreg [dreg:$0xf]  }
0xac: {  	[tilespmem:s10], [sflag:$0x1] =	stream.indirect.gather [hbm4b:s3+s7], $0x18, s9, s7, $0xb8;
	[tilespmem:$0xD080] =	vst v63  }
0xad: {  	s9 =	rddreg [dreg:$0xd]  }
0xae: {  	[tilespmem:s9], [sflag:$0x1] =	stream.indirect.gather [hbm4b:s3+s7], $0x18, s1, s7, $0xb8;
	[tilespmem:$0xD080] =	vst v63  }
0xaf: {  	s10 =	rddreg [dreg:$0xe]  }
0xb0: {  	[tilespmem:s11], [sflag:$0x1] =	stream.indirect.gather [hbm4b:s3+s7], $0x18, s10, s7, $0xb8;
	[tilespmem:$0xD080] =	vst v63  }
0xb1: {  	s9 =	rddreg [dreg:$0x10];
	s11 =	simm.s32 $0x4400  }
0xb2: {  	[tilespmem:s11], [sflag:$0x1] =	stream.indirect.gather [hbm4b:s3+s7], $0x18, s9, s7, $0xb8;
	[tilespmem:$0xD080] =	vst v63  }
0xb3: {  	s10 =	simm.s32 $0x5000;
	s9 =	simm.s32 $0x300  }
0xb4: {  	[tilespmem:s10], [sflag:$0x1] =	stream.indirect.gather [hbm4b:s3+s7], $0x18, s9, s7, $0xb8;
	[tilespmem:$0xD080] =	vst v63  }
0xb5: {  	_ = 	snop  }
0xb6: {  	[tilespmem:s13], [sflag:$0x1] =	stream.indirect.gather [hbm4b:s3+s7], $0x18, s12, s7, $0xb8;
	[tilespmem:$0xD080] =	vst v63  }
0xb7: {  	_ = 	snop  }
0xb8: {  	[tilespmem:s15], [sflag:$0x1] =	stream.indirect.gather [hbm4b:s3+s7], $0x18, s14, s7, $0xb8;
	[tilespmem:$0xD080] =	vst v63  }
0xb9: {  	_ = 	snop  }
0xba: {  	[tilespmem:s17], [sflag:$0x1] =	stream.indirect.gather [hbm4b:s3+s7], $0x18, s16, s7, $0xb8;
	[tilespmem:$0xD080] =	vst v63  }
0xbb: {  	_ = 	snop  }
0xbc: {  	[tilespmem:s19], [sflag:$0x1] =	stream.indirect.gather [hbm4b:s3+s7], $0x18, s18, s7, $0xb8;
	[tilespmem:$0xD080] =	vst v63  }
0xbd: {  	_ = 	snop  }
0xbe: {  	[tilespmem:s21], [sflag:$0x1] =	stream.indirect.gather [hbm4b:s3+s7], $0x18, s20, s7, $0xb8;
	[tilespmem:$0xD080] =	vst v63  }
0xbf: {  	_ = 	snop  }
0xc0: {  	[tilespmem:s23], [sflag:$0x1] =	stream.indirect.gather [hbm4b:s3+s7], $0x18, s22, s7, $0xb8;
	[tilespmem:$0xD080] =	vst v63  }
0xc1: {  	_ = 	snop  }
0xc2: {  	[tilespmem:s25], [sflag:$0x1] =	stream.indirect.gather [hbm4b:s3+s7], $0x18, s24, s7, $0xb8;
	[tilespmem:$0xD080] =	vst v63  }
0xc3: {  	_ = 	snop  }
0xc4: {  	[tilespmem:s28], [sflag:$0x1] =	stream.indirect.gather [hbm4b:s3+s7], $0x18, s26, s7, $0xb8;
	[tilespmem:$0xD080] =	vst v63  }
0xc5: {  	_ = 	snop  }
0xc6: {  	[tilespmem:s30], [sflag:$0x1] =	stream.indirect.gather [hbm4b:s3+s7], $0x18, s29, s7, $0xb8;
	[tilespmem:$0xD080] =	vst v63  }
0xc7: {  	_ =	swait.ge [sflag:s4], $0xC00  }
0xc8: {  	[sflag:s4] =	ssyncset.done $0x0  }
0xc9: {  	[sflag:s4] =	ssyncadd.s32 $0xFFFFF400  }
0xca: {  	_ =	swait.ge [sflag:s4], $0xC00  }
0xcb: {  	[sflag:s4] =	ssyncset.done $0x0  }
0xcc: {  	[sflag:s4] =	ssyncadd.s32 $0xFFFFF400  }
0xcd: {  	_ =	swait.ge [sflag:s4], $0xC00  }
0xce: {  	[sflag:s4] =	ssyncset.done $0x0  }
0xcf: {  	[sflag:s4] =	ssyncadd.s32 $0xFFFFF400  }
0xd0: {  	_ =	swait.ge [sflag:s4], $0xC00  }
0xd1: {  	[sflag:s4] =	ssyncset.done $0x0  }
0xd2: {  	[sflag:s4] =	ssyncadd.s32 $0xFFFFF400  }
0xd3: {  	_ =	swait.ge [sflag:s4], $0xC00  }
0xd4: {  	[sflag:s4] =	ssyncset.done $0x0  }
0xd5: {  	[sflag:s4] =	ssyncadd.s32 $0xFFFFF400  }
0xd6: {  	_ =	swait.ge [sflag:s4], $0xC00  }
0xd7: {  	[sflag:s4] =	ssyncset.done $0x0  }
0xd8: {  	[sflag:s4] =	ssyncadd.s32 $0xFFFFF400  }
0xd9: {  	_ =	swait.ge [sflag:s4], $0xC00  }
0xda: {  	[sflag:s4] =	ssyncset.done $0x0  }
0xdb: {  	[sflag:s4] =	ssyncadd.s32 $0xFFFFF400  }
0xdc: {  	_ =	swait.ge [sflag:s4], $0xC00  }
0xdd: {  	[sflag:s4] =	ssyncset.done $0x0  }
0xde: {  	[sflag:s4] =	ssyncadd.s32 $0xFFFFF400  }
0xdf: {  	_ =	swait.ge [sflag:s4], $0xC00  }
0xe0: {  	[sflag:s4] =	ssyncset.done $0x0  }
0xe1: {  	[sflag:s4] =	ssyncadd.s32 $0xFFFFF400  }
0xe2: {  	_ =	swait.ge [sflag:s4], $0xC00  }
0xe3: {  	[sflag:s4] =	ssyncset.done $0x0  }
0xe4: {  	[sflag:s4] =	ssyncadd.s32 $0xFFFFF400  }
0xe5: {  	_ =	swait.ge [sflag:s4], $0xC00  }
0xe6: {  	[sflag:s4] =	ssyncset.done $0x0  }
0xe7: {  	[sflag:s4] =	ssyncadd.s32 $0xFFFFF400  }
0xe8: {  	_ =	swait.ge [sflag:s4], $0xC00  }
0xe9: {  	[sflag:s4] =	ssyncset.done $0x0  }
0xea: {  	[sflag:s4] =	ssyncadd.s32 $0xFFFFF400  }
0xeb: {  	_ =	swait.ge [sflag:s4], $0xC00  }
0xec: {  	[sflag:s4] =	ssyncset.done $0x0  }
0xed: {  	[sflag:s4] =	ssyncadd.s32 $0xFFFFF400  }
0xee: {  	_ =	swait.ge [sflag:s4], $0xC00  }
0xef: {  	[sflag:s4] =	ssyncset.done $0x0  }
0xf0: {  	[sflag:s4] =	ssyncadd.s32 $0xFFFFF400  }
0xf1: {  	_ =	swait.ge [sflag:s4], $0xC00  }
0xf2: {  	[sflag:s4] =	ssyncset.done $0x0  }
0xf3: {  	[sflag:s4] =	ssyncadd.s32 $0xFFFFF400  }
0xf4: {  	_ =	swait.ge [sflag:s4], $0xC00  }
0xf5: {  	[sflag:s4] =	ssyncset.done $0x0  }
0xf6: {  	s11 =	rddreg [dreg:$0x6];
	[sflag:s4] =	ssyncadd.s32 $0xFFFFF400  }
0xf7: {  	[hbm4b:s11+s2] =	stream.linear.scatter [tilespmem:s8], [sflag:$0x2], $0xC000, $0x38;
	[tilespmem:$0xD080] =	vst v63  }
0xf8: {  	_ =	swait.ge [sflag:s6], $0xC000  }
0xf9: {  	[sflag:s6] =	ssyncset.done $0x0  }
0xfa: {  	s9 =	rddreg [dreg:$0x7];
	[sflag:s6] =	ssyncadd.s32 $0xFFFF4000  }
0xfb: {  	[tilespmem:s31], [sflag:$0x2] =	stream.linear.gather [hbm4b:s9+s2], $0x80, $0x38;
	[tilespmem:$0xD080] =	vst v63  }
0xfc: {  	_ =	swait.ge [sflag:s6], $0x80  }
0xfd: {  	[sflag:s6] =	ssyncset.done $0x0  }
0xfe: {  	s10 =	rddreg [dreg:$0x4];
	[sflag:s6] =	ssyncadd.s32 $0xFFFFFF80  }
0xff: {  	[tilespmem:s0], [sflag:$0x1] =	stream.indirect.gather [hbm4b:s10+s7], $0x10, s31, s7, $0xb8;
	[tilespmem:$0xD080] =	vst v63  }
0x100: {  	_ =	swait.ge [sflag:s4], $0x800  }
0x101: {  	p0 =	sne.s32 s5, $0x1;
	[sflag:s4] =	ssyncset.done $0x0  }
.Ltmp0:
0x102: {  	s11 =	rddreg [dreg:$0x8];
	[sflag:s4] =	ssyncadd.s32 $0xFFFFF800;
	(pc) =	sbr.rel @p0 .LBB2_1-.Ltmp0, $4  }
0x103: {  	[hbm4b:s11+s2] =	stream.linear.scatter [tilespmem:s0], [sflag:$0x2], $0x800, $0x38;
	[tilespmem:$0xD080] =	vst v63  }
0x104: {  	_ =	swait.ge [sflag:s6], $0x800  }
0x105: {  	[sflag:s6] =	ssyncset.done $0x0  }
0x106: {  	s5 =	sadd.s32 $0xFFFFFFFF, s5;
	[sflag:s6] =	ssyncadd.s32 $0xFFFFF800  }
0x107: {  	_ =	sfence.sel $0x180000  }
0x108: {  	[bflag:$0x0] =	sbarrier.arrive $0xFFFF  }
0x109: {  	_ =	strace $0x90000047  }
0x10a: {  	s0 =	stileid.u32;
	[bflag:$0x2] =	sbarrier.arrive $0xFFFF  }
0x10b: {  	p0 =	sne.s32 s0, $0x0;
	s0 =	rddreg [dreg:$0x3]  }
0x10c: {  	s0 =	sadd.s32 @!p0 $0x100000, s0  }
0x10d: {  	[sflag:s0] =	ssyncadd.tile.s32 @!p0 $0x1;
	_ =	shalt  }
.Lfunc_end2:
_tile_overlayer_lowered:
.L_overlay_start_2:
0x10e: {  	(tag) =	ssettag $0x2  }
0x10f: {  	s0 =	rddreg [dreg:$0x0];
	s2 =	stileid.u32  }
0x110: {  	s1 =	rddreg [dreg:$0x1];
	p0 =	sne.s32 s2, $0x0  }
0x111: {  	s3 =	rddreg [dreg:$0x2];
	[bflag:$0x3] =	sbarrier.arrive $0xFFFF;
	s2 =	simm.s32 @!p0 $0x1C02  }
0x112: {  	[timem:s3], [sflag:s2] =	dma.local @!p0 [hbm:s0], s1  }
0x113: {  	s0 =	simm.s32 @!p0 $0x2  }
0x114: {  	_ =	swait.ge @!p0 [sflag:s0], s1  }
0x115: {  	s1 =	ssub.s32 @!p0 $0x0, s1;
	[sflag:s0] =	ssyncset.done @!p0 $0x0  }
0x116: {  	[sflag:s0] =	ssyncadd.s32 @!p0 s1  }
0x117: {  	[bflag:$0x3] =	sbarrier.arrive $0xFFFF  }
0x118: {  	_ =	shalt  }

</sc_bundles>
